<compile_context>
chip_gen: v7x
topology: tpu7x:2x2x1
jax: 0.10.2.dev20260603
libtpu: 0.0.44.dev20260713+nightly
codegen_flags: <defaults>
</compile_context>

<pallas_src>
import functools

import jax
import jax.numpy as jnp
from jax import lax
from jax.experimental import pallas as pl
from jax.experimental.pallas import tpu as pltpu
from jax.experimental.pallas import tpu_sc as plsc

B = 128
N = 4096
NV = N // 16
R = 4
NPASS = 4


def _sc_body(x_hbm, recip_hbm, xf, keyA, keyB, valB, recipv,
             h0, h1, h2, h3, o0, o1, o2, o3, dsem):
    c = lax.axis_index("c")
    s = lax.axis_index("s")
    w = s * 2 + c
    iota = lax.iota(jnp.int32, 16)
    u255 = jnp.uint32(255)
    ones = jnp.full((16,), 1, jnp.int32)
    hists = [h0, h1, h2, h3]
    offss = [o0, o1, o2, o3]

    cps = [pltpu.async_copy(x_hbm.at[w * R + r], xf.at[pl.ds(r * N, N)], dsem)
           for r in range(R)]

    def _zero(i, _):
        z = jnp.zeros((16,), jnp.int32)
        for r in range(R):
            hists[r][pl.ds(i * 16, 16)] = z
        return 0

    lax.fori_loop(0, NPASS * 16, _zero, 0)
    for cp in cps:
        cp.wait()

    x0 = tuple(xf[pl.ds(r * N, 16)] for r in range(R))

    def _mkkey(i, xs):
        keys = []
        for r in range(R):
            b = plsc.bitcast(xs[r] + 0.0, jnp.uint32)
            neg = b >= jnp.uint32(0x80000000)
            keys.append(jnp.where(neg, b, ~b & jnp.uint32(0x7FFFFFFF)))
        dig = [[plsc.bitcast((keys[r] >> jnp.uint32(8 * p)) & u255, jnp.int32)
                for p in range(NPASS)] for r in range(R)]
        nxt = jnp.minimum(i + 1, NV - 1) * 16
        xn = tuple(xf[pl.ds(r * N + nxt, 16)] for r in range(R))
        for r in range(R):
            keyA[pl.ds(r * N + i * 16, 16)] = plsc.bitcast(keys[r], jnp.int32)
        for r in range(R):
            for p in range(NPASS):
                plsc.addupdate_scatter(hists[r], [dig[r][p] + (p * 256)], ones)
        return xn

    lax.fori_loop(0, NV, _mkkey, x0)

    bufs = [(keyA, None), (keyB, valB)]
    for p in range(NPASS):
        src_k, src_v = bufs[p % 2]
        dst_k, dst_v = bufs[(p + 1) % 2]
        last_pass = p == NPASS - 1

        def _offsets(t, carries, p=p, last_pass=last_pass):
            new = []
            for r in range(R):
                h = hists[r][pl.ds(p * 256 + t * 16, 16)]
                cs = plsc.cumsum(h)
                shift = carries[r] if last_pass else carries[r] - 1 + r * N
                offss[r][pl.ds(t * 16, 16)] = cs - h + shift
                new.append(carries[r] + jnp.sum(h))
            return tuple(new)

        z = jnp.int32(0)
        lax.fori_loop(0, 16, _offsets, (z, z, z, z))

        k0 = tuple(src_k[pl.ds(r * N, 16)] for r in range(R))
        if p == 1:
            v0 = tuple(src_v[pl.ds(r * N, 16)] for r in range(R))

        if p == 0:
            def _permute(i, carry, dst_k=dst_k, dst_v=dst_v, src_k=src_k):
                ks = carry
                vv = i * 16 + iota
                ds = [plsc.bitcast(
                    plsc.bitcast(ks[r], jnp.uint32) & u255, jnp.int32)
                    for r in range(R)]
                sc = [plsc.scan_count(ds[r]) for r in range(R)]
                bs = [plsc.load_gather(offss[r], [ds[r]]) for r in range(R)]
                poss = [bs[r] + sc[r][0] for r in range(R)]
                nxt = jnp.minimum(i + 1, NV - 1) * 16
                kn = tuple(src_k[pl.ds(r * N + nxt, 16)] for r in range(R))
                for r in range(R):
                    plsc.store_scatter(dst_k, [poss[r]], ks[r])
                    plsc.store_scatter(dst_v, [poss[r]], vv)
                for r in range(R):
                    plsc.addupdate_scatter(
                        offss[r], [ds[r]], sc[r][0], mask=sc[r][1])
                return kn

            lax.fori_loop(0, NV, _permute, k0)
        elif p == 1:
            def _permute(i, carry, src_k=src_k, src_v=src_v, dst_k=dst_k):
                ks, vs = carry
                ds = [plsc.bitcast(
                    (plsc.bitcast(ks[r], jnp.uint32) >> jnp.uint32(8)) & u255,
                    jnp.int32) for r in range(R)]
                pks = [((ks[r] >> 4) & 0x0FFFF000) | vs[r] for r in range(R)]
                sc = [plsc.scan_count(ds[r]) for r in range(R)]
                bs = [plsc.load_gather(offss[r], [ds[r]]) for r in range(R)]
                poss = [bs[r] + sc[r][0] for r in range(R)]
                nxt = jnp.minimum(i + 1, NV - 1) * 16
                kn = tuple(src_k[pl.ds(r * N + nxt, 16)] for r in range(R))
                vn = tuple(src_v[pl.ds(r * N + nxt, 16)] for r in range(R))
                for r in range(R):
                    plsc.store_scatter(dst_k, [poss[r]], pks[r])
                for r in range(R):
                    plsc.addupdate_scatter(
                        offss[r], [ds[r]], sc[r][0], mask=sc[r][1])
                return (kn, vn)

            lax.fori_loop(0, NV, _permute, (k0, v0))
        elif p == 2:
            def _permute(i, carry, src_k=src_k, dst_k=dst_k):
                ks = carry
                ds = [(ks[r] >> 12) & 255 for r in range(R)]
                sc = [plsc.scan_count(ds[r]) for r in range(R)]
                bs = [plsc.load_gather(offss[r], [ds[r]]) for r in range(R)]
                poss = [bs[r] + sc[r][0] for r in range(R)]
                nxt = jnp.minimum(i + 1, NV - 1) * 16
                kn = tuple(src_k[pl.ds(r * N + nxt, 16)] for r in range(R))
                for r in range(R):
                    plsc.store_scatter(dst_k, [poss[r]], ks[r])
                for r in range(R):
                    plsc.addupdate_scatter(
                        offss[r], [ds[r]], sc[r][0], mask=sc[r][1])
                return kn

            lax.fori_loop(0, NV, _permute, k0)
        else:
            def _permute(i, carry, src_k=src_k):
                ks = carry
                ds = [(ks[r] >> 20) & 255 for r in range(R)]
                vs = [ks[r] & 0xFFF for r in range(R)]
                sc = [plsc.scan_count(ds[r]) for r in range(R)]
                bs = [plsc.load_gather(offss[r], [ds[r]]) for r in range(R)]
                rec = [1.0 / (bs[r] + sc[r][0]).astype(jnp.float32)
                       for r in range(R)]
                nxt = jnp.minimum(i + 1, NV - 1) * 16
                kn = tuple(src_k[pl.ds(r * N + nxt, 16)] for r in range(R))
                for r in range(R):
                    plsc.store_scatter(recipv, [vs[r] + (r * N)], rec[r])
                for r in range(R):
                    plsc.addupdate_scatter(
                        offss[r], [ds[r]], sc[r][0], mask=sc[r][1])
                return kn

            lax.fori_loop(0, NV, _permute, k0)

    cps = [pltpu.async_copy(recipv.at[pl.ds(r * N, N)], recip_hbm.at[w * R + r],
                            dsem) for r in range(R)]
    for cp in cps:
        cp.wait()


_sc_rank = functools.partial(
    pl.kernel,
    out_type=jax.ShapeDtypeStruct((B, N), jnp.float32),
    mesh=plsc.VectorSubcoreMesh(core_axis_name="c", subcore_axis_name="s"),
    compiler_params=pltpu.CompilerParams(needs_layout_passes=False),
    scratch_types=[
        pltpu.VMEM((R * N,), jnp.float32),
        pltpu.VMEM((R * N,), jnp.int32),
        pltpu.VMEM((R * N,), jnp.int32),
        pltpu.VMEM((R * N,), jnp.int32),
        pltpu.VMEM((R * N,), jnp.float32),
    ] + [pltpu.VMEM((NPASS * 256,), jnp.int32)] * R
      + [pltpu.VMEM((256,), jnp.int32)] * R
      + [pltpu.SemaphoreType.DMA],
)(_sc_body)


def _tc_sig(c_ref, sig_ref, loss_ref):
    cmb = c_ref[...]
    c0 = cmb[:, 0:1]
    exped = jnp.exp(c0 - cmb)
    sig_ref[...] = (1.0 / (1.0 + exped)) * (1.0 / B)
    e = jnp.exp(cmb - c0)
    wrong = jnp.sum(e, axis=1) - 1.0
    loss_ref[0, 0] = jnp.sum(jnp.log1p(wrong)) * (1.0 / B)


def _tc_final(sig_ref, r_ref, lambs_ref):
    rec = r_ref[...]
    r0 = rec[:, 0:1]
    wgt = sig_ref[...] * jnp.abs(r0 - rec)
    sw = jnp.sum(wgt, axis=1, keepdims=True)
    lambs_ref[...] = wgt
    lambs_ref[:, 0:1] = -sw


def kernel(combined, negative_samples, batch_negative_samples):
    del negative_samples, batch_negative_samples
    recip = _sc_rank(combined)
    sig, loss = pl.pallas_call(
        _tc_sig,
        out_shape=[
            jax.ShapeDtypeStruct((B, N), jnp.float32),
            jax.ShapeDtypeStruct((1, 1), jnp.float32),
        ],
        out_specs=[
            pl.BlockSpec(memory_space=pltpu.VMEM),
            pl.BlockSpec(memory_space=pltpu.SMEM),
        ],
        in_specs=[pl.BlockSpec(memory_space=pltpu.VMEM)],
    )(combined)
    lambs = pl.pallas_call(
        _tc_final,
        out_shape=jax.ShapeDtypeStruct((B, N), jnp.float32),
        out_specs=pl.BlockSpec(memory_space=pltpu.VMEM),
        in_specs=[
            pl.BlockSpec(memory_space=pltpu.VMEM),
            pl.BlockSpec(memory_space=pltpu.VMEM),
        ],
    )(sig, recip)
    return lambs, loss[0, 0]

# --- scband reference (transcript-rebuilt; emitter-appended) ---
"""Pipeline reference for scband-n-pair-loss-78984448573913 (READ-ONLY COPY).

The authoritative reference and input builder live on the scoring server;
editing this copy changes nothing except your own understanding.
"""

import jax, jax.numpy as jnp
import numpy as np

BATCH = 128
TOTAL_ANS = 4096
NEG = 2048
BATCH_NEG = 2047


def setup_inputs(seed: int = 0) -> dict:
    key = jax.random.key(seed)
    combined = jax.random.normal(key, (BATCH, TOTAL_ANS), dtype=jnp.float32)
    return {
        "combined": combined,
        "negative_samples": NEG,
        "batch_negative_samples": BATCH_NEG,
    }


def reference(combined, negative_samples, batch_negative_samples):
    batch_size, total_ans = combined.shape
    # descending sort indices (sorted_score unused beyond idx)
    sorted_idx = jnp.argsort(-combined, axis=1)
    assignment = jnp.broadcast_to(jnp.arange(total_ans, dtype=jnp.int32)[None, :], (batch_size, total_ans))
    row_idx = jnp.broadcast_to(jnp.arange(batch_size, dtype=jnp.int32)[:, None], (batch_size, total_ans))
    # rank.put_(flattened_idx, 1 + assignment): scatter-overwrite rank positions
    rank = jnp.zeros((batch_size, total_ans), dtype=jnp.int32).at[row_idx, sorted_idx].set(1 + assignment)
    score_diff = combined[:, :1] - combined[:, 1:].reshape(batch_size, total_ans - 1)
    exped = jnp.exp(score_diff)
    mrr_dif = 1.0 / rank[:, :1].astype(jnp.float32) - 1.0 / rank[:, 1:].reshape(batch_size, total_ans - 1).astype(jnp.float32)
    lamb_updates = -1.0 / (1.0 + exped) * jnp.abs(mrr_dif)
    lambs1 = jnp.sum(lamb_updates, axis=1, keepdims=True)
    lambs_rest = -1.0 * lamb_updates
    lambs = jnp.concatenate((lambs1, lambs_rest), axis=1)
    lambs = lambs / batch_size
    right_dis = combined[:, :1]
    wrong_dis = combined[:, 1:NEG + 1]
    batch_wrong_dis = jax.lax.dynamic_slice(
        combined, (0, negative_samples + 1), (batch_size, total_ans - NEG - 1)
    )
    wrong_score = (jnp.sum(jnp.exp(wrong_dis - jnp.broadcast_to(right_dis, wrong_dis.shape)), axis=1)
                   + jnp.sum(jnp.exp(batch_wrong_dis - jnp.broadcast_to(right_dis, batch_wrong_dis.shape)), axis=1))
    loss_dis = jnp.sum(jnp.log(wrong_score + 1.0))
    loss = loss_dis / batch_size
    return (lambs, loss)

if __name__ == "__main__":
    import jax
    _d = setup_inputs()
    print(jax.jit(kernel)(*tuple(_d.values())))

</pallas_src>

<mosaic_0001>
#map = affine_map<(d0, d1) -> (0, 0)>
module attributes {stable_mosaic.version = 14 : i64} {
  func.func @_sc_body(%arg0: i32, %arg1: i32, %arg2: memref<128x4096xf32, #tpu.memory_space<hbm>>, %arg3: memref<128x4096xf32, #tpu.memory_space<hbm>>, %arg4: memref<16384xf32, #tpu.memory_space<vmem>>, %arg5: memref<16384xi32, #tpu.memory_space<vmem>>, %arg6: memref<16384xi32, #tpu.memory_space<vmem>>, %arg7: memref<16384xi32, #tpu.memory_space<vmem>>, %arg8: memref<16384xf32, #tpu.memory_space<vmem>>, %arg9: memref<1024xi32, #tpu.memory_space<vmem>>, %arg10: memref<1024xi32, #tpu.memory_space<vmem>>, %arg11: memref<1024xi32, #tpu.memory_space<vmem>>, %arg12: memref<1024xi32, #tpu.memory_space<vmem>>, %arg13: memref<256xi32, #tpu.memory_space<vmem>>, %arg14: memref<256xi32, #tpu.memory_space<vmem>>, %arg15: memref<256xi32, #tpu.memory_space<vmem>>, %arg16: memref<256xi32, #tpu.memory_space<vmem>>, %arg17: memref<!tpu.dma_semaphore, #tpu.memory_space<semaphore_mem>>) attributes {dimension_semantics = [#tpu.dimension_semantics<core_parallel>, #tpu.dimension_semantics<subcore_parallel>], iteration_bounds = array<i64: 2, 16>, scalar_prefetch = 0 : i64, scratch_operands = 14 : i64, tpu.core_type = #tpu.core_type<sc_vector_subcore>, window_params = [{transform_indices = #map}, {transform_indices = #map}]} {
    %mul3A = arith.constant 2 : i32
    %mul3A_0 = arith.muli %arg1, %mul3A : i32
    %add3A = arith.addi %mul3A_0, %arg0 : i32
    %iota3A = tpu.iota {dimensions = array<i32: 0>} : vector<16xi32>
    %broadcast_in_dim3A = arith.constant 1 : i32
    %broadcast_in_dim3A_1 = vector.broadcast %broadcast_in_dim3A : i32 to vector<16xi32>
    %mul3A_2 = arith.constant 4 : i32
    %mul3A_3 = arith.muli %add3A, %mul3A_2 : i32
    %add3A_4 = arith.constant 0 : i32
    %add3A_5 = arith.addi %mul3A_3, %add3A_4 : i32
    %dma_start3A = arith.constant 0 : i32
    %dma_start3A_6 = tpu.memref_slice %arg4[%dma_start3A] : memref<16384xf32, #tpu.memory_space<vmem>> -> memref<4096xf32, #tpu.memory_space<vmem>>
    %dma_start3A_7 = arith.constant 0 : i32
    %dma_start3A_8 = tpu.memref_slice %arg2[%add3A_5, %dma_start3A_7] : memref<128x4096xf32, #tpu.memory_space<hbm>> -> memref<1x4096xf32, #tpu.memory_space<hbm>>
    %dma_start3A_9 = tpu.memref_squeeze %dma_start3A_8 : memref<1x4096xf32, #tpu.memory_space<hbm>> -> memref<4096xf32, #tpu.memory_space<hbm>>
    %dma_start3A_10 = arith.constant 0 : i32
    %dma_start3A_11 = tpu.memref_slice %arg4[%dma_start3A_10] : memref<16384xf32, #tpu.memory_space<vmem>> -> memref<4096xf32, #tpu.memory_space<vmem>>
    %dma_start3A_12 = arith.constant 0 : i32
    %dma_start3A_13 = tpu.memref_slice %arg2[%add3A_5, %dma_start3A_12] : memref<128x4096xf32, #tpu.memory_space<hbm>> -> memref<1x4096xf32, #tpu.memory_space<hbm>>
    %dma_start3A_14 = tpu.memref_squeeze %dma_start3A_13 : memref<1x4096xf32, #tpu.memory_space<hbm>> -> memref<4096xf32, #tpu.memory_space<hbm>>
    tpu.enqueue_dma source(%dma_start3A_14 : memref<4096xf32, #tpu.memory_space<hbm>>) target(%dma_start3A_11 : memref<4096xf32, #tpu.memory_space<vmem>>) target_semaphore(%arg17 : memref<!tpu.dma_semaphore, #tpu.memory_space<semaphore_mem>>)
    %mul3A_15 = arith.constant 4 : i32
    %mul3A_16 = arith.muli %add3A, %mul3A_15 : i32
    %add3A_17 = arith.constant 1 : i32
    %add3A_18 = arith.addi %mul3A_16, %add3A_17 : i32
    %dma_start3A_19 = arith.constant 4096 : i32
    %dma_start3A_20 = tpu.memref_slice %arg4[%dma_start3A_19] : memref<16384xf32, #tpu.memory_space<vmem>> -> memref<4096xf32, #tpu.memory_space<vmem>>
    %dma_start3A_21 = arith.constant 0 : i32
    %dma_start3A_22 = tpu.memref_slice %arg2[%add3A_18, %dma_start3A_21] : memref<128x4096xf32, #tpu.memory_space<hbm>> -> memref<1x4096xf32, #tpu.memory_space<hbm>>
    %dma_start3A_23 = tpu.memref_squeeze %dma_start3A_22 : memref<1x4096xf32, #tpu.memory_space<hbm>> -> memref<4096xf32, #tpu.memory_space<hbm>>
    %dma_start3A_24 = arith.constant 4096 : i32
    %dma_start3A_25 = tpu.memref_slice %arg4[%dma_start3A_24] : memref<16384xf32, #tpu.memory_space<vmem>> -> memref<4096xf32, #tpu.memory_space<vmem>>
    %dma_start3A_26 = arith.constant 0 : i32
    %dma_start3A_27 = tpu.memref_slice %arg2[%add3A_18, %dma_start3A_26] : memref<128x4096xf32, #tpu.memory_space<hbm>> -> memref<1x4096xf32, #tpu.memory_space<hbm>>
    %dma_start3A_28 = tpu.memref_squeeze %dma_start3A_27 : memref<1x4096xf32, #tpu.memory_space<hbm>> -> memref<4096xf32, #tpu.memory_space<hbm>>
    tpu.enqueue_dma source(%dma_start3A_28 : memref<4096xf32, #tpu.memory_space<hbm>>) target(%dma_start3A_25 : memref<4096xf32, #tpu.memory_space<vmem>>) target_semaphore(%arg17 : memref<!tpu.dma_semaphore, #tpu.memory_space<semaphore_mem>>)
    %mul3A_29 = arith.constant 4 : i32
    %mul3A_30 = arith.muli %add3A, %mul3A_29 : i32
    %add3A_31 = arith.constant 2 : i32
    %add3A_32 = arith.addi %mul3A_30, %add3A_31 : i32
    %dma_start3A_33 = arith.constant 8192 : i32
    %dma_start3A_34 = tpu.memref_slice %arg4[%dma_start3A_33] : memref<16384xf32, #tpu.memory_space<vmem>> -> memref<4096xf32, #tpu.memory_space<vmem>>
    %dma_start3A_35 = arith.constant 0 : i32
    %dma_start3A_36 = tpu.memref_slice %arg2[%add3A_32, %dma_start3A_35] : memref<128x4096xf32, #tpu.memory_space<hbm>> -> memref<1x4096xf32, #tpu.memory_space<hbm>>
    %dma_start3A_37 = tpu.memref_squeeze %dma_start3A_36 : memref<1x4096xf32, #tpu.memory_space<hbm>> -> memref<4096xf32, #tpu.memory_space<hbm>>
    %dma_start3A_38 = arith.constant 8192 : i32
    %dma_start3A_39 = tpu.memref_slice %arg4[%dma_start3A_38] : memref<16384xf32, #tpu.memory_space<vmem>> -> memref<4096xf32, #tpu.memory_space<vmem>>
    %dma_start3A_40 = arith.constant 0 : i32
    %dma_start3A_41 = tpu.memref_slice %arg2[%add3A_32, %dma_start3A_40] : memref<128x4096xf32, #tpu.memory_space<hbm>> -> memref<1x4096xf32, #tpu.memory_space<hbm>>
    %dma_start3A_42 = tpu.memref_squeeze %dma_start3A_41 : memref<1x4096xf32, #tpu.memory_space<hbm>> -> memref<4096xf32, #tpu.memory_space<hbm>>
    tpu.enqueue_dma source(%dma_start3A_42 : memref<4096xf32, #tpu.memory_space<hbm>>) target(%dma_start3A_39 : memref<4096xf32, #tpu.memory_space<vmem>>) target_semaphore(%arg17 : memref<!tpu.dma_semaphore, #tpu.memory_space<semaphore_mem>>)
    %mul3A_43 = arith.constant 4 : i32
    %mul3A_44 = arith.muli %add3A, %mul3A_43 : i32
    %add3A_45 = arith.constant 3 : i32
    %add3A_46 = arith.addi %mul3A_44, %add3A_45 : i32
    %dma_start3A_47 = arith.constant 12288 : i32
    %dma_start3A_48 = tpu.memref_slice %arg4[%dma_start3A_47] : memref<16384xf32, #tpu.memory_space<vmem>> -> memref<4096xf32, #tpu.memory_space<vmem>>
    %dma_start3A_49 = arith.constant 0 : i32
    %dma_start3A_50 = tpu.memref_slice %arg2[%add3A_46, %dma_start3A_49] : memref<128x4096xf32, #tpu.memory_space<hbm>> -> memref<1x4096xf32, #tpu.memory_space<hbm>>
    %dma_start3A_51 = tpu.memref_squeeze %dma_start3A_50 : memref<1x4096xf32, #tpu.memory_space<hbm>> -> memref<4096xf32, #tpu.memory_space<hbm>>
    %dma_start3A_52 = arith.constant 12288 : i32
    %dma_start3A_53 = tpu.memref_slice %arg4[%dma_start3A_52] : memref<16384xf32, #tpu.memory_space<vmem>> -> memref<4096xf32, #tpu.memory_space<vmem>>
    %dma_start3A_54 = arith.constant 0 : i32
    %dma_start3A_55 = tpu.memref_slice %arg2[%add3A_46, %dma_start3A_54] : memref<128x4096xf32, #tpu.memory_space<hbm>> -> memref<1x4096xf32, #tpu.memory_space<hbm>>
    %dma_start3A_56 = tpu.memref_squeeze %dma_start3A_55 : memref<1x4096xf32, #tpu.memory_space<hbm>> -> memref<4096xf32, #tpu.memory_space<hbm>>
    tpu.enqueue_dma source(%dma_start3A_56 : memref<4096xf32, #tpu.memory_space<hbm>>) target(%dma_start3A_53 : memref<4096xf32, #tpu.memory_space<vmem>>) target_semaphore(%arg17 : memref<!tpu.dma_semaphore, #tpu.memory_space<semaphore_mem>>)
    %scan3A = arith.constant 0 : i32
    %scan3A_57 = arith.constant 0 : i32
    %scan3A_58 = arith.constant 64 : i32
    %scan3A_59 = arith.addi %scan3A_57, %scan3A_58 : i32
    %scan3A_60 = arith.constant 1 : i32
    %scan3A_61 = scf.for %scan3A_318 = %scan3A_57 to %scan3A_59 step %scan3A_60 iter_args(%scan3A_319 = %scan3A) -> (i32)  : i32 {
      %broadcast_in_dim3A_320 = arith.constant 0 : i32
      %broadcast_in_dim3A_321 = vector.broadcast %broadcast_in_dim3A_320 : i32 to vector<16xi32>
      %mul3A_322 = arith.constant 16 : i32
      %mul3A_323 = arith.muli %scan3A_318, %mul3A_322 : i32
      %swap3A = arith.index_cast %mul3A_323 : i32 to index
      %swap3A_324 = tpu.vector_load %arg9[%swap3A] {strides = array<i32>} : memref<1024xi32, #tpu.memory_space<vmem>>, vector<16xi32>,
      tpu.vector_store %arg9[%swap3A], %broadcast_in_dim3A_321 {strides = array<i32>} : memref<1024xi32, #tpu.memory_space<vmem>>, vector<16xi32>,
      %mul3A_325 = arith.constant 16 : i32
      %mul3A_326 = arith.muli %scan3A_318, %mul3A_325 : i32
      %swap3A_327 = arith.index_cast %mul3A_326 : i32 to index
      %swap3A_328 = tpu.vector_load %arg10[%swap3A_327] {strides = array<i32>} : memref<1024xi32, #tpu.memory_space<vmem>>, vector<16xi32>,
      tpu.vector_store %arg10[%swap3A_327], %broadcast_in_dim3A_321 {strides = array<i32>} : memref<1024xi32, #tpu.memory_space<vmem>>, vector<16xi32>,
      %mul3A_329 = arith.constant 16 : i32
      %mul3A_330 = arith.muli %scan3A_318, %mul3A_329 : i32
      %swap3A_331 = arith.index_cast %mul3A_330 : i32 to index
      %swap3A_332 = tpu.vector_load %arg11[%swap3A_331] {strides = array<i32>} : memref<1024xi32, #tpu.memory_space<vmem>>, vector<16xi32>,
      tpu.vector_store %arg11[%swap3A_331], %broadcast_in_dim3A_321 {strides = array<i32>} : memref<1024xi32, #tpu.memory_space<vmem>>, vector<16xi32>,
      %mul3A_333 = arith.constant 16 : i32
      %mul3A_334 = arith.muli %scan3A_318, %mul3A_333 : i32
      %swap3A_335 = arith.index_cast %mul3A_334 : i32 to index
      %swap3A_336 = tpu.vector_load %arg12[%swap3A_335] {strides = array<i32>} : memref<1024xi32, #tpu.memory_space<vmem>>, vector<16xi32>,
      tpu.vector_store %arg12[%swap3A_335], %broadcast_in_dim3A_321 {strides = array<i32>} : memref<1024xi32, #tpu.memory_space<vmem>>, vector<16xi32>,
      %scan3A_337 = arith.constant 0 : i32
      scf.yield %scan3A_337 : i32
    }
    %scan3A_62 = arith.constant 64 : i32
    %dma_wait3A = arith.constant 0 : i32
    %dma_wait3A_63 = tpu.memref_slice %arg4[%dma_wait3A] : memref<16384xf32, #tpu.memory_space<vmem>> -> memref<4096xf32, #tpu.memory_space<vmem>>
    %dma_wait3A_64 = arith.constant 0 : i32
    %dma_wait3A_65 = tpu.memref_slice %arg2[%add3A_5, %dma_wait3A_64] : memref<128x4096xf32, #tpu.memory_space<hbm>> -> memref<1x4096xf32, #tpu.memory_space<hbm>>
    %dma_wait3A_66 = tpu.memref_squeeze %dma_wait3A_65 : memref<1x4096xf32, #tpu.memory_space<hbm>> -> memref<4096xf32, #tpu.memory_space<hbm>>
    %dma_wait3A_67 = arith.constant 0 : i32
    %dma_wait3A_68 = tpu.memref_slice %arg4[%dma_wait3A_67] : memref<16384xf32, #tpu.memory_space<vmem>> -> memref<4096xf32, #tpu.memory_space<vmem>>
    %dma_wait3A_69 = arith.constant 0 : i32
    %dma_wait3A_70 = tpu.memref_slice %arg2[%add3A_5, %dma_wait3A_69] : memref<128x4096xf32, #tpu.memory_space<hbm>> -> memref<1x4096xf32, #tpu.memory_space<hbm>>
    %dma_wait3A_71 = tpu.memref_squeeze %dma_wait3A_70 : memref<1x4096xf32, #tpu.memory_space<hbm>> -> memref<4096xf32, #tpu.memory_space<hbm>>
    tpu.wait_dma2 semaphore(%arg17 : memref<!tpu.dma_semaphore, #tpu.memory_space<semaphore_mem>>) src(%dma_wait3A_71 : memref<4096xf32, #tpu.memory_space<hbm>>) dst(%dma_wait3A_68 : memref<4096xf32, #tpu.memory_space<vmem>>)
    %dma_wait3A_72 = arith.constant 4096 : i32
    %dma_wait3A_73 = tpu.memref_slice %arg4[%dma_wait3A_72] : memref<16384xf32, #tpu.memory_space<vmem>> -> memref<4096xf32, #tpu.memory_space<vmem>>
    %dma_wait3A_74 = arith.constant 0 : i32
    %dma_wait3A_75 = tpu.memref_slice %arg2[%add3A_18, %dma_wait3A_74] : memref<128x4096xf32, #tpu.memory_space<hbm>> -> memref<1x4096xf32, #tpu.memory_space<hbm>>
    %dma_wait3A_76 = tpu.memref_squeeze %dma_wait3A_75 : memref<1x4096xf32, #tpu.memory_space<hbm>> -> memref<4096xf32, #tpu.memory_space<hbm>>
    %dma_wait3A_77 = arith.constant 4096 : i32
    %dma_wait3A_78 = tpu.memref_slice %arg4[%dma_wait3A_77] : memref<16384xf32, #tpu.memory_space<vmem>> -> memref<4096xf32, #tpu.memory_space<vmem>>
    %dma_wait3A_79 = arith.constant 0 : i32
    %dma_wait3A_80 = tpu.memref_slice %arg2[%add3A_18, %dma_wait3A_79] : memref<128x4096xf32, #tpu.memory_space<hbm>> -> memref<1x4096xf32, #tpu.memory_space<hbm>>
    %dma_wait3A_81 = tpu.memref_squeeze %dma_wait3A_80 : memref<1x4096xf32, #tpu.memory_space<hbm>> -> memref<4096xf32, #tpu.memory_space<hbm>>
    tpu.wait_dma2 semaphore(%arg17 : memref<!tpu.dma_semaphore, #tpu.memory_space<semaphore_mem>>) src(%dma_wait3A_81 : memref<4096xf32, #tpu.memory_space<hbm>>) dst(%dma_wait3A_78 : memref<4096xf32, #tpu.memory_space<vmem>>)
    %dma_wait3A_82 = arith.constant 8192 : i32
    %dma_wait3A_83 = tpu.memref_slice %arg4[%dma_wait3A_82] : memref<16384xf32, #tpu.memory_space<vmem>> -> memref<4096xf32, #tpu.memory_space<vmem>>
    %dma_wait3A_84 = arith.constant 0 : i32
    %dma_wait3A_85 = tpu.memref_slice %arg2[%add3A_32, %dma_wait3A_84] : memref<128x4096xf32, #tpu.memory_space<hbm>> -> memref<1x4096xf32, #tpu.memory_space<hbm>>
    %dma_wait3A_86 = tpu.memref_squeeze %dma_wait3A_85 : memref<1x4096xf32, #tpu.memory_space<hbm>> -> memref<4096xf32, #tpu.memory_space<hbm>>
    %dma_wait3A_87 = arith.constant 8192 : i32
    %dma_wait3A_88 = tpu.memref_slice %arg4[%dma_wait3A_87] : memref<16384xf32, #tpu.memory_space<vmem>> -> memref<4096xf32, #tpu.memory_space<vmem>>
    %dma_wait3A_89 = arith.constant 0 : i32
    %dma_wait3A_90 = tpu.memref_slice %arg2[%add3A_32, %dma_wait3A_89] : memref<128x4096xf32, #tpu.memory_space<hbm>> -> memref<1x4096xf32, #tpu.memory_space<hbm>>
    %dma_wait3A_91 = tpu.memref_squeeze %dma_wait3A_90 : memref<1x4096xf32, #tpu.memory_space<hbm>> -> memref<4096xf32, #tpu.memory_space<hbm>>
    tpu.wait_dma2 semaphore(%arg17 : memref<!tpu.dma_semaphore, #tpu.memory_space<semaphore_mem>>) src(%dma_wait3A_91 : memref<4096xf32, #tpu.memory_space<hbm>>) dst(%dma_wait3A_88 : memref<4096xf32, #tpu.memory_space<vmem>>)
    %dma_wait3A_92 = arith.constant 12288 : i32
    %dma_wait3A_93 = tpu.memref_slice %arg4[%dma_wait3A_92] : memref<16384xf32, #tpu.memory_space<vmem>> -> memref<4096xf32, #tpu.memory_space<vmem>>
    %dma_wait3A_94 = arith.constant 0 : i32
    %dma_wait3A_95 = tpu.memref_slice %arg2[%add3A_46, %dma_wait3A_94] : memref<128x4096xf32, #tpu.memory_space<hbm>> -> memref<1x4096xf32, #tpu.memory_space<hbm>>
    %dma_wait3A_96 = tpu.memref_squeeze %dma_wait3A_95 : memref<1x4096xf32, #tpu.memory_space<hbm>> -> memref<4096xf32, #tpu.memory_space<hbm>>
    %dma_wait3A_97 = arith.constant 12288 : i32
    %dma_wait3A_98 = tpu.memref_slice %arg4[%dma_wait3A_97] : memref<16384xf32, #tpu.memory_space<vmem>> -> memref<4096xf32, #tpu.memory_space<vmem>>
    %dma_wait3A_99 = arith.constant 0 : i32
    %dma_wait3A_100 = tpu.memref_slice %arg2[%add3A_46, %dma_wait3A_99] : memref<128x4096xf32, #tpu.memory_space<hbm>> -> memref<1x4096xf32, #tpu.memory_space<hbm>>
    %dma_wait3A_101 = tpu.memref_squeeze %dma_wait3A_100 : memref<1x4096xf32, #tpu.memory_space<hbm>> -> memref<4096xf32, #tpu.memory_space<hbm>>
    tpu.wait_dma2 semaphore(%arg17 : memref<!tpu.dma_semaphore, #tpu.memory_space<semaphore_mem>>) src(%dma_wait3A_101 : memref<4096xf32, #tpu.memory_space<hbm>>) dst(%dma_wait3A_98 : memref<4096xf32, #tpu.memory_space<vmem>>)
    %get3A = arith.constant 0 : index
    %get3A_102 = tpu.vector_load %arg4[%get3A] {strides = array<i32>} : memref<16384xf32, #tpu.memory_space<vmem>>, vector<16xf32>,
    %get3A_103 = arith.constant 4096 : index
    %get3A_104 = tpu.vector_load %arg4[%get3A_103] {strides = array<i32>} : memref<16384xf32, #tpu.memory_space<vmem>>, vector<16xf32>,
    %get3A_105 = arith.constant 8192 : index
    %get3A_106 = tpu.vector_load %arg4[%get3A_105] {strides = array<i32>} : memref<16384xf32, #tpu.memory_space<vmem>>, vector<16xf32>,
    %get3A_107 = arith.constant 12288 : index
    %get3A_108 = tpu.vector_load %arg4[%get3A_107] {strides = array<i32>} : memref<16384xf32, #tpu.memory_space<vmem>>, vector<16xf32>,
    %scan3A_109 = arith.constant 255 : i32
    %scan3A_110 = arith.constant 0 : i32
    %scan3A_111 = arith.constant 256 : i32
    %scan3A_112 = arith.addi %scan3A_110, %scan3A_111 : i32
    %scan3A_113 = arith.constant 1 : i32
    %scan3A_114:4 = scf.for %scan3A_318 = %scan3A_110 to %scan3A_112 step %scan3A_113 iter_args(%scan3A_319 = %get3A_102, %scan3A_320 = %get3A_104, %scan3A_321 = %get3A_106, %scan3A_322 = %get3A_108) -> (vector<16xf32>, vector<16xf32>, vector<16xf32>, vector<16xf32>)  : i32 {
      %add3A_323 = arith.constant 0.000000e+00 : f32
      %add3A_324 = vector.broadcast %add3A_323 : f32 to vector<16xf32>
      %add3A_325 = arith.addf %scan3A_319, %add3A_324 : vector<16xf32>
      %bitcast3A = vector.bitcast %add3A_325 : vector<16xf32> to vector<16xi32>
      %ge3A = arith.constant -2147483648 : i32
      %ge3A_326 = vector.broadcast %ge3A : i32 to vector<16xi32>
      %ge3A_327 = arith.cmpi uge, %bitcast3A, %ge3A_326 : vector<16xi32>
      %not3A = arith.constant dense<-1> : vector<16xi32>
      %not3A_328 = arith.xori %bitcast3A, %not3A : vector<16xi32>
      %and3A = arith.constant 2147483647 : i32
      %and3A_329 = vector.broadcast %and3A : i32 to vector<16xi32>
      %and3A_330 = arith.andi %not3A_328, %and3A_329 : vector<16xi32>
      %select_n3A = arith.select %ge3A_327, %bitcast3A, %and3A_330 : vector<16xi1>, vector<16xi32>
      %add3A_331 = arith.constant 0.000000e+00 : f32
      %add3A_332 = vector.broadcast %add3A_331 : f32 to vector<16xf32>
      %add3A_333 = arith.addf %scan3A_320, %add3A_332 : vector<16xf32>
      %bitcast3A_334 = vector.bitcast %add3A_333 : vector<16xf32> to vector<16xi32>
      %ge3A_335 = arith.constant -2147483648 : i32
      %ge3A_336 = vector.broadcast %ge3A_335 : i32 to vector<16xi32>
      %ge3A_337 = arith.cmpi uge, %bitcast3A_334, %ge3A_336 : vector<16xi32>
      %not3A_338 = arith.constant dense<-1> : vector<16xi32>
      %not3A_339 = arith.xori %bitcast3A_334, %not3A_338 : vector<16xi32>
      %and3A_340 = arith.constant 2147483647 : i32
      %and3A_341 = vector.broadcast %and3A_340 : i32 to vector<16xi32>
      %and3A_342 = arith.andi %not3A_339, %and3A_341 : vector<16xi32>
      %select_n3A_343 = arith.select %ge3A_337, %bitcast3A_334, %and3A_342 : vector<16xi1>, vector<16xi32>
      %add3A_344 = arith.constant 0.000000e+00 : f32
      %add3A_345 = vector.broadcast %add3A_344 : f32 to vector<16xf32>
      %add3A_346 = arith.addf %scan3A_321, %add3A_345 : vector<16xf32>
      %bitcast3A_347 = vector.bitcast %add3A_346 : vector<16xf32> to vector<16xi32>
      %ge3A_348 = arith.constant -2147483648 : i32
      %ge3A_349 = vector.broadcast %ge3A_348 : i32 to vector<16xi32>
      %ge3A_350 = arith.cmpi uge, %bitcast3A_347, %ge3A_349 : vector<16xi32>
      %not3A_351 = arith.constant dense<-1> : vector<16xi32>
      %not3A_352 = arith.xori %bitcast3A_347, %not3A_351 : vector<16xi32>
      %and3A_353 = arith.constant 2147483647 : i32
      %and3A_354 = vector.broadcast %and3A_353 : i32 to vector<16xi32>
      %and3A_355 = arith.andi %not3A_352, %and3A_354 : vector<16xi32>
      %select_n3A_356 = arith.select %ge3A_350, %bitcast3A_347, %and3A_355 : vector<16xi1>, vector<16xi32>
      %add3A_357 = arith.constant 0.000000e+00 : f32
      %add3A_358 = vector.broadcast %add3A_357 : f32 to vector<16xf32>
      %add3A_359 = arith.addf %scan3A_322, %add3A_358 : vector<16xf32>
      %bitcast3A_360 = vector.bitcast %add3A_359 : vector<16xf32> to vector<16xi32>
      %ge3A_361 = arith.constant -2147483648 : i32
      %ge3A_362 = vector.broadcast %ge3A_361 : i32 to vector<16xi32>
      %ge3A_363 = arith.cmpi uge, %bitcast3A_360, %ge3A_362 : vector<16xi32>
      %not3A_364 = arith.constant dense<-1> : vector<16xi32>
      %not3A_365 = arith.xori %bitcast3A_360, %not3A_364 : vector<16xi32>
      %and3A_366 = arith.constant 2147483647 : i32
      %and3A_367 = vector.broadcast %and3A_366 : i32 to vector<16xi32>
      %and3A_368 = arith.andi %not3A_365, %and3A_367 : vector<16xi32>
      %select_n3A_369 = arith.select %ge3A_363, %bitcast3A_360, %and3A_368 : vector<16xi1>, vector<16xi32>
      %shift_right_logical3A = arith.constant 0 : i32
      %shift_right_logical3A_370 = vector.broadcast %shift_right_logical3A : i32 to vector<16xi32>
      %shift_right_logical3A_371 = arith.shrui %select_n3A, %shift_right_logical3A_370 : vector<16xi32>
      %and3A_372 = vector.broadcast %scan3A_109 : i32 to vector<16xi32>
      %and3A_373 = arith.andi %shift_right_logical3A_371, %and3A_372 : vector<16xi32>
      %bitcast3A_374 = vector.bitcast %and3A_373 : vector<16xi32> to vector<16xi32>
      %shift_right_logical3A_375 = arith.constant 8 : i32
      %shift_right_logical3A_376 = vector.broadcast %shift_right_logical3A_375 : i32 to vector<16xi32>
      %shift_right_logical3A_377 = arith.shrui %select_n3A, %shift_right_logical3A_376 : vector<16xi32>
      %and3A_378 = vector.broadcast %scan3A_109 : i32 to vector<16xi32>
      %and3A_379 = arith.andi %shift_right_logical3A_377, %and3A_378 : vector<16xi32>
      %bitcast3A_380 = vector.bitcast %and3A_379 : vector<16xi32> to vector<16xi32>
      %shift_right_logical3A_381 = arith.constant 16 : i32
      %shift_right_logical3A_382 = vector.broadcast %shift_right_logical3A_381 : i32 to vector<16xi32>
      %shift_right_logical3A_383 = arith.shrui %select_n3A, %shift_right_logical3A_382 : vector<16xi32>
      %and3A_384 = vector.broadcast %scan3A_109 : i32 to vector<16xi32>
      %and3A_385 = arith.andi %shift_right_logical3A_383, %and3A_384 : vector<16xi32>
      %bitcast3A_386 = vector.bitcast %and3A_385 : vector<16xi32> to vector<16xi32>
      %shift_right_logical3A_387 = arith.constant 24 : i32
      %shift_right_logical3A_388 = vector.broadcast %shift_right_logical3A_387 : i32 to vector<16xi32>
      %shift_right_logical3A_389 = arith.shrui %select_n3A, %shift_right_logical3A_388 : vector<16xi32>
      %and3A_390 = vector.broadcast %scan3A_109 : i32 to vector<16xi32>
      %and3A_391 = arith.andi %shift_right_logical3A_389, %and3A_390 : vector<16xi32>
      %bitcast3A_392 = vector.bitcast %and3A_391 : vector<16xi32> to vector<16xi32>
      %shift_right_logical3A_393 = arith.constant 0 : i32
      %shift_right_logical3A_394 = vector.broadcast %shift_right_logical3A_393 : i32 to vector<16xi32>
      %shift_right_logical3A_395 = arith.shrui %select_n3A_343, %shift_right_logical3A_394 : vector<16xi32>
      %and3A_396 = vector.broadcast %scan3A_109 : i32 to vector<16xi32>
      %and3A_397 = arith.andi %shift_right_logical3A_395, %and3A_396 : vector<16xi32>
      %bitcast3A_398 = vector.bitcast %and3A_397 : vector<16xi32> to vector<16xi32>
      %shift_right_logical3A_399 = arith.constant 8 : i32
      %shift_right_logical3A_400 = vector.broadcast %shift_right_logical3A_399 : i32 to vector<16xi32>
      %shift_right_logical3A_401 = arith.shrui %select_n3A_343, %shift_right_logical3A_400 : vector<16xi32>
      %and3A_402 = vector.broadcast %scan3A_109 : i32 to vector<16xi32>
      %and3A_403 = arith.andi %shift_right_logical3A_401, %and3A_402 : vector<16xi32>
      %bitcast3A_404 = vector.bitcast %and3A_403 : vector<16xi32> to vector<16xi32>
      %shift_right_logical3A_405 = arith.constant 16 : i32
      %shift_right_logical3A_406 = vector.broadcast %shift_right_logical3A_405 : i32 to vector<16xi32>
      %shift_right_logical3A_407 = arith.shrui %select_n3A_343, %shift_right_logical3A_406 : vector<16xi32>
      %and3A_408 = vector.broadcast %scan3A_109 : i32 to vector<16xi32>
      %and3A_409 = arith.andi %shift_right_logical3A_407, %and3A_408 : vector<16xi32>
      %bitcast3A_410 = vector.bitcast %and3A_409 : vector<16xi32> to vector<16xi32>
      %shift_right_logical3A_411 = arith.constant 24 : i32
      %shift_right_logical3A_412 = vector.broadcast %shift_right_logical3A_411 : i32 to vector<16xi32>
      %shift_right_logical3A_413 = arith.shrui %select_n3A_343, %shift_right_logical3A_412 : vector<16xi32>
      %and3A_414 = vector.broadcast %scan3A_109 : i32 to vector<16xi32>
      %and3A_415 = arith.andi %shift_right_logical3A_413, %and3A_414 : vector<16xi32>
      %bitcast3A_416 = vector.bitcast %and3A_415 : vector<16xi32> to vector<16xi32>
      %shift_right_logical3A_417 = arith.constant 0 : i32
      %shift_right_logical3A_418 = vector.broadcast %shift_right_logical3A_417 : i32 to vector<16xi32>
      %shift_right_logical3A_419 = arith.shrui %select_n3A_356, %shift_right_logical3A_418 : vector<16xi32>
      %and3A_420 = vector.broadcast %scan3A_109 : i32 to vector<16xi32>
      %and3A_421 = arith.andi %shift_right_logical3A_419, %and3A_420 : vector<16xi32>
      %bitcast3A_422 = vector.bitcast %and3A_421 : vector<16xi32> to vector<16xi32>
      %shift_right_logical3A_423 = arith.constant 8 : i32
      %shift_right_logical3A_424 = vector.broadcast %shift_right_logical3A_423 : i32 to vector<16xi32>
      %shift_right_logical3A_425 = arith.shrui %select_n3A_356, %shift_right_logical3A_424 : vector<16xi32>
      %and3A_426 = vector.broadcast %scan3A_109 : i32 to vector<16xi32>
      %and3A_427 = arith.andi %shift_right_logical3A_425, %and3A_426 : vector<16xi32>
      %bitcast3A_428 = vector.bitcast %and3A_427 : vector<16xi32> to vector<16xi32>
      %shift_right_logical3A_429 = arith.constant 16 : i32
      %shift_right_logical3A_430 = vector.broadcast %shift_right_logical3A_429 : i32 to vector<16xi32>
      %shift_right_logical3A_431 = arith.shrui %select_n3A_356, %shift_right_logical3A_430 : vector<16xi32>
      %and3A_432 = vector.broadcast %scan3A_109 : i32 to vector<16xi32>
      %and3A_433 = arith.andi %shift_right_logical3A_431, %and3A_432 : vector<16xi32>
      %bitcast3A_434 = vector.bitcast %and3A_433 : vector<16xi32> to vector<16xi32>
      %shift_right_logical3A_435 = arith.constant 24 : i32
      %shift_right_logical3A_436 = vector.broadcast %shift_right_logical3A_435 : i32 to vector<16xi32>
      %shift_right_logical3A_437 = arith.shrui %select_n3A_356, %shift_right_logical3A_436 : vector<16xi32>
      %and3A_438 = vector.broadcast %scan3A_109 : i32 to vector<16xi32>
      %and3A_439 = arith.andi %shift_right_logical3A_437, %and3A_438 : vector<16xi32>
      %bitcast3A_440 = vector.bitcast %and3A_439 : vector<16xi32> to vector<16xi32>
      %shift_right_logical3A_441 = arith.constant 0 : i32
      %shift_right_logical3A_442 = vector.broadcast %shift_right_logical3A_441 : i32 to vector<16xi32>
      %shift_right_logical3A_443 = arith.shrui %select_n3A_369, %shift_right_logical3A_442 : vector<16xi32>
      %and3A_444 = vector.broadcast %scan3A_109 : i32 to vector<16xi32>
      %and3A_445 = arith.andi %shift_right_logical3A_443, %and3A_444 : vector<16xi32>
      %bitcast3A_446 = vector.bitcast %and3A_445 : vector<16xi32> to vector<16xi32>
      %shift_right_logical3A_447 = arith.constant 8 : i32
      %shift_right_logical3A_448 = vector.broadcast %shift_right_logical3A_447 : i32 to vector<16xi32>
      %shift_right_logical3A_449 = arith.shrui %select_n3A_369, %shift_right_logical3A_448 : vector<16xi32>
      %and3A_450 = vector.broadcast %scan3A_109 : i32 to vector<16xi32>
      %and3A_451 = arith.andi %shift_right_logical3A_449, %and3A_450 : vector<16xi32>
      %bitcast3A_452 = vector.bitcast %and3A_451 : vector<16xi32> to vector<16xi32>
      %shift_right_logical3A_453 = arith.constant 16 : i32
      %shift_right_logical3A_454 = vector.broadcast %shift_right_logical3A_453 : i32 to vector<16xi32>
      %shift_right_logical3A_455 = arith.shrui %select_n3A_369, %shift_right_logical3A_454 : vector<16xi32>
      %and3A_456 = vector.broadcast %scan3A_109 : i32 to vector<16xi32>
      %and3A_457 = arith.andi %shift_right_logical3A_455, %and3A_456 : vector<16xi32>
      %bitcast3A_458 = vector.bitcast %and3A_457 : vector<16xi32> to vector<16xi32>
      %shift_right_logical3A_459 = arith.constant 24 : i32
      %shift_right_logical3A_460 = vector.broadcast %shift_right_logical3A_459 : i32 to vector<16xi32>
      %shift_right_logical3A_461 = arith.shrui %select_n3A_369, %shift_right_logical3A_460 : vector<16xi32>
      %and3A_462 = vector.broadcast %scan3A_109 : i32 to vector<16xi32>
      %and3A_463 = arith.andi %shift_right_logical3A_461, %and3A_462 : vector<16xi32>
      %bitcast3A_464 = vector.bitcast %and3A_463 : vector<16xi32> to vector<16xi32>
      %add3A_465 = arith.constant 1 : i32
      %add3A_466 = arith.addi %scan3A_318, %add3A_465 : i32
      %min3A = arith.constant 255 : i32
      %min3A_467 = arith.minsi %add3A_466, %min3A : i32
      %mul3A_468 = arith.constant 16 : i32
      %mul3A_469 = arith.muli %min3A_467, %mul3A_468 : i32
      %add3A_470 = arith.constant 0 : i32
      %add3A_471 = arith.addi %add3A_470, %mul3A_469 : i32
      %get3A_472 = arith.index_cast %add3A_471 : i32 to index
      %get3A_473 = tpu.vector_load %arg4[%get3A_472] {strides = array<i32>} : memref<16384xf32, #tpu.memory_space<vmem>>, vector<16xf32>,
      %add3A_474 = arith.constant 4096 : i32
      %add3A_475 = arith.addi %add3A_474, %mul3A_469 : i32
      %get3A_476 = arith.index_cast %add3A_475 : i32 to index
      %get3A_477 = tpu.vector_load %arg4[%get3A_476] {strides = array<i32>} : memref<16384xf32, #tpu.memory_space<vmem>>, vector<16xf32>,
      %add3A_478 = arith.constant 8192 : i32
      %add3A_479 = arith.addi %add3A_478, %mul3A_469 : i32
      %get3A_480 = arith.index_cast %add3A_479 : i32 to index
      %get3A_481 = tpu.vector_load %arg4[%get3A_480] {strides = array<i32>} : memref<16384xf32, #tpu.memory_space<vmem>>, vector<16xf32>,
      %add3A_482 = arith.constant 12288 : i32
      %add3A_483 = arith.addi %add3A_482, %mul3A_469 : i32
      %get3A_484 = arith.index_cast %add3A_483 : i32 to index
      %get3A_485 = tpu.vector_load %arg4[%get3A_484] {strides = array<i32>} : memref<16384xf32, #tpu.memory_space<vmem>>, vector<16xf32>,
      %bitcast3A_486 = vector.bitcast %select_n3A : vector<16xi32> to vector<16xi32>
      %mul3A_487 = arith.constant 16 : i32
      %mul3A_488 = arith.muli %scan3A_318, %mul3A_487 : i32
      %add3A_489 = arith.constant 0 : i32
      %add3A_490 = arith.addi %add3A_489, %mul3A_488 : i32
      %swap3A = arith.index_cast %add3A_490 : i32 to index
      %swap3A_491 = tpu.vector_load %arg5[%swap3A] {strides = array<i32>} : memref<16384xi32, #tpu.memory_space<vmem>>, vector<16xi32>,
      tpu.vector_store %arg5[%swap3A], %bitcast3A_486 {strides = array<i32>} : memref<16384xi32, #tpu.memory_space<vmem>>, vector<16xi32>,
      %bitcast3A_492 = vector.bitcast %select_n3A_343 : vector<16xi32> to vector<16xi32>
      %mul3A_493 = arith.constant 16 : i32
      %mul3A_494 = arith.muli %scan3A_318, %mul3A_493 : i32
      %add3A_495 = arith.constant 4096 : i32
      %add3A_496 = arith.addi %add3A_495, %mul3A_494 : i32
      %swap3A_497 = arith.index_cast %add3A_496 : i32 to index
      %swap3A_498 = tpu.vector_load %arg5[%swap3A_497] {strides = array<i32>} : memref<16384xi32, #tpu.memory_space<vmem>>, vector<16xi32>,
      tpu.vector_store %arg5[%swap3A_497], %bitcast3A_492 {strides = array<i32>} : memref<16384xi32, #tpu.memory_space<vmem>>, vector<16xi32>,
      %bitcast3A_499 = vector.bitcast %select_n3A_356 : vector<16xi32> to vector<16xi32>
      %mul3A_500 = arith.constant 16 : i32
      %mul3A_501 = arith.muli %scan3A_318, %mul3A_500 : i32
      %add3A_502 = arith.constant 8192 : i32
      %add3A_503 = arith.addi %add3A_502, %mul3A_501 : i32
      %swap3A_504 = arith.index_cast %add3A_503 : i32 to index
      %swap3A_505 = tpu.vector_load %arg5[%swap3A_504] {strides = array<i32>} : memref<16384xi32, #tpu.memory_space<vmem>>, vector<16xi32>,
      tpu.vector_store %arg5[%swap3A_504], %bitcast3A_499 {strides = array<i32>} : memref<16384xi32, #tpu.memory_space<vmem>>, vector<16xi32>,
      %bitcast3A_506 = vector.bitcast %select_n3A_369 : vector<16xi32> to vector<16xi32>
      %mul3A_507 = arith.constant 16 : i32
      %mul3A_508 = arith.muli %scan3A_318, %mul3A_507 : i32
      %add3A_509 = arith.constant 12288 : i32
      %add3A_510 = arith.addi %add3A_509, %mul3A_508 : i32
      %swap3A_511 = arith.index_cast %add3A_510 : i32 to index
      %swap3A_512 = tpu.vector_load %arg5[%swap3A_511] {strides = array<i32>} : memref<16384xi32, #tpu.memory_space<vmem>>, vector<16xi32>,
      tpu.vector_store %arg5[%swap3A_511], %bitcast3A_506 {strides = array<i32>} : memref<16384xi32, #tpu.memory_space<vmem>>, vector<16xi32>,
      %add3A_513 = arith.constant 0 : i32
      %add3A_514 = vector.broadcast %add3A_513 : i32 to vector<16xi32>
      %add3A_515 = arith.addi %bitcast3A_374, %add3A_514 : vector<16xi32>
      tpu.vector_store_idx %arg9[%add3A_515], %broadcast_in_dim3A_1 {add = true} : memref<1024xi32, #tpu.memory_space<vmem>>[vector<16xi32>], vector<16xi32>,
      %add3A_516 = arith.constant 256 : i32
      %add3A_517 = vector.broadcast %add3A_516 : i32 to vector<16xi32>
      %add3A_518 = arith.addi %bitcast3A_380, %add3A_517 : vector<16xi32>
      tpu.vector_store_idx %arg9[%add3A_518], %broadcast_in_dim3A_1 {add = true} : memref<1024xi32, #tpu.memory_space<vmem>>[vector<16xi32>], vector<16xi32>,
      %add3A_519 = arith.constant 512 : i32
      %add3A_520 = vector.broadcast %add3A_519 : i32 to vector<16xi32>
      %add3A_521 = arith.addi %bitcast3A_386, %add3A_520 : vector<16xi32>
      tpu.vector_store_idx %arg9[%add3A_521], %broadcast_in_dim3A_1 {add = true} : memref<1024xi32, #tpu.memory_space<vmem>>[vector<16xi32>], vector<16xi32>,
      %add3A_522 = arith.constant 768 : i32
      %add3A_523 = vector.broadcast %add3A_522 : i32 to vector<16xi32>
      %add3A_524 = arith.addi %bitcast3A_392, %add3A_523 : vector<16xi32>
      tpu.vector_store_idx %arg9[%add3A_524], %broadcast_in_dim3A_1 {add = true} : memref<1024xi32, #tpu.memory_space<vmem>>[vector<16xi32>], vector<16xi32>,
      %add3A_525 = arith.constant 0 : i32
      %add3A_526 = vector.broadcast %add3A_525 : i32 to vector<16xi32>
      %add3A_527 = arith.addi %bitcast3A_398, %add3A_526 : vector<16xi32>
      tpu.vector_store_idx %arg10[%add3A_527], %broadcast_in_dim3A_1 {add = true} : memref<1024xi32, #tpu.memory_space<vmem>>[vector<16xi32>], vector<16xi32>,
      %add3A_528 = arith.constant 256 : i32
      %add3A_529 = vector.broadcast %add3A_528 : i32 to vector<16xi32>
      %add3A_530 = arith.addi %bitcast3A_404, %add3A_529 : vector<16xi32>
      tpu.vector_store_idx %arg10[%add3A_530], %broadcast_in_dim3A_1 {add = true} : memref<1024xi32, #tpu.memory_space<vmem>>[vector<16xi32>], vector<16xi32>,
      %add3A_531 = arith.constant 512 : i32
      %add3A_532 = vector.broadcast %add3A_531 : i32 to vector<16xi32>
      %add3A_533 = arith.addi %bitcast3A_410, %add3A_532 : vector<16xi32>
      tpu.vector_store_idx %arg10[%add3A_533], %broadcast_in_dim3A_1 {add = true} : memref<1024xi32, #tpu.memory_space<vmem>>[vector<16xi32>], vector<16xi32>,
      %add3A_534 = arith.constant 768 : i32
      %add3A_535 = vector.broadcast %add3A_534 : i32 to vector<16xi32>
      %add3A_536 = arith.addi %bitcast3A_416, %add3A_535 : vector<16xi32>
      tpu.vector_store_idx %arg10[%add3A_536], %broadcast_in_dim3A_1 {add = true} : memref<1024xi32, #tpu.memory_space<vmem>>[vector<16xi32>], vector<16xi32>,
      %add3A_537 = arith.constant 0 : i32
      %add3A_538 = vector.broadcast %add3A_537 : i32 to vector<16xi32>
      %add3A_539 = arith.addi %bitcast3A_422, %add3A_538 : vector<16xi32>
      tpu.vector_store_idx %arg11[%add3A_539], %broadcast_in_dim3A_1 {add = true} : memref<1024xi32, #tpu.memory_space<vmem>>[vector<16xi32>], vector<16xi32>,
      %add3A_540 = arith.constant 256 : i32
      %add3A_541 = vector.broadcast %add3A_540 : i32 to vector<16xi32>
      %add3A_542 = arith.addi %bitcast3A_428, %add3A_541 : vector<16xi32>
      tpu.vector_store_idx %arg11[%add3A_542], %broadcast_in_dim3A_1 {add = true} : memref<1024xi32, #tpu.memory_space<vmem>>[vector<16xi32>], vector<16xi32>,
      %add3A_543 = arith.constant 512 : i32
      %add3A_544 = vector.broadcast %add3A_543 : i32 to vector<16xi32>
      %add3A_545 = arith.addi %bitcast3A_434, %add3A_544 : vector<16xi32>
      tpu.vector_store_idx %arg11[%add3A_545], %broadcast_in_dim3A_1 {add = true} : memref<1024xi32, #tpu.memory_space<vmem>>[vector<16xi32>], vector<16xi32>,
      %add3A_546 = arith.constant 768 : i32
      %add3A_547 = vector.broadcast %add3A_546 : i32 to vector<16xi32>
      %add3A_548 = arith.addi %bitcast3A_440, %add3A_547 : vector<16xi32>
      tpu.vector_store_idx %arg11[%add3A_548], %broadcast_in_dim3A_1 {add = true} : memref<1024xi32, #tpu.memory_space<vmem>>[vector<16xi32>], vector<16xi32>,
      %add3A_549 = arith.constant 0 : i32
      %add3A_550 = vector.broadcast %add3A_549 : i32 to vector<16xi32>
      %add3A_551 = arith.addi %bitcast3A_446, %add3A_550 : vector<16xi32>
      tpu.vector_store_idx %arg12[%add3A_551], %broadcast_in_dim3A_1 {add = true} : memref<1024xi32, #tpu.memory_space<vmem>>[vector<16xi32>], vector<16xi32>,
      %add3A_552 = arith.constant 256 : i32
      %add3A_553 = vector.broadcast %add3A_552 : i32 to vector<16xi32>
      %add3A_554 = arith.addi %bitcast3A_452, %add3A_553 : vector<16xi32>
      tpu.vector_store_idx %arg12[%add3A_554], %broadcast_in_dim3A_1 {add = true} : memref<1024xi32, #tpu.memory_space<vmem>>[vector<16xi32>], vector<16xi32>,
      %add3A_555 = arith.constant 512 : i32
      %add3A_556 = vector.broadcast %add3A_555 : i32 to vector<16xi32>
      %add3A_557 = arith.addi %bitcast3A_458, %add3A_556 : vector<16xi32>
      tpu.vector_store_idx %arg12[%add3A_557], %broadcast_in_dim3A_1 {add = true} : memref<1024xi32, #tpu.memory_space<vmem>>[vector<16xi32>], vector<16xi32>,
      %add3A_558 = arith.constant 768 : i32
      %add3A_559 = vector.broadcast %add3A_558 : i32 to vector<16xi32>
      %add3A_560 = arith.addi %bitcast3A_464, %add3A_559 : vector<16xi32>
      tpu.vector_store_idx %arg12[%add3A_560], %broadcast_in_dim3A_1 {add = true} : memref<1024xi32, #tpu.memory_space<vmem>>[vector<16xi32>], vector<16xi32>,
      scf.yield %get3A_473, %get3A_477, %get3A_481, %get3A_485 : vector<16xf32>, vector<16xf32>, vector<16xf32>, vector<16xf32>
    }
    %scan3A_115 = arith.constant 256 : i32
    %scan3A_116 = arith.constant 0 : i32
    %scan3A_117 = arith.constant 0 : i32
    %scan3A_118 = arith.constant 0 : i32
    %scan3A_119 = arith.constant 0 : i32
    %scan3A_120 = arith.constant 0 : i32
    %scan3A_121 = arith.constant 16 : i32
    %scan3A_122 = arith.addi %scan3A_120, %scan3A_121 : i32
    %scan3A_123 = arith.constant 1 : i32
    %scan3A_124:4 = scf.for %scan3A_318 = %scan3A_120 to %scan3A_122 step %scan3A_123 iter_args(%scan3A_319 = %scan3A_116, %scan3A_320 = %scan3A_117, %scan3A_321 = %scan3A_118, %scan3A_322 = %scan3A_119) -> (i32, i32, i32, i32)  : i32 {
      %mul3A_323 = arith.constant 16 : i32
      %mul3A_324 = arith.muli %scan3A_318, %mul3A_323 : i32
      %add3A_325 = arith.constant 0 : i32
      %add3A_326 = arith.addi %add3A_325, %mul3A_324 : i32
      %get3A_327 = arith.index_cast %add3A_326 : i32 to index
      %get3A_328 = tpu.vector_load %arg9[%get3A_327] {strides = array<i32>} : memref<1024xi32, #tpu.memory_space<vmem>>, vector<16xi32>,
      %broadcast_in_dim3A_329 = arith.constant true
      %broadcast_in_dim3A_330 = vector.broadcast %broadcast_in_dim3A_329 : i1 to vector<16xi1>
      %masked_cumsum3A = tpu.scan <sum>, %get3A_328 masked %broadcast_in_dim3A_330 : vector<16xi32>, vector<16xi1> -> vector<16xi32>
      %sub3A = arith.constant 1 : i32
      %sub3A_331 = arith.subi %scan3A_319, %sub3A : i32
      %add3A_332 = arith.constant 0 : i32
      %add3A_333 = arith.addi %sub3A_331, %add3A_332 : i32
      %sub3A_334 = arith.subi %masked_cumsum3A, %get3A_328 : vector<16xi32>
      %add3A_335 = vector.broadcast %add3A_333 : i32 to vector<16xi32>
      %add3A_336 = arith.addi %sub3A_334, %add3A_335 : vector<16xi32>
      %mul3A_337 = arith.constant 16 : i32
      %mul3A_338 = arith.muli %scan3A_318, %mul3A_337 : i32
      %swap3A = arith.index_cast %mul3A_338 : i32 to index
      %swap3A_339 = tpu.vector_load %arg13[%swap3A] {strides = array<i32>} : memref<256xi32, #tpu.memory_space<vmem>>, vector<16xi32>,
      tpu.vector_store %arg13[%swap3A], %add3A_336 {strides = array<i32>} : memref<256xi32, #tpu.memory_space<vmem>>, vector<16xi32>,
      %reduce_sum3A = arith.constant true
      %reduce_sum3A_340 = vector.broadcast %reduce_sum3A : i1 to vector<16xi1>
      %reduce_sum3A_341 = tpu.scan <sum>, %get3A_328 masked %reduce_sum3A_340 : vector<16xi32>, vector<16xi1> -> vector<16xi32>
      %reduce_sum3A_342 = vector.extract %reduce_sum3A_341[15] : i32 from vector<16xi32>
      %add3A_343 = arith.addi %scan3A_319, %reduce_sum3A_342 : i32
      %mul3A_344 = arith.constant 16 : i32
      %mul3A_345 = arith.muli %scan3A_318, %mul3A_344 : i32
      %add3A_346 = arith.constant 0 : i32
      %add3A_347 = arith.addi %add3A_346, %mul3A_345 : i32
      %get3A_348 = arith.index_cast %add3A_347 : i32 to index
      %get3A_349 = tpu.vector_load %arg10[%get3A_348] {strides = array<i32>} : memref<1024xi32, #tpu.memory_space<vmem>>, vector<16xi32>,
      %broadcast_in_dim3A_350 = arith.constant true
      %broadcast_in_dim3A_351 = vector.broadcast %broadcast_in_dim3A_350 : i1 to vector<16xi1>
      %masked_cumsum3A_352 = tpu.scan <sum>, %get3A_349 masked %broadcast_in_dim3A_351 : vector<16xi32>, vector<16xi1> -> vector<16xi32>
      %sub3A_353 = arith.constant 1 : i32
      %sub3A_354 = arith.subi %scan3A_320, %sub3A_353 : i32
      %add3A_355 = arith.constant 4096 : i32
      %add3A_356 = arith.addi %sub3A_354, %add3A_355 : i32
      %sub3A_357 = arith.subi %masked_cumsum3A_352, %get3A_349 : vector<16xi32>
      %add3A_358 = vector.broadcast %add3A_356 : i32 to vector<16xi32>
      %add3A_359 = arith.addi %sub3A_357, %add3A_358 : vector<16xi32>
      %mul3A_360 = arith.constant 16 : i32
      %mul3A_361 = arith.muli %scan3A_318, %mul3A_360 : i32
      %swap3A_362 = arith.index_cast %mul3A_361 : i32 to index
      %swap3A_363 = tpu.vector_load %arg14[%swap3A_362] {strides = array<i32>} : memref<256xi32, #tpu.memory_space<vmem>>, vector<16xi32>,
      tpu.vector_store %arg14[%swap3A_362], %add3A_359 {strides = array<i32>} : memref<256xi32, #tpu.memory_space<vmem>>, vector<16xi32>,
      %reduce_sum3A_364 = arith.constant true
      %reduce_sum3A_365 = vector.broadcast %reduce_sum3A_364 : i1 to vector<16xi1>
      %reduce_sum3A_366 = tpu.scan <sum>, %get3A_349 masked %reduce_sum3A_365 : vector<16xi32>, vector<16xi1> -> vector<16xi32>
      %reduce_sum3A_367 = vector.extract %reduce_sum3A_366[15] : i32 from vector<16xi32>
      %add3A_368 = arith.addi %scan3A_320, %reduce_sum3A_367 : i32
      %mul3A_369 = arith.constant 16 : i32
      %mul3A_370 = arith.muli %scan3A_318, %mul3A_369 : i32
      %add3A_371 = arith.constant 0 : i32
      %add3A_372 = arith.addi %add3A_371, %mul3A_370 : i32
      %get3A_373 = arith.index_cast %add3A_372 : i32 to index
      %get3A_374 = tpu.vector_load %arg11[%get3A_373] {strides = array<i32>} : memref<1024xi32, #tpu.memory_space<vmem>>, vector<16xi32>,
      %broadcast_in_dim3A_375 = arith.constant true
      %broadcast_in_dim3A_376 = vector.broadcast %broadcast_in_dim3A_375 : i1 to vector<16xi1>
      %masked_cumsum3A_377 = tpu.scan <sum>, %get3A_374 masked %broadcast_in_dim3A_376 : vector<16xi32>, vector<16xi1> -> vector<16xi32>
      %sub3A_378 = arith.constant 1 : i32
      %sub3A_379 = arith.subi %scan3A_321, %sub3A_378 : i32
      %add3A_380 = arith.constant 8192 : i32
      %add3A_381 = arith.addi %sub3A_379, %add3A_380 : i32
      %sub3A_382 = arith.subi %masked_cumsum3A_377, %get3A_374 : vector<16xi32>
      %add3A_383 = vector.broadcast %add3A_381 : i32 to vector<16xi32>
      %add3A_384 = arith.addi %sub3A_382, %add3A_383 : vector<16xi32>
      %mul3A_385 = arith.constant 16 : i32
      %mul3A_386 = arith.muli %scan3A_318, %mul3A_385 : i32
      %swap3A_387 = arith.index_cast %mul3A_386 : i32 to index
      %swap3A_388 = tpu.vector_load %arg15[%swap3A_387] {strides = array<i32>} : memref<256xi32, #tpu.memory_space<vmem>>, vector<16xi32>,
      tpu.vector_store %arg15[%swap3A_387], %add3A_384 {strides = array<i32>} : memref<256xi32, #tpu.memory_space<vmem>>, vector<16xi32>,
      %reduce_sum3A_389 = arith.constant true
      %reduce_sum3A_390 = vector.broadcast %reduce_sum3A_389 : i1 to vector<16xi1>
      %reduce_sum3A_391 = tpu.scan <sum>, %get3A_374 masked %reduce_sum3A_390 : vector<16xi32>, vector<16xi1> -> vector<16xi32>
      %reduce_sum3A_392 = vector.extract %reduce_sum3A_391[15] : i32 from vector<16xi32>
      %add3A_393 = arith.addi %scan3A_321, %reduce_sum3A_392 : i32
      %mul3A_394 = arith.constant 16 : i32
      %mul3A_395 = arith.muli %scan3A_318, %mul3A_394 : i32
      %add3A_396 = arith.constant 0 : i32
      %add3A_397 = arith.addi %add3A_396, %mul3A_395 : i32
      %get3A_398 = arith.index_cast %add3A_397 : i32 to index
      %get3A_399 = tpu.vector_load %arg12[%get3A_398] {strides = array<i32>} : memref<1024xi32, #tpu.memory_space<vmem>>, vector<16xi32>,
      %broadcast_in_dim3A_400 = arith.constant true
      %broadcast_in_dim3A_401 = vector.broadcast %broadcast_in_dim3A_400 : i1 to vector<16xi1>
      %masked_cumsum3A_402 = tpu.scan <sum>, %get3A_399 masked %broadcast_in_dim3A_401 : vector<16xi32>, vector<16xi1> -> vector<16xi32>
      %sub3A_403 = arith.constant 1 : i32
      %sub3A_404 = arith.subi %scan3A_322, %sub3A_403 : i32
      %add3A_405 = arith.constant 12288 : i32
      %add3A_406 = arith.addi %sub3A_404, %add3A_405 : i32
      %sub3A_407 = arith.subi %masked_cumsum3A_402, %get3A_399 : vector<16xi32>
      %add3A_408 = vector.broadcast %add3A_406 : i32 to vector<16xi32>
      %add3A_409 = arith.addi %sub3A_407, %add3A_408 : vector<16xi32>
      %mul3A_410 = arith.constant 16 : i32
      %mul3A_411 = arith.muli %scan3A_318, %mul3A_410 : i32
      %swap3A_412 = arith.index_cast %mul3A_411 : i32 to index
      %swap3A_413 = tpu.vector_load %arg16[%swap3A_412] {strides = array<i32>} : memref<256xi32, #tpu.memory_space<vmem>>, vector<16xi32>,
      tpu.vector_store %arg16[%swap3A_412], %add3A_409 {strides = array<i32>} : memref<256xi32, #tpu.memory_space<vmem>>, vector<16xi32>,
      %reduce_sum3A_414 = arith.constant true
      %reduce_sum3A_415 = vector.broadcast %reduce_sum3A_414 : i1 to vector<16xi1>
      %reduce_sum3A_416 = tpu.scan <sum>, %get3A_399 masked %reduce_sum3A_415 : vector<16xi32>, vector<16xi1> -> vector<16xi32>
      %reduce_sum3A_417 = vector.extract %reduce_sum3A_416[15] : i32 from vector<16xi32>
      %add3A_418 = arith.addi %scan3A_322, %reduce_sum3A_417 : i32
      scf.yield %add3A_343, %add3A_368, %add3A_393, %add3A_418 : i32, i32, i32, i32
    }
    %scan3A_125 = arith.constant 16 : i32
    %get3A_126 = arith.constant 0 : index
    %get3A_127 = tpu.vector_load %arg5[%get3A_126] {strides = array<i32>} : memref<16384xi32, #tpu.memory_space<vmem>>, vector<16xi32>,
    %get3A_128 = arith.constant 4096 : index
    %get3A_129 = tpu.vector_load %arg5[%get3A_128] {strides = array<i32>} : memref<16384xi32, #tpu.memory_space<vmem>>, vector<16xi32>,
    %get3A_130 = arith.constant 8192 : index
    %get3A_131 = tpu.vector_load %arg5[%get3A_130] {strides = array<i32>} : memref<16384xi32, #tpu.memory_space<vmem>>, vector<16xi32>,
    %get3A_132 = arith.constant 12288 : index
    %get3A_133 = tpu.vector_load %arg5[%get3A_132] {strides = array<i32>} : memref<16384xi32, #tpu.memory_space<vmem>>, vector<16xi32>,
    %scan3A_134 = arith.constant 255 : i32
    %scan3A_135 = arith.constant 0 : i32
    %scan3A_136 = arith.constant 256 : i32
    %scan3A_137 = arith.addi %scan3A_135, %scan3A_136 : i32
    %scan3A_138 = arith.constant 1 : i32
    %scan3A_139:4 = scf.for %scan3A_318 = %scan3A_135 to %scan3A_137 step %scan3A_138 iter_args(%scan3A_319 = %get3A_127, %scan3A_320 = %get3A_129, %scan3A_321 = %get3A_131, %scan3A_322 = %get3A_133) -> (vector<16xi32>, vector<16xi32>, vector<16xi32>, vector<16xi32>)  : i32 {
      %mul3A_323 = arith.constant 16 : i32
      %mul3A_324 = arith.muli %scan3A_318, %mul3A_323 : i32
      %add3A_325 = vector.broadcast %mul3A_324 : i32 to vector<16xi32>
      %add3A_326 = arith.addi %add3A_325, %iota3A : vector<16xi32>
      %bitcast3A = vector.bitcast %scan3A_319 : vector<16xi32> to vector<16xi32>
      %and3A = vector.broadcast %scan3A_134 : i32 to vector<16xi32>
      %and3A_327 = arith.andi %bitcast3A, %and3A : vector<16xi32>
      %bitcast3A_328 = vector.bitcast %and3A_327 : vector<16xi32> to vector<16xi32>
      %bitcast3A_329 = vector.bitcast %scan3A_320 : vector<16xi32> to vector<16xi32>
      %and3A_330 = vector.broadcast %scan3A_134 : i32 to vector<16xi32>
      %and3A_331 = arith.andi %bitcast3A_329, %and3A_330 : vector<16xi32>
      %bitcast3A_332 = vector.bitcast %and3A_331 : vector<16xi32> to vector<16xi32>
      %bitcast3A_333 = vector.bitcast %scan3A_321 : vector<16xi32> to vector<16xi32>
      %and3A_334 = vector.broadcast %scan3A_134 : i32 to vector<16xi32>
      %and3A_335 = arith.andi %bitcast3A_333, %and3A_334 : vector<16xi32>
      %bitcast3A_336 = vector.bitcast %and3A_335 : vector<16xi32> to vector<16xi32>
      %bitcast3A_337 = vector.bitcast %scan3A_322 : vector<16xi32> to vector<16xi32>
      %and3A_338 = vector.broadcast %scan3A_134 : i32 to vector<16xi32>
      %and3A_339 = arith.andi %bitcast3A_337, %and3A_338 : vector<16xi32>
      %bitcast3A_340 = vector.bitcast %and3A_339 : vector<16xi32> to vector<16xi32>
      %broadcast_in_dim3A_341 = arith.constant true
      %broadcast_in_dim3A_342 = vector.broadcast %broadcast_in_dim3A_341 : i1 to vector<16xi1>
      %unique3A, %unique3A_343 = tpu.scan_count mask(%broadcast_in_dim3A_342 : vector<16xi1>) value(%bitcast3A_328 : vector<16xi32>) : vector<16xi1>, vector<16xi32>
      %broadcast_in_dim3A_344 = arith.constant true
      %broadcast_in_dim3A_345 = vector.broadcast %broadcast_in_dim3A_344 : i1 to vector<16xi1>
      %unique3A_346, %unique3A_347 = tpu.scan_count mask(%broadcast_in_dim3A_345 : vector<16xi1>) value(%bitcast3A_332 : vector<16xi32>) : vector<16xi1>, vector<16xi32>
      %broadcast_in_dim3A_348 = arith.constant true
      %broadcast_in_dim3A_349 = vector.broadcast %broadcast_in_dim3A_348 : i1 to vector<16xi1>
      %unique3A_350, %unique3A_351 = tpu.scan_count mask(%broadcast_in_dim3A_349 : vector<16xi1>) value(%bitcast3A_336 : vector<16xi32>) : vector<16xi1>, vector<16xi32>
      %broadcast_in_dim3A_352 = arith.constant true
      %broadcast_in_dim3A_353 = vector.broadcast %broadcast_in_dim3A_352 : i1 to vector<16xi1>
      %unique3A_354, %unique3A_355 = tpu.scan_count mask(%broadcast_in_dim3A_353 : vector<16xi1>) value(%bitcast3A_340 : vector<16xi32>) : vector<16xi1>, vector<16xi32>
      %gather3A = tpu.vector_load_idx %arg13[%bitcast3A_328] : memref<256xi32, #tpu.memory_space<vmem>>[vector<16xi32>], vector<16xi32>,
      %gather3A_356 = tpu.vector_load_idx %arg14[%bitcast3A_332] : memref<256xi32, #tpu.memory_space<vmem>>[vector<16xi32>], vector<16xi32>,
      %gather3A_357 = tpu.vector_load_idx %arg15[%bitcast3A_336] : memref<256xi32, #tpu.memory_space<vmem>>[vector<16xi32>], vector<16xi32>,
      %gather3A_358 = tpu.vector_load_idx %arg16[%bitcast3A_340] : memref<256xi32, #tpu.memory_space<vmem>>[vector<16xi32>], vector<16xi32>,
      %add3A_359 = arith.addi %gather3A, %unique3A_343 : vector<16xi32>
      %add3A_360 = arith.addi %gather3A_356, %unique3A_347 : vector<16xi32>
      %add3A_361 = arith.addi %gather3A_357, %unique3A_351 : vector<16xi32>
      %add3A_362 = arith.addi %gather3A_358, %unique3A_355 : vector<16xi32>
      %add3A_363 = arith.constant 1 : i32
      %add3A_364 = arith.addi %scan3A_318, %add3A_363 : i32
      %min3A = arith.constant 255 : i32
      %min3A_365 = arith.minsi %add3A_364, %min3A : i32
      %mul3A_366 = arith.constant 16 : i32
      %mul3A_367 = arith.muli %min3A_365, %mul3A_366 : i32
      %add3A_368 = arith.constant 0 : i32
      %add3A_369 = arith.addi %add3A_368, %mul3A_367 : i32
      %get3A_370 = arith.index_cast %add3A_369 : i32 to index
      %get3A_371 = tpu.vector_load %arg5[%get3A_370] {strides = array<i32>} : memref<16384xi32, #tpu.memory_space<vmem>>, vector<16xi32>,
      %add3A_372 = arith.constant 4096 : i32
      %add3A_373 = arith.addi %add3A_372, %mul3A_367 : i32
      %get3A_374 = arith.index_cast %add3A_373 : i32 to index
      %get3A_375 = tpu.vector_load %arg5[%get3A_374] {strides = array<i32>} : memref<16384xi32, #tpu.memory_space<vmem>>, vector<16xi32>,
      %add3A_376 = arith.constant 8192 : i32
      %add3A_377 = arith.addi %add3A_376, %mul3A_367 : i32
      %get3A_378 = arith.index_cast %add3A_377 : i32 to index
      %get3A_379 = tpu.vector_load %arg5[%get3A_378] {strides = array<i32>} : memref<16384xi32, #tpu.memory_space<vmem>>, vector<16xi32>,
      %add3A_380 = arith.constant 12288 : i32
      %add3A_381 = arith.addi %add3A_380, %mul3A_367 : i32
      %get3A_382 = arith.index_cast %add3A_381 : i32 to index
      %get3A_383 = tpu.vector_load %arg5[%get3A_382] {strides = array<i32>} : memref<16384xi32, #tpu.memory_space<vmem>>, vector<16xi32>,
      tpu.vector_store_idx %arg6[%add3A_359], %scan3A_319 : memref<16384xi32, #tpu.memory_space<vmem>>[vector<16xi32>], vector<16xi32>,
      tpu.vector_store_idx %arg7[%add3A_359], %add3A_326 : memref<16384xi32, #tpu.memory_space<vmem>>[vector<16xi32>], vector<16xi32>,
      tpu.vector_store_idx %arg6[%add3A_360], %scan3A_320 : memref<16384xi32, #tpu.memory_space<vmem>>[vector<16xi32>], vector<16xi32>,
      tpu.vector_store_idx %arg7[%add3A_360], %add3A_326 : memref<16384xi32, #tpu.memory_space<vmem>>[vector<16xi32>], vector<16xi32>,
      tpu.vector_store_idx %arg6[%add3A_361], %scan3A_321 : memref<16384xi32, #tpu.memory_space<vmem>>[vector<16xi32>], vector<16xi32>,
      tpu.vector_store_idx %arg7[%add3A_361], %add3A_326 : memref<16384xi32, #tpu.memory_space<vmem>>[vector<16xi32>], vector<16xi32>,
      tpu.vector_store_idx %arg6[%add3A_362], %scan3A_322 : memref<16384xi32, #tpu.memory_space<vmem>>[vector<16xi32>], vector<16xi32>,
      tpu.vector_store_idx %arg7[%add3A_362], %add3A_326 : memref<16384xi32, #tpu.memory_space<vmem>>[vector<16xi32>], vector<16xi32>,
      tpu.vector_store_idx %arg13[%bitcast3A_328], %unique3A_343 masked %unique3A {add = true} : memref<256xi32, #tpu.memory_space<vmem>>[vector<16xi32>], vector<16xi32>, vector<16xi1>
      tpu.vector_store_idx %arg14[%bitcast3A_332], %unique3A_347 masked %unique3A_346 {add = true} : memref<256xi32, #tpu.memory_space<vmem>>[vector<16xi32>], vector<16xi32>, vector<16xi1>
      tpu.vector_store_idx %arg15[%bitcast3A_336], %unique3A_351 masked %unique3A_350 {add = true} : memref<256xi32, #tpu.memory_space<vmem>>[vector<16xi32>], vector<16xi32>, vector<16xi1>
      tpu.vector_store_idx %arg16[%bitcast3A_340], %unique3A_355 masked %unique3A_354 {add = true} : memref<256xi32, #tpu.memory_space<vmem>>[vector<16xi32>], vector<16xi32>, vector<16xi1>
      scf.yield %get3A_371, %get3A_375, %get3A_379, %get3A_383 : vector<16xi32>, vector<16xi32>, vector<16xi32>, vector<16xi32>
    }
    %scan3A_140 = arith.constant 256 : i32
    %scan3A_141 = arith.constant 0 : i32
    %scan3A_142 = arith.constant 0 : i32
    %scan3A_143 = arith.constant 0 : i32
    %scan3A_144 = arith.constant 0 : i32
    %scan3A_145 = arith.constant 0 : i32
    %scan3A_146 = arith.constant 16 : i32
    %scan3A_147 = arith.addi %scan3A_145, %scan3A_146 : i32
    %scan3A_148 = arith.constant 1 : i32
    %scan3A_149:4 = scf.for %scan3A_318 = %scan3A_145 to %scan3A_147 step %scan3A_148 iter_args(%scan3A_319 = %scan3A_141, %scan3A_320 = %scan3A_142, %scan3A_321 = %scan3A_143, %scan3A_322 = %scan3A_144) -> (i32, i32, i32, i32)  : i32 {
      %mul3A_323 = arith.constant 16 : i32
      %mul3A_324 = arith.muli %scan3A_318, %mul3A_323 : i32
      %add3A_325 = arith.constant 256 : i32
      %add3A_326 = arith.addi %add3A_325, %mul3A_324 : i32
      %get3A_327 = arith.index_cast %add3A_326 : i32 to index
      %get3A_328 = tpu.vector_load %arg9[%get3A_327] {strides = array<i32>} : memref<1024xi32, #tpu.memory_space<vmem>>, vector<16xi32>,
      %broadcast_in_dim3A_329 = arith.constant true
      %broadcast_in_dim3A_330 = vector.broadcast %broadcast_in_dim3A_329 : i1 to vector<16xi1>
      %masked_cumsum3A = tpu.scan <sum>, %get3A_328 masked %broadcast_in_dim3A_330 : vector<16xi32>, vector<16xi1> -> vector<16xi32>
      %sub3A = arith.constant 1 : i32
      %sub3A_331 = arith.subi %scan3A_319, %sub3A : i32
      %add3A_332 = arith.constant 0 : i32
      %add3A_333 = arith.addi %sub3A_331, %add3A_332 : i32
      %sub3A_334 = arith.subi %masked_cumsum3A, %get3A_328 : vector<16xi32>
      %add3A_335 = vector.broadcast %add3A_333 : i32 to vector<16xi32>
      %add3A_336 = arith.addi %sub3A_334, %add3A_335 : vector<16xi32>
      %mul3A_337 = arith.constant 16 : i32
      %mul3A_338 = arith.muli %scan3A_318, %mul3A_337 : i32
      %swap3A = arith.index_cast %mul3A_338 : i32 to index
      %swap3A_339 = tpu.vector_load %arg13[%swap3A] {strides = array<i32>} : memref<256xi32, #tpu.memory_space<vmem>>, vector<16xi32>,
      tpu.vector_store %arg13[%swap3A], %add3A_336 {strides = array<i32>} : memref<256xi32, #tpu.memory_space<vmem>>, vector<16xi32>,
      %reduce_sum3A = arith.constant true
      %reduce_sum3A_340 = vector.broadcast %reduce_sum3A : i1 to vector<16xi1>
      %reduce_sum3A_341 = tpu.scan <sum>, %get3A_328 masked %reduce_sum3A_340 : vector<16xi32>, vector<16xi1> -> vector<16xi32>
      %reduce_sum3A_342 = vector.extract %reduce_sum3A_341[15] : i32 from vector<16xi32>
      %add3A_343 = arith.addi %scan3A_319, %reduce_sum3A_342 : i32
      %mul3A_344 = arith.constant 16 : i32
      %mul3A_345 = arith.muli %scan3A_318, %mul3A_344 : i32
      %add3A_346 = arith.constant 256 : i32
      %add3A_347 = arith.addi %add3A_346, %mul3A_345 : i32
      %get3A_348 = arith.index_cast %add3A_347 : i32 to index
      %get3A_349 = tpu.vector_load %arg10[%get3A_348] {strides = array<i32>} : memref<1024xi32, #tpu.memory_space<vmem>>, vector<16xi32>,
      %broadcast_in_dim3A_350 = arith.constant true
      %broadcast_in_dim3A_351 = vector.broadcast %broadcast_in_dim3A_350 : i1 to vector<16xi1>
      %masked_cumsum3A_352 = tpu.scan <sum>, %get3A_349 masked %broadcast_in_dim3A_351 : vector<16xi32>, vector<16xi1> -> vector<16xi32>
      %sub3A_353 = arith.constant 1 : i32
      %sub3A_354 = arith.subi %scan3A_320, %sub3A_353 : i32
      %add3A_355 = arith.constant 4096 : i32
      %add3A_356 = arith.addi %sub3A_354, %add3A_355 : i32
      %sub3A_357 = arith.subi %masked_cumsum3A_352, %get3A_349 : vector<16xi32>
      %add3A_358 = vector.broadcast %add3A_356 : i32 to vector<16xi32>
      %add3A_359 = arith.addi %sub3A_357, %add3A_358 : vector<16xi32>
      %mul3A_360 = arith.constant 16 : i32
      %mul3A_361 = arith.muli %scan3A_318, %mul3A_360 : i32
      %swap3A_362 = arith.index_cast %mul3A_361 : i32 to index
      %swap3A_363 = tpu.vector_load %arg14[%swap3A_362] {strides = array<i32>} : memref<256xi32, #tpu.memory_space<vmem>>, vector<16xi32>,
      tpu.vector_store %arg14[%swap3A_362], %add3A_359 {strides = array<i32>} : memref<256xi32, #tpu.memory_space<vmem>>, vector<16xi32>,
      %reduce_sum3A_364 = arith.constant true
      %reduce_sum3A_365 = vector.broadcast %reduce_sum3A_364 : i1 to vector<16xi1>
      %reduce_sum3A_366 = tpu.scan <sum>, %get3A_349 masked %reduce_sum3A_365 : vector<16xi32>, vector<16xi1> -> vector<16xi32>
      %reduce_sum3A_367 = vector.extract %reduce_sum3A_366[15] : i32 from vector<16xi32>
      %add3A_368 = arith.addi %scan3A_320, %reduce_sum3A_367 : i32
      %mul3A_369 = arith.constant 16 : i32
      %mul3A_370 = arith.muli %scan3A_318, %mul3A_369 : i32
      %add3A_371 = arith.constant 256 : i32
      %add3A_372 = arith.addi %add3A_371, %mul3A_370 : i32
      %get3A_373 = arith.index_cast %add3A_372 : i32 to index
      %get3A_374 = tpu.vector_load %arg11[%get3A_373] {strides = array<i32>} : memref<1024xi32, #tpu.memory_space<vmem>>, vector<16xi32>,
      %broadcast_in_dim3A_375 = arith.constant true
      %broadcast_in_dim3A_376 = vector.broadcast %broadcast_in_dim3A_375 : i1 to vector<16xi1>
      %masked_cumsum3A_377 = tpu.scan <sum>, %get3A_374 masked %broadcast_in_dim3A_376 : vector<16xi32>, vector<16xi1> -> vector<16xi32>
      %sub3A_378 = arith.constant 1 : i32
      %sub3A_379 = arith.subi %scan3A_321, %sub3A_378 : i32
      %add3A_380 = arith.constant 8192 : i32
      %add3A_381 = arith.addi %sub3A_379, %add3A_380 : i32
      %sub3A_382 = arith.subi %masked_cumsum3A_377, %get3A_374 : vector<16xi32>
      %add3A_383 = vector.broadcast %add3A_381 : i32 to vector<16xi32>
      %add3A_384 = arith.addi %sub3A_382, %add3A_383 : vector<16xi32>
      %mul3A_385 = arith.constant 16 : i32
      %mul3A_386 = arith.muli %scan3A_318, %mul3A_385 : i32
      %swap3A_387 = arith.index_cast %mul3A_386 : i32 to index
      %swap3A_388 = tpu.vector_load %arg15[%swap3A_387] {strides = array<i32>} : memref<256xi32, #tpu.memory_space<vmem>>, vector<16xi32>,
      tpu.vector_store %arg15[%swap3A_387], %add3A_384 {strides = array<i32>} : memref<256xi32, #tpu.memory_space<vmem>>, vector<16xi32>,
      %reduce_sum3A_389 = arith.constant true
      %reduce_sum3A_390 = vector.broadcast %reduce_sum3A_389 : i1 to vector<16xi1>
      %reduce_sum3A_391 = tpu.scan <sum>, %get3A_374 masked %reduce_sum3A_390 : vector<16xi32>, vector<16xi1> -> vector<16xi32>
      %reduce_sum3A_392 = vector.extract %reduce_sum3A_391[15] : i32 from vector<16xi32>
      %add3A_393 = arith.addi %scan3A_321, %reduce_sum3A_392 : i32
      %mul3A_394 = arith.constant 16 : i32
      %mul3A_395 = arith.muli %scan3A_318, %mul3A_394 : i32
      %add3A_396 = arith.constant 256 : i32
      %add3A_397 = arith.addi %add3A_396, %mul3A_395 : i32
      %get3A_398 = arith.index_cast %add3A_397 : i32 to index
      %get3A_399 = tpu.vector_load %arg12[%get3A_398] {strides = array<i32>} : memref<1024xi32, #tpu.memory_space<vmem>>, vector<16xi32>,
      %broadcast_in_dim3A_400 = arith.constant true
      %broadcast_in_dim3A_401 = vector.broadcast %broadcast_in_dim3A_400 : i1 to vector<16xi1>
      %masked_cumsum3A_402 = tpu.scan <sum>, %get3A_399 masked %broadcast_in_dim3A_401 : vector<16xi32>, vector<16xi1> -> vector<16xi32>
      %sub3A_403 = arith.constant 1 : i32
      %sub3A_404 = arith.subi %scan3A_322, %sub3A_403 : i32
      %add3A_405 = arith.constant 12288 : i32
      %add3A_406 = arith.addi %sub3A_404, %add3A_405 : i32
      %sub3A_407 = arith.subi %masked_cumsum3A_402, %get3A_399 : vector<16xi32>
      %add3A_408 = vector.broadcast %add3A_406 : i32 to vector<16xi32>
      %add3A_409 = arith.addi %sub3A_407, %add3A_408 : vector<16xi32>
      %mul3A_410 = arith.constant 16 : i32
      %mul3A_411 = arith.muli %scan3A_318, %mul3A_410 : i32
      %swap3A_412 = arith.index_cast %mul3A_411 : i32 to index
      %swap3A_413 = tpu.vector_load %arg16[%swap3A_412] {strides = array<i32>} : memref<256xi32, #tpu.memory_space<vmem>>, vector<16xi32>,
      tpu.vector_store %arg16[%swap3A_412], %add3A_409 {strides = array<i32>} : memref<256xi32, #tpu.memory_space<vmem>>, vector<16xi32>,
      %reduce_sum3A_414 = arith.constant true
      %reduce_sum3A_415 = vector.broadcast %reduce_sum3A_414 : i1 to vector<16xi1>
      %reduce_sum3A_416 = tpu.scan <sum>, %get3A_399 masked %reduce_sum3A_415 : vector<16xi32>, vector<16xi1> -> vector<16xi32>
      %reduce_sum3A_417 = vector.extract %reduce_sum3A_416[15] : i32 from vector<16xi32>
      %add3A_418 = arith.addi %scan3A_322, %reduce_sum3A_417 : i32
      scf.yield %add3A_343, %add3A_368, %add3A_393, %add3A_418 : i32, i32, i32, i32
    }
    %scan3A_150 = arith.constant 16 : i32
    %get3A_151 = arith.constant 0 : index
    %get3A_152 = tpu.vector_load %arg6[%get3A_151] {strides = array<i32>} : memref<16384xi32, #tpu.memory_space<vmem>>, vector<16xi32>,
    %get3A_153 = arith.constant 4096 : index
    %get3A_154 = tpu.vector_load %arg6[%get3A_153] {strides = array<i32>} : memref<16384xi32, #tpu.memory_space<vmem>>, vector<16xi32>,
    %get3A_155 = arith.constant 8192 : index
    %get3A_156 = tpu.vector_load %arg6[%get3A_155] {strides = array<i32>} : memref<16384xi32, #tpu.memory_space<vmem>>, vector<16xi32>,
    %get3A_157 = arith.constant 12288 : index
    %get3A_158 = tpu.vector_load %arg6[%get3A_157] {strides = array<i32>} : memref<16384xi32, #tpu.memory_space<vmem>>, vector<16xi32>,
    %get3A_159 = arith.constant 0 : index
    %get3A_160 = tpu.vector_load %arg7[%get3A_159] {strides = array<i32>} : memref<16384xi32, #tpu.memory_space<vmem>>, vector<16xi32>,
    %get3A_161 = arith.constant 4096 : index
    %get3A_162 = tpu.vector_load %arg7[%get3A_161] {strides = array<i32>} : memref<16384xi32, #tpu.memory_space<vmem>>, vector<16xi32>,
    %get3A_163 = arith.constant 8192 : index
    %get3A_164 = tpu.vector_load %arg7[%get3A_163] {strides = array<i32>} : memref<16384xi32, #tpu.memory_space<vmem>>, vector<16xi32>,
    %get3A_165 = arith.constant 12288 : index
    %get3A_166 = tpu.vector_load %arg7[%get3A_165] {strides = array<i32>} : memref<16384xi32, #tpu.memory_space<vmem>>, vector<16xi32>,
    %scan3A_167 = arith.constant 255 : i32
    %scan3A_168 = arith.constant 0 : i32
    %scan3A_169 = arith.constant 256 : i32
    %scan3A_170 = arith.addi %scan3A_168, %scan3A_169 : i32
    %scan3A_171 = arith.constant 1 : i32
    %scan3A_172:8 = scf.for %scan3A_318 = %scan3A_168 to %scan3A_170 step %scan3A_171 iter_args(%scan3A_319 = %get3A_152, %scan3A_320 = %get3A_154, %scan3A_321 = %get3A_156, %scan3A_322 = %get3A_158, %scan3A_323 = %get3A_160, %scan3A_324 = %get3A_162, %scan3A_325 = %get3A_164, %scan3A_326 = %get3A_166) -> (vector<16xi32>, vector<16xi32>, vector<16xi32>, vector<16xi32>, vector<16xi32>, vector<16xi32>, vector<16xi32>, vector<16xi32>)  : i32 {
      %bitcast3A = vector.bitcast %scan3A_319 : vector<16xi32> to vector<16xi32>
      %shift_right_logical3A = arith.constant 8 : i32
      %shift_right_logical3A_327 = vector.broadcast %shift_right_logical3A : i32 to vector<16xi32>
      %shift_right_logical3A_328 = arith.shrui %bitcast3A, %shift_right_logical3A_327 : vector<16xi32>
      %and3A = vector.broadcast %scan3A_167 : i32 to vector<16xi32>
      %and3A_329 = arith.andi %shift_right_logical3A_328, %and3A : vector<16xi32>
      %bitcast3A_330 = vector.bitcast %and3A_329 : vector<16xi32> to vector<16xi32>
      %bitcast3A_331 = vector.bitcast %scan3A_320 : vector<16xi32> to vector<16xi32>
      %shift_right_logical3A_332 = arith.constant 8 : i32
      %shift_right_logical3A_333 = vector.broadcast %shift_right_logical3A_332 : i32 to vector<16xi32>
      %shift_right_logical3A_334 = arith.shrui %bitcast3A_331, %shift_right_logical3A_333 : vector<16xi32>
      %and3A_335 = vector.broadcast %scan3A_167 : i32 to vector<16xi32>
      %and3A_336 = arith.andi %shift_right_logical3A_334, %and3A_335 : vector<16xi32>
      %bitcast3A_337 = vector.bitcast %and3A_336 : vector<16xi32> to vector<16xi32>
      %bitcast3A_338 = vector.bitcast %scan3A_321 : vector<16xi32> to vector<16xi32>
      %shift_right_logical3A_339 = arith.constant 8 : i32
      %shift_right_logical3A_340 = vector.broadcast %shift_right_logical3A_339 : i32 to vector<16xi32>
      %shift_right_logical3A_341 = arith.shrui %bitcast3A_338, %shift_right_logical3A_340 : vector<16xi32>
      %and3A_342 = vector.broadcast %scan3A_167 : i32 to vector<16xi32>
      %and3A_343 = arith.andi %shift_right_logical3A_341, %and3A_342 : vector<16xi32>
      %bitcast3A_344 = vector.bitcast %and3A_343 : vector<16xi32> to vector<16xi32>
      %bitcast3A_345 = vector.bitcast %scan3A_322 : vector<16xi32> to vector<16xi32>
      %shift_right_logical3A_346 = arith.constant 8 : i32
      %shift_right_logical3A_347 = vector.broadcast %shift_right_logical3A_346 : i32 to vector<16xi32>
      %shift_right_logical3A_348 = arith.shrui %bitcast3A_345, %shift_right_logical3A_347 : vector<16xi32>
      %and3A_349 = vector.broadcast %scan3A_167 : i32 to vector<16xi32>
      %and3A_350 = arith.andi %shift_right_logical3A_348, %and3A_349 : vector<16xi32>
      %bitcast3A_351 = vector.bitcast %and3A_350 : vector<16xi32> to vector<16xi32>
      %shift_right_arithmetic3A = arith.constant 4 : i32
      %shift_right_arithmetic3A_352 = vector.broadcast %shift_right_arithmetic3A : i32 to vector<16xi32>
      %shift_right_arithmetic3A_353 = arith.shrsi %scan3A_319, %shift_right_arithmetic3A_352 : vector<16xi32>
      %and3A_354 = arith.constant 268431360 : i32
      %and3A_355 = vector.broadcast %and3A_354 : i32 to vector<16xi32>
      %and3A_356 = arith.andi %shift_right_arithmetic3A_353, %and3A_355 : vector<16xi32>
      %or3A = arith.ori %and3A_356, %scan3A_323 : vector<16xi32>
      %shift_right_arithmetic3A_357 = arith.constant 4 : i32
      %shift_right_arithmetic3A_358 = vector.broadcast %shift_right_arithmetic3A_357 : i32 to vector<16xi32>
      %shift_right_arithmetic3A_359 = arith.shrsi %scan3A_320, %shift_right_arithmetic3A_358 : vector<16xi32>
      %and3A_360 = arith.constant 268431360 : i32
      %and3A_361 = vector.broadcast %and3A_360 : i32 to vector<16xi32>
      %and3A_362 = arith.andi %shift_right_arithmetic3A_359, %and3A_361 : vector<16xi32>
      %or3A_363 = arith.ori %and3A_362, %scan3A_324 : vector<16xi32>
      %shift_right_arithmetic3A_364 = arith.constant 4 : i32
      %shift_right_arithmetic3A_365 = vector.broadcast %shift_right_arithmetic3A_364 : i32 to vector<16xi32>
      %shift_right_arithmetic3A_366 = arith.shrsi %scan3A_321, %shift_right_arithmetic3A_365 : vector<16xi32>
      %and3A_367 = arith.constant 268431360 : i32
      %and3A_368 = vector.broadcast %and3A_367 : i32 to vector<16xi32>
      %and3A_369 = arith.andi %shift_right_arithmetic3A_366, %and3A_368 : vector<16xi32>
      %or3A_370 = arith.ori %and3A_369, %scan3A_325 : vector<16xi32>
      %shift_right_arithmetic3A_371 = arith.constant 4 : i32
      %shift_right_arithmetic3A_372 = vector.broadcast %shift_right_arithmetic3A_371 : i32 to vector<16xi32>
      %shift_right_arithmetic3A_373 = arith.shrsi %scan3A_322, %shift_right_arithmetic3A_372 : vector<16xi32>
      %and3A_374 = arith.constant 268431360 : i32
      %and3A_375 = vector.broadcast %and3A_374 : i32 to vector<16xi32>
      %and3A_376 = arith.andi %shift_right_arithmetic3A_373, %and3A_375 : vector<16xi32>
      %or3A_377 = arith.ori %and3A_376, %scan3A_326 : vector<16xi32>
      %broadcast_in_dim3A_378 = arith.constant true
      %broadcast_in_dim3A_379 = vector.broadcast %broadcast_in_dim3A_378 : i1 to vector<16xi1>
      %unique3A, %unique3A_380 = tpu.scan_count mask(%broadcast_in_dim3A_379 : vector<16xi1>) value(%bitcast3A_330 : vector<16xi32>) : vector<16xi1>, vector<16xi32>
      %broadcast_in_dim3A_381 = arith.constant true
      %broadcast_in_dim3A_382 = vector.broadcast %broadcast_in_dim3A_381 : i1 to vector<16xi1>
      %unique3A_383, %unique3A_384 = tpu.scan_count mask(%broadcast_in_dim3A_382 : vector<16xi1>) value(%bitcast3A_337 : vector<16xi32>) : vector<16xi1>, vector<16xi32>
      %broadcast_in_dim3A_385 = arith.constant true
      %broadcast_in_dim3A_386 = vector.broadcast %broadcast_in_dim3A_385 : i1 to vector<16xi1>
      %unique3A_387, %unique3A_388 = tpu.scan_count mask(%broadcast_in_dim3A_386 : vector<16xi1>) value(%bitcast3A_344 : vector<16xi32>) : vector<16xi1>, vector<16xi32>
      %broadcast_in_dim3A_389 = arith.constant true
      %broadcast_in_dim3A_390 = vector.broadcast %broadcast_in_dim3A_389 : i1 to vector<16xi1>
      %unique3A_391, %unique3A_392 = tpu.scan_count mask(%broadcast_in_dim3A_390 : vector<16xi1>) value(%bitcast3A_351 : vector<16xi32>) : vector<16xi1>, vector<16xi32>
      %gather3A = tpu.vector_load_idx %arg13[%bitcast3A_330] : memref<256xi32, #tpu.memory_space<vmem>>[vector<16xi32>], vector<16xi32>,
      %gather3A_393 = tpu.vector_load_idx %arg14[%bitcast3A_337] : memref<256xi32, #tpu.memory_space<vmem>>[vector<16xi32>], vector<16xi32>,
      %gather3A_394 = tpu.vector_load_idx %arg15[%bitcast3A_344] : memref<256xi32, #tpu.memory_space<vmem>>[vector<16xi32>], vector<16xi32>,
      %gather3A_395 = tpu.vector_load_idx %arg16[%bitcast3A_351] : memref<256xi32, #tpu.memory_space<vmem>>[vector<16xi32>], vector<16xi32>,
      %add3A_396 = arith.addi %gather3A, %unique3A_380 : vector<16xi32>
      %add3A_397 = arith.addi %gather3A_393, %unique3A_384 : vector<16xi32>
      %add3A_398 = arith.addi %gather3A_394, %unique3A_388 : vector<16xi32>
      %add3A_399 = arith.addi %gather3A_395, %unique3A_392 : vector<16xi32>
      %add3A_400 = arith.constant 1 : i32
      %add3A_401 = arith.addi %scan3A_318, %add3A_400 : i32
      %min3A = arith.constant 255 : i32
      %min3A_402 = arith.minsi %add3A_401, %min3A : i32
      %mul3A_403 = arith.constant 16 : i32
      %mul3A_404 = arith.muli %min3A_402, %mul3A_403 : i32
      %add3A_405 = arith.constant 0 : i32
      %add3A_406 = arith.addi %add3A_405, %mul3A_404 : i32
      %get3A_407 = arith.index_cast %add3A_406 : i32 to index
      %get3A_408 = tpu.vector_load %arg6[%get3A_407] {strides = array<i32>} : memref<16384xi32, #tpu.memory_space<vmem>>, vector<16xi32>,
      %add3A_409 = arith.constant 4096 : i32
      %add3A_410 = arith.addi %add3A_409, %mul3A_404 : i32
      %get3A_411 = arith.index_cast %add3A_410 : i32 to index
      %get3A_412 = tpu.vector_load %arg6[%get3A_411] {strides = array<i32>} : memref<16384xi32, #tpu.memory_space<vmem>>, vector<16xi32>,
      %add3A_413 = arith.constant 8192 : i32
      %add3A_414 = arith.addi %add3A_413, %mul3A_404 : i32
      %get3A_415 = arith.index_cast %add3A_414 : i32 to index
      %get3A_416 = tpu.vector_load %arg6[%get3A_415] {strides = array<i32>} : memref<16384xi32, #tpu.memory_space<vmem>>, vector<16xi32>,
      %add3A_417 = arith.constant 12288 : i32
      %add3A_418 = arith.addi %add3A_417, %mul3A_404 : i32
      %get3A_419 = arith.index_cast %add3A_418 : i32 to index
      %get3A_420 = tpu.vector_load %arg6[%get3A_419] {strides = array<i32>} : memref<16384xi32, #tpu.memory_space<vmem>>, vector<16xi32>,
      %add3A_421 = arith.constant 0 : i32
      %add3A_422 = arith.addi %add3A_421, %mul3A_404 : i32
      %get3A_423 = arith.index_cast %add3A_422 : i32 to index
      %get3A_424 = tpu.vector_load %arg7[%get3A_423] {strides = array<i32>} : memref<16384xi32, #tpu.memory_space<vmem>>, vector<16xi32>,
      %add3A_425 = arith.constant 4096 : i32
      %add3A_426 = arith.addi %add3A_425, %mul3A_404 : i32
      %get3A_427 = arith.index_cast %add3A_426 : i32 to index
      %get3A_428 = tpu.vector_load %arg7[%get3A_427] {strides = array<i32>} : memref<16384xi32, #tpu.memory_space<vmem>>, vector<16xi32>,
      %add3A_429 = arith.constant 8192 : i32
      %add3A_430 = arith.addi %add3A_429, %mul3A_404 : i32
      %get3A_431 = arith.index_cast %add3A_430 : i32 to index
      %get3A_432 = tpu.vector_load %arg7[%get3A_431] {strides = array<i32>} : memref<16384xi32, #tpu.memory_space<vmem>>, vector<16xi32>,
      %add3A_433 = arith.constant 12288 : i32
      %add3A_434 = arith.addi %add3A_433, %mul3A_404 : i32
      %get3A_435 = arith.index_cast %add3A_434 : i32 to index
      %get3A_436 = tpu.vector_load %arg7[%get3A_435] {strides = array<i32>} : memref<16384xi32, #tpu.memory_space<vmem>>, vector<16xi32>,
      tpu.vector_store_idx %arg5[%add3A_396], %or3A : memref<16384xi32, #tpu.memory_space<vmem>>[vector<16xi32>], vector<16xi32>,
      tpu.vector_store_idx %arg5[%add3A_397], %or3A_363 : memref<16384xi32, #tpu.memory_space<vmem>>[vector<16xi32>], vector<16xi32>,
      tpu.vector_store_idx %arg5[%add3A_398], %or3A_370 : memref<16384xi32, #tpu.memory_space<vmem>>[vector<16xi32>], vector<16xi32>,
      tpu.vector_store_idx %arg5[%add3A_399], %or3A_377 : memref<16384xi32, #tpu.memory_space<vmem>>[vector<16xi32>], vector<16xi32>,
      tpu.vector_store_idx %arg13[%bitcast3A_330], %unique3A_380 masked %unique3A {add = true} : memref<256xi32, #tpu.memory_space<vmem>>[vector<16xi32>], vector<16xi32>, vector<16xi1>
      tpu.vector_store_idx %arg14[%bitcast3A_337], %unique3A_384 masked %unique3A_383 {add = true} : memref<256xi32, #tpu.memory_space<vmem>>[vector<16xi32>], vector<16xi32>, vector<16xi1>
      tpu.vector_store_idx %arg15[%bitcast3A_344], %unique3A_388 masked %unique3A_387 {add = true} : memref<256xi32, #tpu.memory_space<vmem>>[vector<16xi32>], vector<16xi32>, vector<16xi1>
      tpu.vector_store_idx %arg16[%bitcast3A_351], %unique3A_392 masked %unique3A_391 {add = true} : memref<256xi32, #tpu.memory_space<vmem>>[vector<16xi32>], vector<16xi32>, vector<16xi1>
      scf.yield %get3A_408, %get3A_412, %get3A_416, %get3A_420, %get3A_424, %get3A_428, %get3A_432, %get3A_436 : vector<16xi32>, vector<16xi32>, vector<16xi32>, vector<16xi32>, vector<16xi32>, vector<16xi32>, vector<16xi32>, vector<16xi32>
    }
    %scan3A_173 = arith.constant 256 : i32
    %scan3A_174 = arith.constant 0 : i32
    %scan3A_175 = arith.constant 0 : i32
    %scan3A_176 = arith.constant 0 : i32
    %scan3A_177 = arith.constant 0 : i32
    %scan3A_178 = arith.constant 0 : i32
    %scan3A_179 = arith.constant 16 : i32
    %scan3A_180 = arith.addi %scan3A_178, %scan3A_179 : i32
    %scan3A_181 = arith.constant 1 : i32
    %scan3A_182:4 = scf.for %scan3A_318 = %scan3A_178 to %scan3A_180 step %scan3A_181 iter_args(%scan3A_319 = %scan3A_174, %scan3A_320 = %scan3A_175, %scan3A_321 = %scan3A_176, %scan3A_322 = %scan3A_177) -> (i32, i32, i32, i32)  : i32 {
      %mul3A_323 = arith.constant 16 : i32
      %mul3A_324 = arith.muli %scan3A_318, %mul3A_323 : i32
      %add3A_325 = arith.constant 512 : i32
      %add3A_326 = arith.addi %add3A_325, %mul3A_324 : i32
      %get3A_327 = arith.index_cast %add3A_326 : i32 to index
      %get3A_328 = tpu.vector_load %arg9[%get3A_327] {strides = array<i32>} : memref<1024xi32, #tpu.memory_space<vmem>>, vector<16xi32>,
      %broadcast_in_dim3A_329 = arith.constant true
      %broadcast_in_dim3A_330 = vector.broadcast %broadcast_in_dim3A_329 : i1 to vector<16xi1>
      %masked_cumsum3A = tpu.scan <sum>, %get3A_328 masked %broadcast_in_dim3A_330 : vector<16xi32>, vector<16xi1> -> vector<16xi32>
      %sub3A = arith.constant 1 : i32
      %sub3A_331 = arith.subi %scan3A_319, %sub3A : i32
      %add3A_332 = arith.constant 0 : i32
      %add3A_333 = arith.addi %sub3A_331, %add3A_332 : i32
      %sub3A_334 = arith.subi %masked_cumsum3A, %get3A_328 : vector<16xi32>
      %add3A_335 = vector.broadcast %add3A_333 : i32 to vector<16xi32>
      %add3A_336 = arith.addi %sub3A_334, %add3A_335 : vector<16xi32>
      %mul3A_337 = arith.constant 16 : i32
      %mul3A_338 = arith.muli %scan3A_318, %mul3A_337 : i32
      %swap3A = arith.index_cast %mul3A_338 : i32 to index
      %swap3A_339 = tpu.vector_load %arg13[%swap3A] {strides = array<i32>} : memref<256xi32, #tpu.memory_space<vmem>>, vector<16xi32>,
      tpu.vector_store %arg13[%swap3A], %add3A_336 {strides = array<i32>} : memref<256xi32, #tpu.memory_space<vmem>>, vector<16xi32>,
      %reduce_sum3A = arith.constant true
      %reduce_sum3A_340 = vector.broadcast %reduce_sum3A : i1 to vector<16xi1>
      %reduce_sum3A_341 = tpu.scan <sum>, %get3A_328 masked %reduce_sum3A_340 : vector<16xi32>, vector<16xi1> -> vector<16xi32>
      %reduce_sum3A_342 = vector.extract %reduce_sum3A_341[15] : i32 from vector<16xi32>
      %add3A_343 = arith.addi %scan3A_319, %reduce_sum3A_342 : i32
      %mul3A_344 = arith.constant 16 : i32
      %mul3A_345 = arith.muli %scan3A_318, %mul3A_344 : i32
      %add3A_346 = arith.constant 512 : i32
      %add3A_347 = arith.addi %add3A_346, %mul3A_345 : i32
      %get3A_348 = arith.index_cast %add3A_347 : i32 to index
      %get3A_349 = tpu.vector_load %arg10[%get3A_348] {strides = array<i32>} : memref<1024xi32, #tpu.memory_space<vmem>>, vector<16xi32>,
      %broadcast_in_dim3A_350 = arith.constant true
      %broadcast_in_dim3A_351 = vector.broadcast %broadcast_in_dim3A_350 : i1 to vector<16xi1>
      %masked_cumsum3A_352 = tpu.scan <sum>, %get3A_349 masked %broadcast_in_dim3A_351 : vector<16xi32>, vector<16xi1> -> vector<16xi32>
      %sub3A_353 = arith.constant 1 : i32
      %sub3A_354 = arith.subi %scan3A_320, %sub3A_353 : i32
      %add3A_355 = arith.constant 4096 : i32
      %add3A_356 = arith.addi %sub3A_354, %add3A_355 : i32
      %sub3A_357 = arith.subi %masked_cumsum3A_352, %get3A_349 : vector<16xi32>
      %add3A_358 = vector.broadcast %add3A_356 : i32 to vector<16xi32>
      %add3A_359 = arith.addi %sub3A_357, %add3A_358 : vector<16xi32>
      %mul3A_360 = arith.constant 16 : i32
      %mul3A_361 = arith.muli %scan3A_318, %mul3A_360 : i32
      %swap3A_362 = arith.index_cast %mul3A_361 : i32 to index
      %swap3A_363 = tpu.vector_load %arg14[%swap3A_362] {strides = array<i32>} : memref<256xi32, #tpu.memory_space<vmem>>, vector<16xi32>,
      tpu.vector_store %arg14[%swap3A_362], %add3A_359 {strides = array<i32>} : memref<256xi32, #tpu.memory_space<vmem>>, vector<16xi32>,
      %reduce_sum3A_364 = arith.constant true
      %reduce_sum3A_365 = vector.broadcast %reduce_sum3A_364 : i1 to vector<16xi1>
      %reduce_sum3A_366 = tpu.scan <sum>, %get3A_349 masked %reduce_sum3A_365 : vector<16xi32>, vector<16xi1> -> vector<16xi32>
      %reduce_sum3A_367 = vector.extract %reduce_sum3A_366[15] : i32 from vector<16xi32>
      %add3A_368 = arith.addi %scan3A_320, %reduce_sum3A_367 : i32
      %mul3A_369 = arith.constant 16 : i32
      %mul3A_370 = arith.muli %scan3A_318, %mul3A_369 : i32
      %add3A_371 = arith.constant 512 : i32
      %add3A_372 = arith.addi %add3A_371, %mul3A_370 : i32
      %get3A_373 = arith.index_cast %add3A_372 : i32 to index
      %get3A_374 = tpu.vector_load %arg11[%get3A_373] {strides = array<i32>} : memref<1024xi32, #tpu.memory_space<vmem>>, vector<16xi32>,
      %broadcast_in_dim3A_375 = arith.constant true
      %broadcast_in_dim3A_376 = vector.broadcast %broadcast_in_dim3A_375 : i1 to vector<16xi1>
      %masked_cumsum3A_377 = tpu.scan <sum>, %get3A_374 masked %broadcast_in_dim3A_376 : vector<16xi32>, vector<16xi1> -> vector<16xi32>
      %sub3A_378 = arith.constant 1 : i32
      %sub3A_379 = arith.subi %scan3A_321, %sub3A_378 : i32
      %add3A_380 = arith.constant 8192 : i32
      %add3A_381 = arith.addi %sub3A_379, %add3A_380 : i32
      %sub3A_382 = arith.subi %masked_cumsum3A_377, %get3A_374 : vector<16xi32>
      %add3A_383 = vector.broadcast %add3A_381 : i32 to vector<16xi32>
      %add3A_384 = arith.addi %sub3A_382, %add3A_383 : vector<16xi32>
      %mul3A_385 = arith.constant 16 : i32
      %mul3A_386 = arith.muli %scan3A_318, %mul3A_385 : i32
      %swap3A_387 = arith.index_cast %mul3A_386 : i32 to index
      %swap3A_388 = tpu.vector_load %arg15[%swap3A_387] {strides = array<i32>} : memref<256xi32, #tpu.memory_space<vmem>>, vector<16xi32>,
      tpu.vector_store %arg15[%swap3A_387], %add3A_384 {strides = array<i32>} : memref<256xi32, #tpu.memory_space<vmem>>, vector<16xi32>,
      %reduce_sum3A_389 = arith.constant true
      %reduce_sum3A_390 = vector.broadcast %reduce_sum3A_389 : i1 to vector<16xi1>
      %reduce_sum3A_391 = tpu.scan <sum>, %get3A_374 masked %reduce_sum3A_390 : vector<16xi32>, vector<16xi1> -> vector<16xi32>
      %reduce_sum3A_392 = vector.extract %reduce_sum3A_391[15] : i32 from vector<16xi32>
      %add3A_393 = arith.addi %scan3A_321, %reduce_sum3A_392 : i32
      %mul3A_394 = arith.constant 16 : i32
      %mul3A_395 = arith.muli %scan3A_318, %mul3A_394 : i32
      %add3A_396 = arith.constant 512 : i32
      %add3A_397 = arith.addi %add3A_396, %mul3A_395 : i32
      %get3A_398 = arith.index_cast %add3A_397 : i32 to index
      %get3A_399 = tpu.vector_load %arg12[%get3A_398] {strides = array<i32>} : memref<1024xi32, #tpu.memory_space<vmem>>, vector<16xi32>,
      %broadcast_in_dim3A_400 = arith.constant true
      %broadcast_in_dim3A_401 = vector.broadcast %broadcast_in_dim3A_400 : i1 to vector<16xi1>
      %masked_cumsum3A_402 = tpu.scan <sum>, %get3A_399 masked %broadcast_in_dim3A_401 : vector<16xi32>, vector<16xi1> -> vector<16xi32>
      %sub3A_403 = arith.constant 1 : i32
      %sub3A_404 = arith.subi %scan3A_322, %sub3A_403 : i32
      %add3A_405 = arith.constant 12288 : i32
      %add3A_406 = arith.addi %sub3A_404, %add3A_405 : i32
      %sub3A_407 = arith.subi %masked_cumsum3A_402, %get3A_399 : vector<16xi32>
      %add3A_408 = vector.broadcast %add3A_406 : i32 to vector<16xi32>
      %add3A_409 = arith.addi %sub3A_407, %add3A_408 : vector<16xi32>
      %mul3A_410 = arith.constant 16 : i32
      %mul3A_411 = arith.muli %scan3A_318, %mul3A_410 : i32
      %swap3A_412 = arith.index_cast %mul3A_411 : i32 to index
      %swap3A_413 = tpu.vector_load %arg16[%swap3A_412] {strides = array<i32>} : memref<256xi32, #tpu.memory_space<vmem>>, vector<16xi32>,
      tpu.vector_store %arg16[%swap3A_412], %add3A_409 {strides = array<i32>} : memref<256xi32, #tpu.memory_space<vmem>>, vector<16xi32>,
      %reduce_sum3A_414 = arith.constant true
      %reduce_sum3A_415 = vector.broadcast %reduce_sum3A_414 : i1 to vector<16xi1>
      %reduce_sum3A_416 = tpu.scan <sum>, %get3A_399 masked %reduce_sum3A_415 : vector<16xi32>, vector<16xi1> -> vector<16xi32>
      %reduce_sum3A_417 = vector.extract %reduce_sum3A_416[15] : i32 from vector<16xi32>
      %add3A_418 = arith.addi %scan3A_322, %reduce_sum3A_417 : i32
      scf.yield %add3A_343, %add3A_368, %add3A_393, %add3A_418 : i32, i32, i32, i32
    }
    %scan3A_183 = arith.constant 16 : i32
    %get3A_184 = arith.constant 0 : index
    %get3A_185 = tpu.vector_load %arg5[%get3A_184] {strides = array<i32>} : memref<16384xi32, #tpu.memory_space<vmem>>, vector<16xi32>,
    %get3A_186 = arith.constant 4096 : index
    %get3A_187 = tpu.vector_load %arg5[%get3A_186] {strides = array<i32>} : memref<16384xi32, #tpu.memory_space<vmem>>, vector<16xi32>,
    %get3A_188 = arith.constant 8192 : index
    %get3A_189 = tpu.vector_load %arg5[%get3A_188] {strides = array<i32>} : memref<16384xi32, #tpu.memory_space<vmem>>, vector<16xi32>,
    %get3A_190 = arith.constant 12288 : index
    %get3A_191 = tpu.vector_load %arg5[%get3A_190] {strides = array<i32>} : memref<16384xi32, #tpu.memory_space<vmem>>, vector<16xi32>,
    %scan3A_192 = arith.constant 0 : i32
    %scan3A_193 = arith.constant 256 : i32
    %scan3A_194 = arith.addi %scan3A_192, %scan3A_193 : i32
    %scan3A_195 = arith.constant 1 : i32
    %scan3A_196:4 = scf.for %scan3A_318 = %scan3A_192 to %scan3A_194 step %scan3A_195 iter_args(%scan3A_319 = %get3A_185, %scan3A_320 = %get3A_187, %scan3A_321 = %get3A_189, %scan3A_322 = %get3A_191) -> (vector<16xi32>, vector<16xi32>, vector<16xi32>, vector<16xi32>)  : i32 {
      %shift_right_arithmetic3A = arith.constant 12 : i32
      %shift_right_arithmetic3A_323 = vector.broadcast %shift_right_arithmetic3A : i32 to vector<16xi32>
      %shift_right_arithmetic3A_324 = arith.shrsi %scan3A_319, %shift_right_arithmetic3A_323 : vector<16xi32>
      %and3A = arith.constant 255 : i32
      %and3A_325 = vector.broadcast %and3A : i32 to vector<16xi32>
      %and3A_326 = arith.andi %shift_right_arithmetic3A_324, %and3A_325 : vector<16xi32>
      %shift_right_arithmetic3A_327 = arith.constant 12 : i32
      %shift_right_arithmetic3A_328 = vector.broadcast %shift_right_arithmetic3A_327 : i32 to vector<16xi32>
      %shift_right_arithmetic3A_329 = arith.shrsi %scan3A_320, %shift_right_arithmetic3A_328 : vector<16xi32>
      %and3A_330 = arith.constant 255 : i32
      %and3A_331 = vector.broadcast %and3A_330 : i32 to vector<16xi32>
      %and3A_332 = arith.andi %shift_right_arithmetic3A_329, %and3A_331 : vector<16xi32>
      %shift_right_arithmetic3A_333 = arith.constant 12 : i32
      %shift_right_arithmetic3A_334 = vector.broadcast %shift_right_arithmetic3A_333 : i32 to vector<16xi32>
      %shift_right_arithmetic3A_335 = arith.shrsi %scan3A_321, %shift_right_arithmetic3A_334 : vector<16xi32>
      %and3A_336 = arith.constant 255 : i32
      %and3A_337 = vector.broadcast %and3A_336 : i32 to vector<16xi32>
      %and3A_338 = arith.andi %shift_right_arithmetic3A_335, %and3A_337 : vector<16xi32>
      %shift_right_arithmetic3A_339 = arith.constant 12 : i32
      %shift_right_arithmetic3A_340 = vector.broadcast %shift_right_arithmetic3A_339 : i32 to vector<16xi32>
      %shift_right_arithmetic3A_341 = arith.shrsi %scan3A_322, %shift_right_arithmetic3A_340 : vector<16xi32>
      %and3A_342 = arith.constant 255 : i32
      %and3A_343 = vector.broadcast %and3A_342 : i32 to vector<16xi32>
      %and3A_344 = arith.andi %shift_right_arithmetic3A_341, %and3A_343 : vector<16xi32>
      %broadcast_in_dim3A_345 = arith.constant true
      %broadcast_in_dim3A_346 = vector.broadcast %broadcast_in_dim3A_345 : i1 to vector<16xi1>
      %unique3A, %unique3A_347 = tpu.scan_count mask(%broadcast_in_dim3A_346 : vector<16xi1>) value(%and3A_326 : vector<16xi32>) : vector<16xi1>, vector<16xi32>
      %broadcast_in_dim3A_348 = arith.constant true
      %broadcast_in_dim3A_349 = vector.broadcast %broadcast_in_dim3A_348 : i1 to vector<16xi1>
      %unique3A_350, %unique3A_351 = tpu.scan_count mask(%broadcast_in_dim3A_349 : vector<16xi1>) value(%and3A_332 : vector<16xi32>) : vector<16xi1>, vector<16xi32>
      %broadcast_in_dim3A_352 = arith.constant true
      %broadcast_in_dim3A_353 = vector.broadcast %broadcast_in_dim3A_352 : i1 to vector<16xi1>
      %unique3A_354, %unique3A_355 = tpu.scan_count mask(%broadcast_in_dim3A_353 : vector<16xi1>) value(%and3A_338 : vector<16xi32>) : vector<16xi1>, vector<16xi32>
      %broadcast_in_dim3A_356 = arith.constant true
      %broadcast_in_dim3A_357 = vector.broadcast %broadcast_in_dim3A_356 : i1 to vector<16xi1>
      %unique3A_358, %unique3A_359 = tpu.scan_count mask(%broadcast_in_dim3A_357 : vector<16xi1>) value(%and3A_344 : vector<16xi32>) : vector<16xi1>, vector<16xi32>
      %gather3A = tpu.vector_load_idx %arg13[%and3A_326] : memref<256xi32, #tpu.memory_space<vmem>>[vector<16xi32>], vector<16xi32>,
      %gather3A_360 = tpu.vector_load_idx %arg14[%and3A_332] : memref<256xi32, #tpu.memory_space<vmem>>[vector<16xi32>], vector<16xi32>,
      %gather3A_361 = tpu.vector_load_idx %arg15[%and3A_338] : memref<256xi32, #tpu.memory_space<vmem>>[vector<16xi32>], vector<16xi32>,
      %gather3A_362 = tpu.vector_load_idx %arg16[%and3A_344] : memref<256xi32, #tpu.memory_space<vmem>>[vector<16xi32>], vector<16xi32>,
      %add3A_363 = arith.addi %gather3A, %unique3A_347 : vector<16xi32>
      %add3A_364 = arith.addi %gather3A_360, %unique3A_351 : vector<16xi32>
      %add3A_365 = arith.addi %gather3A_361, %unique3A_355 : vector<16xi32>
      %add3A_366 = arith.addi %gather3A_362, %unique3A_359 : vector<16xi32>
      %add3A_367 = arith.constant 1 : i32
      %add3A_368 = arith.addi %scan3A_318, %add3A_367 : i32
      %min3A = arith.constant 255 : i32
      %min3A_369 = arith.minsi %add3A_368, %min3A : i32
      %mul3A_370 = arith.constant 16 : i32
      %mul3A_371 = arith.muli %min3A_369, %mul3A_370 : i32
      %add3A_372 = arith.constant 0 : i32
      %add3A_373 = arith.addi %add3A_372, %mul3A_371 : i32
      %get3A_374 = arith.index_cast %add3A_373 : i32 to index
      %get3A_375 = tpu.vector_load %arg5[%get3A_374] {strides = array<i32>} : memref<16384xi32, #tpu.memory_space<vmem>>, vector<16xi32>,
      %add3A_376 = arith.constant 4096 : i32
      %add3A_377 = arith.addi %add3A_376, %mul3A_371 : i32
      %get3A_378 = arith.index_cast %add3A_377 : i32 to index
      %get3A_379 = tpu.vector_load %arg5[%get3A_378] {strides = array<i32>} : memref<16384xi32, #tpu.memory_space<vmem>>, vector<16xi32>,
      %add3A_380 = arith.constant 8192 : i32
      %add3A_381 = arith.addi %add3A_380, %mul3A_371 : i32
      %get3A_382 = arith.index_cast %add3A_381 : i32 to index
      %get3A_383 = tpu.vector_load %arg5[%get3A_382] {strides = array<i32>} : memref<16384xi32, #tpu.memory_space<vmem>>, vector<16xi32>,
      %add3A_384 = arith.constant 12288 : i32
      %add3A_385 = arith.addi %add3A_384, %mul3A_371 : i32
      %get3A_386 = arith.index_cast %add3A_385 : i32 to index
      %get3A_387 = tpu.vector_load %arg5[%get3A_386] {strides = array<i32>} : memref<16384xi32, #tpu.memory_space<vmem>>, vector<16xi32>,
      tpu.vector_store_idx %arg6[%add3A_363], %scan3A_319 : memref<16384xi32, #tpu.memory_space<vmem>>[vector<16xi32>], vector<16xi32>,
      tpu.vector_store_idx %arg6[%add3A_364], %scan3A_320 : memref<16384xi32, #tpu.memory_space<vmem>>[vector<16xi32>], vector<16xi32>,
      tpu.vector_store_idx %arg6[%add3A_365], %scan3A_321 : memref<16384xi32, #tpu.memory_space<vmem>>[vector<16xi32>], vector<16xi32>,
      tpu.vector_store_idx %arg6[%add3A_366], %scan3A_322 : memref<16384xi32, #tpu.memory_space<vmem>>[vector<16xi32>], vector<16xi32>,
      tpu.vector_store_idx %arg13[%and3A_326], %unique3A_347 masked %unique3A {add = true} : memref<256xi32, #tpu.memory_space<vmem>>[vector<16xi32>], vector<16xi32>, vector<16xi1>
      tpu.vector_store_idx %arg14[%and3A_332], %unique3A_351 masked %unique3A_350 {add = true} : memref<256xi32, #tpu.memory_space<vmem>>[vector<16xi32>], vector<16xi32>, vector<16xi1>
      tpu.vector_store_idx %arg15[%and3A_338], %unique3A_355 masked %unique3A_354 {add = true} : memref<256xi32, #tpu.memory_space<vmem>>[vector<16xi32>], vector<16xi32>, vector<16xi1>
      tpu.vector_store_idx %arg16[%and3A_344], %unique3A_359 masked %unique3A_358 {add = true} : memref<256xi32, #tpu.memory_space<vmem>>[vector<16xi32>], vector<16xi32>, vector<16xi1>
      scf.yield %get3A_375, %get3A_379, %get3A_383, %get3A_387 : vector<16xi32>, vector<16xi32>, vector<16xi32>, vector<16xi32>
    }
    %scan3A_197 = arith.constant 256 : i32
    %scan3A_198 = arith.constant 0 : i32
    %scan3A_199 = arith.constant 0 : i32
    %scan3A_200 = arith.constant 0 : i32
    %scan3A_201 = arith.constant 0 : i32
    %scan3A_202 = arith.constant 0 : i32
    %scan3A_203 = arith.constant 16 : i32
    %scan3A_204 = arith.addi %scan3A_202, %scan3A_203 : i32
    %scan3A_205 = arith.constant 1 : i32
    %scan3A_206:4 = scf.for %scan3A_318 = %scan3A_202 to %scan3A_204 step %scan3A_205 iter_args(%scan3A_319 = %scan3A_198, %scan3A_320 = %scan3A_199, %scan3A_321 = %scan3A_200, %scan3A_322 = %scan3A_201) -> (i32, i32, i32, i32)  : i32 {
      %mul3A_323 = arith.constant 16 : i32
      %mul3A_324 = arith.muli %scan3A_318, %mul3A_323 : i32
      %add3A_325 = arith.constant 768 : i32
      %add3A_326 = arith.addi %add3A_325, %mul3A_324 : i32
      %get3A_327 = arith.index_cast %add3A_326 : i32 to index
      %get3A_328 = tpu.vector_load %arg9[%get3A_327] {strides = array<i32>} : memref<1024xi32, #tpu.memory_space<vmem>>, vector<16xi32>,
      %broadcast_in_dim3A_329 = arith.constant true
      %broadcast_in_dim3A_330 = vector.broadcast %broadcast_in_dim3A_329 : i1 to vector<16xi1>
      %masked_cumsum3A = tpu.scan <sum>, %get3A_328 masked %broadcast_in_dim3A_330 : vector<16xi32>, vector<16xi1> -> vector<16xi32>
      %sub3A = arith.subi %masked_cumsum3A, %get3A_328 : vector<16xi32>
      %add3A_331 = vector.broadcast %scan3A_319 : i32 to vector<16xi32>
      %add3A_332 = arith.addi %sub3A, %add3A_331 : vector<16xi32>
      %mul3A_333 = arith.constant 16 : i32
      %mul3A_334 = arith.muli %scan3A_318, %mul3A_333 : i32
      %swap3A = arith.index_cast %mul3A_334 : i32 to index
      %swap3A_335 = tpu.vector_load %arg13[%swap3A] {strides = array<i32>} : memref<256xi32, #tpu.memory_space<vmem>>, vector<16xi32>,
      tpu.vector_store %arg13[%swap3A], %add3A_332 {strides = array<i32>} : memref<256xi32, #tpu.memory_space<vmem>>, vector<16xi32>,
      %reduce_sum3A = arith.constant true
      %reduce_sum3A_336 = vector.broadcast %reduce_sum3A : i1 to vector<16xi1>
      %reduce_sum3A_337 = tpu.scan <sum>, %get3A_328 masked %reduce_sum3A_336 : vector<16xi32>, vector<16xi1> -> vector<16xi32>
      %reduce_sum3A_338 = vector.extract %reduce_sum3A_337[15] : i32 from vector<16xi32>
      %add3A_339 = arith.addi %scan3A_319, %reduce_sum3A_338 : i32
      %mul3A_340 = arith.constant 16 : i32
      %mul3A_341 = arith.muli %scan3A_318, %mul3A_340 : i32
      %add3A_342 = arith.constant 768 : i32
      %add3A_343 = arith.addi %add3A_342, %mul3A_341 : i32
      %get3A_344 = arith.index_cast %add3A_343 : i32 to index
      %get3A_345 = tpu.vector_load %arg10[%get3A_344] {strides = array<i32>} : memref<1024xi32, #tpu.memory_space<vmem>>, vector<16xi32>,
      %broadcast_in_dim3A_346 = arith.constant true
      %broadcast_in_dim3A_347 = vector.broadcast %broadcast_in_dim3A_346 : i1 to vector<16xi1>
      %masked_cumsum3A_348 = tpu.scan <sum>, %get3A_345 masked %broadcast_in_dim3A_347 : vector<16xi32>, vector<16xi1> -> vector<16xi32>
      %sub3A_349 = arith.subi %masked_cumsum3A_348, %get3A_345 : vector<16xi32>
      %add3A_350 = vector.broadcast %scan3A_320 : i32 to vector<16xi32>
      %add3A_351 = arith.addi %sub3A_349, %add3A_350 : vector<16xi32>
      %mul3A_352 = arith.constant 16 : i32
      %mul3A_353 = arith.muli %scan3A_318, %mul3A_352 : i32
      %swap3A_354 = arith.index_cast %mul3A_353 : i32 to index
      %swap3A_355 = tpu.vector_load %arg14[%swap3A_354] {strides = array<i32>} : memref<256xi32, #tpu.memory_space<vmem>>, vector<16xi32>,
      tpu.vector_store %arg14[%swap3A_354], %add3A_351 {strides = array<i32>} : memref<256xi32, #tpu.memory_space<vmem>>, vector<16xi32>,
      %reduce_sum3A_356 = arith.constant true
      %reduce_sum3A_357 = vector.broadcast %reduce_sum3A_356 : i1 to vector<16xi1>
      %reduce_sum3A_358 = tpu.scan <sum>, %get3A_345 masked %reduce_sum3A_357 : vector<16xi32>, vector<16xi1> -> vector<16xi32>
      %reduce_sum3A_359 = vector.extract %reduce_sum3A_358[15] : i32 from vector<16xi32>
      %add3A_360 = arith.addi %scan3A_320, %reduce_sum3A_359 : i32
      %mul3A_361 = arith.constant 16 : i32
      %mul3A_362 = arith.muli %scan3A_318, %mul3A_361 : i32
      %add3A_363 = arith.constant 768 : i32
      %add3A_364 = arith.addi %add3A_363, %mul3A_362 : i32
      %get3A_365 = arith.index_cast %add3A_364 : i32 to index
      %get3A_366 = tpu.vector_load %arg11[%get3A_365] {strides = array<i32>} : memref<1024xi32, #tpu.memory_space<vmem>>, vector<16xi32>,
      %broadcast_in_dim3A_367 = arith.constant true
      %broadcast_in_dim3A_368 = vector.broadcast %broadcast_in_dim3A_367 : i1 to vector<16xi1>
      %masked_cumsum3A_369 = tpu.scan <sum>, %get3A_366 masked %broadcast_in_dim3A_368 : vector<16xi32>, vector<16xi1> -> vector<16xi32>
      %sub3A_370 = arith.subi %masked_cumsum3A_369, %get3A_366 : vector<16xi32>
      %add3A_371 = vector.broadcast %scan3A_321 : i32 to vector<16xi32>
      %add3A_372 = arith.addi %sub3A_370, %add3A_371 : vector<16xi32>
      %mul3A_373 = arith.constant 16 : i32
      %mul3A_374 = arith.muli %scan3A_318, %mul3A_373 : i32
      %swap3A_375 = arith.index_cast %mul3A_374 : i32 to index
      %swap3A_376 = tpu.vector_load %arg15[%swap3A_375] {strides = array<i32>} : memref<256xi32, #tpu.memory_space<vmem>>, vector<16xi32>,
      tpu.vector_store %arg15[%swap3A_375], %add3A_372 {strides = array<i32>} : memref<256xi32, #tpu.memory_space<vmem>>, vector<16xi32>,
      %reduce_sum3A_377 = arith.constant true
      %reduce_sum3A_378 = vector.broadcast %reduce_sum3A_377 : i1 to vector<16xi1>
      %reduce_sum3A_379 = tpu.scan <sum>, %get3A_366 masked %reduce_sum3A_378 : vector<16xi32>, vector<16xi1> -> vector<16xi32>
      %reduce_sum3A_380 = vector.extract %reduce_sum3A_379[15] : i32 from vector<16xi32>
      %add3A_381 = arith.addi %scan3A_321, %reduce_sum3A_380 : i32
      %mul3A_382 = arith.constant 16 : i32
      %mul3A_383 = arith.muli %scan3A_318, %mul3A_382 : i32
      %add3A_384 = arith.constant 768 : i32
      %add3A_385 = arith.addi %add3A_384, %mul3A_383 : i32
      %get3A_386 = arith.index_cast %add3A_385 : i32 to index
      %get3A_387 = tpu.vector_load %arg12[%get3A_386] {strides = array<i32>} : memref<1024xi32, #tpu.memory_space<vmem>>, vector<16xi32>,
      %broadcast_in_dim3A_388 = arith.constant true
      %broadcast_in_dim3A_389 = vector.broadcast %broadcast_in_dim3A_388 : i1 to vector<16xi1>
      %masked_cumsum3A_390 = tpu.scan <sum>, %get3A_387 masked %broadcast_in_dim3A_389 : vector<16xi32>, vector<16xi1> -> vector<16xi32>
      %sub3A_391 = arith.subi %masked_cumsum3A_390, %get3A_387 : vector<16xi32>
      %add3A_392 = vector.broadcast %scan3A_322 : i32 to vector<16xi32>
      %add3A_393 = arith.addi %sub3A_391, %add3A_392 : vector<16xi32>
      %mul3A_394 = arith.constant 16 : i32
      %mul3A_395 = arith.muli %scan3A_318, %mul3A_394 : i32
      %swap3A_396 = arith.index_cast %mul3A_395 : i32 to index
      %swap3A_397 = tpu.vector_load %arg16[%swap3A_396] {strides = array<i32>} : memref<256xi32, #tpu.memory_space<vmem>>, vector<16xi32>,
      tpu.vector_store %arg16[%swap3A_396], %add3A_393 {strides = array<i32>} : memref<256xi32, #tpu.memory_space<vmem>>, vector<16xi32>,
      %reduce_sum3A_398 = arith.constant true
      %reduce_sum3A_399 = vector.broadcast %reduce_sum3A_398 : i1 to vector<16xi1>
      %reduce_sum3A_400 = tpu.scan <sum>, %get3A_387 masked %reduce_sum3A_399 : vector<16xi32>, vector<16xi1> -> vector<16xi32>
      %reduce_sum3A_401 = vector.extract %reduce_sum3A_400[15] : i32 from vector<16xi32>
      %add3A_402 = arith.addi %scan3A_322, %reduce_sum3A_401 : i32
      scf.yield %add3A_339, %add3A_360, %add3A_381, %add3A_402 : i32, i32, i32, i32
    }
    %scan3A_207 = arith.constant 16 : i32
    %get3A_208 = arith.constant 0 : index
    %get3A_209 = tpu.vector_load %arg6[%get3A_208] {strides = array<i32>} : memref<16384xi32, #tpu.memory_space<vmem>>, vector<16xi32>,
    %get3A_210 = arith.constant 4096 : index
    %get3A_211 = tpu.vector_load %arg6[%get3A_210] {strides = array<i32>} : memref<16384xi32, #tpu.memory_space<vmem>>, vector<16xi32>,
    %get3A_212 = arith.constant 8192 : index
    %get3A_213 = tpu.vector_load %arg6[%get3A_212] {strides = array<i32>} : memref<16384xi32, #tpu.memory_space<vmem>>, vector<16xi32>,
    %get3A_214 = arith.constant 12288 : index
    %get3A_215 = tpu.vector_load %arg6[%get3A_214] {strides = array<i32>} : memref<16384xi32, #tpu.memory_space<vmem>>, vector<16xi32>,
    %scan3A_216 = arith.constant 0 : i32
    %scan3A_217 = arith.constant 256 : i32
    %scan3A_218 = arith.addi %scan3A_216, %scan3A_217 : i32
    %scan3A_219 = arith.constant 1 : i32
    %scan3A_220:4 = scf.for %scan3A_318 = %scan3A_216 to %scan3A_218 step %scan3A_219 iter_args(%scan3A_319 = %get3A_209, %scan3A_320 = %get3A_211, %scan3A_321 = %get3A_213, %scan3A_322 = %get3A_215) -> (vector<16xi32>, vector<16xi32>, vector<16xi32>, vector<16xi32>)  : i32 {
      %shift_right_arithmetic3A = arith.constant 20 : i32
      %shift_right_arithmetic3A_323 = vector.broadcast %shift_right_arithmetic3A : i32 to vector<16xi32>
      %shift_right_arithmetic3A_324 = arith.shrsi %scan3A_319, %shift_right_arithmetic3A_323 : vector<16xi32>
      %and3A = arith.constant 255 : i32
      %and3A_325 = vector.broadcast %and3A : i32 to vector<16xi32>
      %and3A_326 = arith.andi %shift_right_arithmetic3A_324, %and3A_325 : vector<16xi32>
      %shift_right_arithmetic3A_327 = arith.constant 20 : i32
      %shift_right_arithmetic3A_328 = vector.broadcast %shift_right_arithmetic3A_327 : i32 to vector<16xi32>
      %shift_right_arithmetic3A_329 = arith.shrsi %scan3A_320, %shift_right_arithmetic3A_328 : vector<16xi32>
      %and3A_330 = arith.constant 255 : i32
      %and3A_331 = vector.broadcast %and3A_330 : i32 to vector<16xi32>
      %and3A_332 = arith.andi %shift_right_arithmetic3A_329, %and3A_331 : vector<16xi32>
      %shift_right_arithmetic3A_333 = arith.constant 20 : i32
      %shift_right_arithmetic3A_334 = vector.broadcast %shift_right_arithmetic3A_333 : i32 to vector<16xi32>
      %shift_right_arithmetic3A_335 = arith.shrsi %scan3A_321, %shift_right_arithmetic3A_334 : vector<16xi32>
      %and3A_336 = arith.constant 255 : i32
      %and3A_337 = vector.broadcast %and3A_336 : i32 to vector<16xi32>
      %and3A_338 = arith.andi %shift_right_arithmetic3A_335, %and3A_337 : vector<16xi32>
      %shift_right_arithmetic3A_339 = arith.constant 20 : i32
      %shift_right_arithmetic3A_340 = vector.broadcast %shift_right_arithmetic3A_339 : i32 to vector<16xi32>
      %shift_right_arithmetic3A_341 = arith.shrsi %scan3A_322, %shift_right_arithmetic3A_340 : vector<16xi32>
      %and3A_342 = arith.constant 255 : i32
      %and3A_343 = vector.broadcast %and3A_342 : i32 to vector<16xi32>
      %and3A_344 = arith.andi %shift_right_arithmetic3A_341, %and3A_343 : vector<16xi32>
      %and3A_345 = arith.constant 4095 : i32
      %and3A_346 = vector.broadcast %and3A_345 : i32 to vector<16xi32>
      %and3A_347 = arith.andi %scan3A_319, %and3A_346 : vector<16xi32>
      %and3A_348 = arith.constant 4095 : i32
      %and3A_349 = vector.broadcast %and3A_348 : i32 to vector<16xi32>
      %and3A_350 = arith.andi %scan3A_320, %and3A_349 : vector<16xi32>
      %and3A_351 = arith.constant 4095 : i32
      %and3A_352 = vector.broadcast %and3A_351 : i32 to vector<16xi32>
      %and3A_353 = arith.andi %scan3A_321, %and3A_352 : vector<16xi32>
      %and3A_354 = arith.constant 4095 : i32
      %and3A_355 = vector.broadcast %and3A_354 : i32 to vector<16xi32>
      %and3A_356 = arith.andi %scan3A_322, %and3A_355 : vector<16xi32>
      %broadcast_in_dim3A_357 = arith.constant true
      %broadcast_in_dim3A_358 = vector.broadcast %broadcast_in_dim3A_357 : i1 to vector<16xi1>
      %unique3A, %unique3A_359 = tpu.scan_count mask(%broadcast_in_dim3A_358 : vector<16xi1>) value(%and3A_326 : vector<16xi32>) : vector<16xi1>, vector<16xi32>
      %broadcast_in_dim3A_360 = arith.constant true
      %broadcast_in_dim3A_361 = vector.broadcast %broadcast_in_dim3A_360 : i1 to vector<16xi1>
      %unique3A_362, %unique3A_363 = tpu.scan_count mask(%broadcast_in_dim3A_361 : vector<16xi1>) value(%and3A_332 : vector<16xi32>) : vector<16xi1>, vector<16xi32>
      %broadcast_in_dim3A_364 = arith.constant true
      %broadcast_in_dim3A_365 = vector.broadcast %broadcast_in_dim3A_364 : i1 to vector<16xi1>
      %unique3A_366, %unique3A_367 = tpu.scan_count mask(%broadcast_in_dim3A_365 : vector<16xi1>) value(%and3A_338 : vector<16xi32>) : vector<16xi1>, vector<16xi32>
      %broadcast_in_dim3A_368 = arith.constant true
      %broadcast_in_dim3A_369 = vector.broadcast %broadcast_in_dim3A_368 : i1 to vector<16xi1>
      %unique3A_370, %unique3A_371 = tpu.scan_count mask(%broadcast_in_dim3A_369 : vector<16xi1>) value(%and3A_344 : vector<16xi32>) : vector<16xi1>, vector<16xi32>
      %gather3A = tpu.vector_load_idx %arg13[%and3A_326] : memref<256xi32, #tpu.memory_space<vmem>>[vector<16xi32>], vector<16xi32>,
      %gather3A_372 = tpu.vector_load_idx %arg14[%and3A_332] : memref<256xi32, #tpu.memory_space<vmem>>[vector<16xi32>], vector<16xi32>,
      %gather3A_373 = tpu.vector_load_idx %arg15[%and3A_338] : memref<256xi32, #tpu.memory_space<vmem>>[vector<16xi32>], vector<16xi32>,
      %gather3A_374 = tpu.vector_load_idx %arg16[%and3A_344] : memref<256xi32, #tpu.memory_space<vmem>>[vector<16xi32>], vector<16xi32>,
      %add3A_375 = arith.addi %gather3A, %unique3A_359 : vector<16xi32>
      %convert_element_type3A = arith.sitofp %add3A_375 : vector<16xi32> to vector<16xf32>
      %div3A = arith.constant 1.000000e+00 : f32
      %div3A_376 = vector.broadcast %div3A : f32 to vector<16xf32>
      %div3A_377 = arith.divf %div3A_376, %convert_element_type3A : vector<16xf32>
      %add3A_378 = arith.addi %gather3A_372, %unique3A_363 : vector<16xi32>
      %convert_element_type3A_379 = arith.sitofp %add3A_378 : vector<16xi32> to vector<16xf32>
      %div3A_380 = arith.constant 1.000000e+00 : f32
      %div3A_381 = vector.broadcast %div3A_380 : f32 to vector<16xf32>
      %div3A_382 = arith.divf %div3A_381, %convert_element_type3A_379 : vector<16xf32>
      %add3A_383 = arith.addi %gather3A_373, %unique3A_367 : vector<16xi32>
      %convert_element_type3A_384 = arith.sitofp %add3A_383 : vector<16xi32> to vector<16xf32>
      %div3A_385 = arith.constant 1.000000e+00 : f32
      %div3A_386 = vector.broadcast %div3A_385 : f32 to vector<16xf32>
      %div3A_387 = arith.divf %div3A_386, %convert_element_type3A_384 : vector<16xf32>
      %add3A_388 = arith.addi %gather3A_374, %unique3A_371 : vector<16xi32>
      %convert_element_type3A_389 = arith.sitofp %add3A_388 : vector<16xi32> to vector<16xf32>
      %div3A_390 = arith.constant 1.000000e+00 : f32
      %div3A_391 = vector.broadcast %div3A_390 : f32 to vector<16xf32>
      %div3A_392 = arith.divf %div3A_391, %convert_element_type3A_389 : vector<16xf32>
      %add3A_393 = arith.constant 1 : i32
      %add3A_394 = arith.addi %scan3A_318, %add3A_393 : i32
      %min3A = arith.constant 255 : i32
      %min3A_395 = arith.minsi %add3A_394, %min3A : i32
      %mul3A_396 = arith.constant 16 : i32
      %mul3A_397 = arith.muli %min3A_395, %mul3A_396 : i32
      %add3A_398 = arith.constant 0 : i32
      %add3A_399 = arith.addi %add3A_398, %mul3A_397 : i32
      %get3A_400 = arith.index_cast %add3A_399 : i32 to index
      %get3A_401 = tpu.vector_load %arg6[%get3A_400] {strides = array<i32>} : memref<16384xi32, #tpu.memory_space<vmem>>, vector<16xi32>,
      %add3A_402 = arith.constant 4096 : i32
      %add3A_403 = arith.addi %add3A_402, %mul3A_397 : i32
      %get3A_404 = arith.index_cast %add3A_403 : i32 to index
      %get3A_405 = tpu.vector_load %arg6[%get3A_404] {strides = array<i32>} : memref<16384xi32, #tpu.memory_space<vmem>>, vector<16xi32>,
      %add3A_406 = arith.constant 8192 : i32
      %add3A_407 = arith.addi %add3A_406, %mul3A_397 : i32
      %get3A_408 = arith.index_cast %add3A_407 : i32 to index
      %get3A_409 = tpu.vector_load %arg6[%get3A_408] {strides = array<i32>} : memref<16384xi32, #tpu.memory_space<vmem>>, vector<16xi32>,
      %add3A_410 = arith.constant 12288 : i32
      %add3A_411 = arith.addi %add3A_410, %mul3A_397 : i32
      %get3A_412 = arith.index_cast %add3A_411 : i32 to index
      %get3A_413 = tpu.vector_load %arg6[%get3A_412] {strides = array<i32>} : memref<16384xi32, #tpu.memory_space<vmem>>, vector<16xi32>,
      %add3A_414 = arith.constant 0 : i32
      %add3A_415 = vector.broadcast %add3A_414 : i32 to vector<16xi32>
      %add3A_416 = arith.addi %and3A_347, %add3A_415 : vector<16xi32>
      tpu.vector_store_idx %arg8[%add3A_416], %div3A_377 : memref<16384xf32, #tpu.memory_space<vmem>>[vector<16xi32>], vector<16xf32>,
      %add3A_417 = arith.constant 4096 : i32
      %add3A_418 = vector.broadcast %add3A_417 : i32 to vector<16xi32>
      %add3A_419 = arith.addi %and3A_350, %add3A_418 : vector<16xi32>
      tpu.vector_store_idx %arg8[%add3A_419], %div3A_382 : memref<16384xf32, #tpu.memory_space<vmem>>[vector<16xi32>], vector<16xf32>,
      %add3A_420 = arith.constant 8192 : i32
      %add3A_421 = vector.broadcast %add3A_420 : i32 to vector<16xi32>
      %add3A_422 = arith.addi %and3A_353, %add3A_421 : vector<16xi32>
      tpu.vector_store_idx %arg8[%add3A_422], %div3A_387 : memref<16384xf32, #tpu.memory_space<vmem>>[vector<16xi32>], vector<16xf32>,
      %add3A_423 = arith.constant 12288 : i32
      %add3A_424 = vector.broadcast %add3A_423 : i32 to vector<16xi32>
      %add3A_425 = arith.addi %and3A_356, %add3A_424 : vector<16xi32>
      tpu.vector_store_idx %arg8[%add3A_425], %div3A_392 : memref<16384xf32, #tpu.memory_space<vmem>>[vector<16xi32>], vector<16xf32>,
      tpu.vector_store_idx %arg13[%and3A_326], %unique3A_359 masked %unique3A {add = true} : memref<256xi32, #tpu.memory_space<vmem>>[vector<16xi32>], vector<16xi32>, vector<16xi1>
      tpu.vector_store_idx %arg14[%and3A_332], %unique3A_363 masked %unique3A_362 {add = true} : memref<256xi32, #tpu.memory_space<vmem>>[vector<16xi32>], vector<16xi32>, vector<16xi1>
      tpu.vector_store_idx %arg15[%and3A_338], %unique3A_367 masked %unique3A_366 {add = true} : memref<256xi32, #tpu.memory_space<vmem>>[vector<16xi32>], vector<16xi32>, vector<16xi1>
      tpu.vector_store_idx %arg16[%and3A_344], %unique3A_371 masked %unique3A_370 {add = true} : memref<256xi32, #tpu.memory_space<vmem>>[vector<16xi32>], vector<16xi32>, vector<16xi1>
      scf.yield %get3A_401, %get3A_405, %get3A_409, %get3A_413 : vector<16xi32>, vector<16xi32>, vector<16xi32>, vector<16xi32>
    }
    %scan3A_221 = arith.constant 256 : i32
    %mul3A_222 = arith.constant 4 : i32
    %mul3A_223 = arith.muli %add3A, %mul3A_222 : i32
    %add3A_224 = arith.constant 0 : i32
    %add3A_225 = arith.addi %mul3A_223, %add3A_224 : i32
    %dma_start3A_226 = arith.constant 0 : i32
    %dma_start3A_227 = tpu.memref_slice %arg8[%dma_start3A_226] : memref<16384xf32, #tpu.memory_space<vmem>> -> memref<4096xf32, #tpu.memory_space<vmem>>
    %dma_start3A_228 = arith.constant 0 : i32
    %dma_start3A_229 = tpu.memref_slice %arg3[%add3A_225, %dma_start3A_228] : memref<128x4096xf32, #tpu.memory_space<hbm>> -> memref<1x4096xf32, #tpu.memory_space<hbm>>
    %dma_start3A_230 = tpu.memref_squeeze %dma_start3A_229 : memref<1x4096xf32, #tpu.memory_space<hbm>> -> memref<4096xf32, #tpu.memory_space<hbm>>
    %dma_start3A_231 = arith.constant 0 : i32
    %dma_start3A_232 = tpu.memref_slice %arg3[%add3A_225, %dma_start3A_231] : memref<128x4096xf32, #tpu.memory_space<hbm>> -> memref<1x4096xf32, #tpu.memory_space<hbm>>
    %dma_start3A_233 = tpu.memref_squeeze %dma_start3A_232 : memref<1x4096xf32, #tpu.memory_space<hbm>> -> memref<4096xf32, #tpu.memory_space<hbm>>
    %dma_start3A_234 = arith.constant 0 : i32
    %dma_start3A_235 = tpu.memref_slice %arg8[%dma_start3A_234] : memref<16384xf32, #tpu.memory_space<vmem>> -> memref<4096xf32, #tpu.memory_space<vmem>>
    tpu.enqueue_dma source(%dma_start3A_235 : memref<4096xf32, #tpu.memory_space<vmem>>) target(%dma_start3A_233 : memref<4096xf32, #tpu.memory_space<hbm>>) target_semaphore(%arg17 : memref<!tpu.dma_semaphore, #tpu.memory_space<semaphore_mem>>)
    %mul3A_236 = arith.constant 4 : i32
    %mul3A_237 = arith.muli %add3A, %mul3A_236 : i32
    %add3A_238 = arith.constant 1 : i32
    %add3A_239 = arith.addi %mul3A_237, %add3A_238 : i32
    %dma_start3A_240 = arith.constant 4096 : i32
    %dma_start3A_241 = tpu.memref_slice %arg8[%dma_start3A_240] : memref<16384xf32, #tpu.memory_space<vmem>> -> memref<4096xf32, #tpu.memory_space<vmem>>
    %dma_start3A_242 = arith.constant 0 : i32
    %dma_start3A_243 = tpu.memref_slice %arg3[%add3A_239, %dma_start3A_242] : memref<128x4096xf32, #tpu.memory_space<hbm>> -> memref<1x4096xf32, #tpu.memory_space<hbm>>
    %dma_start3A_244 = tpu.memref_squeeze %dma_start3A_243 : memref<1x4096xf32, #tpu.memory_space<hbm>> -> memref<4096xf32, #tpu.memory_space<hbm>>
    %dma_start3A_245 = arith.constant 0 : i32
    %dma_start3A_246 = tpu.memref_slice %arg3[%add3A_239, %dma_start3A_245] : memref<128x4096xf32, #tpu.memory_space<hbm>> -> memref<1x4096xf32, #tpu.memory_space<hbm>>
    %dma_start3A_247 = tpu.memref_squeeze %dma_start3A_246 : memref<1x4096xf32, #tpu.memory_space<hbm>> -> memref<4096xf32, #tpu.memory_space<hbm>>
    %dma_start3A_248 = arith.constant 4096 : i32
    %dma_start3A_249 = tpu.memref_slice %arg8[%dma_start3A_248] : memref<16384xf32, #tpu.memory_space<vmem>> -> memref<4096xf32, #tpu.memory_space<vmem>>
    tpu.enqueue_dma source(%dma_start3A_249 : memref<4096xf32, #tpu.memory_space<vmem>>) target(%dma_start3A_247 : memref<4096xf32, #tpu.memory_space<hbm>>) target_semaphore(%arg17 : memref<!tpu.dma_semaphore, #tpu.memory_space<semaphore_mem>>)
    %mul3A_250 = arith.constant 4 : i32
    %mul3A_251 = arith.muli %add3A, %mul3A_250 : i32
    %add3A_252 = arith.constant 2 : i32
    %add3A_253 = arith.addi %mul3A_251, %add3A_252 : i32
    %dma_start3A_254 = arith.constant 8192 : i32
    %dma_start3A_255 = tpu.memref_slice %arg8[%dma_start3A_254] : memref<16384xf32, #tpu.memory_space<vmem>> -> memref<4096xf32, #tpu.memory_space<vmem>>
    %dma_start3A_256 = arith.constant 0 : i32
    %dma_start3A_257 = tpu.memref_slice %arg3[%add3A_253, %dma_start3A_256] : memref<128x4096xf32, #tpu.memory_space<hbm>> -> memref<1x4096xf32, #tpu.memory_space<hbm>>
    %dma_start3A_258 = tpu.memref_squeeze %dma_start3A_257 : memref<1x4096xf32, #tpu.memory_space<hbm>> -> memref<4096xf32, #tpu.memory_space<hbm>>
    %dma_start3A_259 = arith.constant 0 : i32
    %dma_start3A_260 = tpu.memref_slice %arg3[%add3A_253, %dma_start3A_259] : memref<128x4096xf32, #tpu.memory_space<hbm>> -> memref<1x4096xf32, #tpu.memory_space<hbm>>
    %dma_start3A_261 = tpu.memref_squeeze %dma_start3A_260 : memref<1x4096xf32, #tpu.memory_space<hbm>> -> memref<4096xf32, #tpu.memory_space<hbm>>
    %dma_start3A_262 = arith.constant 8192 : i32
    %dma_start3A_263 = tpu.memref_slice %arg8[%dma_start3A_262] : memref<16384xf32, #tpu.memory_space<vmem>> -> memref<4096xf32, #tpu.memory_space<vmem>>
    tpu.enqueue_dma source(%dma_start3A_263 : memref<4096xf32, #tpu.memory_space<vmem>>) target(%dma_start3A_261 : memref<4096xf32, #tpu.memory_space<hbm>>) target_semaphore(%arg17 : memref<!tpu.dma_semaphore, #tpu.memory_space<semaphore_mem>>)
    %mul3A_264 = arith.constant 4 : i32
    %mul3A_265 = arith.muli %add3A, %mul3A_264 : i32
    %add3A_266 = arith.constant 3 : i32
    %add3A_267 = arith.addi %mul3A_265, %add3A_266 : i32
    %dma_start3A_268 = arith.constant 12288 : i32
    %dma_start3A_269 = tpu.memref_slice %arg8[%dma_start3A_268] : memref<16384xf32, #tpu.memory_space<vmem>> -> memref<4096xf32, #tpu.memory_space<vmem>>
    %dma_start3A_270 = arith.constant 0 : i32
    %dma_start3A_271 = tpu.memref_slice %arg3[%add3A_267, %dma_start3A_270] : memref<128x4096xf32, #tpu.memory_space<hbm>> -> memref<1x4096xf32, #tpu.memory_space<hbm>>
    %dma_start3A_272 = tpu.memref_squeeze %dma_start3A_271 : memref<1x4096xf32, #tpu.memory_space<hbm>> -> memref<4096xf32, #tpu.memory_space<hbm>>
    %dma_start3A_273 = arith.constant 0 : i32
    %dma_start3A_274 = tpu.memref_slice %arg3[%add3A_267, %dma_start3A_273] : memref<128x4096xf32, #tpu.memory_space<hbm>> -> memref<1x4096xf32, #tpu.memory_space<hbm>>
    %dma_start3A_275 = tpu.memref_squeeze %dma_start3A_274 : memref<1x4096xf32, #tpu.memory_space<hbm>> -> memref<4096xf32, #tpu.memory_space<hbm>>
    %dma_start3A_276 = arith.constant 12288 : i32
    %dma_start3A_277 = tpu.memref_slice %arg8[%dma_start3A_276] : memref<16384xf32, #tpu.memory_space<vmem>> -> memref<4096xf32, #tpu.memory_space<vmem>>
    tpu.enqueue_dma source(%dma_start3A_277 : memref<4096xf32, #tpu.memory_space<vmem>>) target(%dma_start3A_275 : memref<4096xf32, #tpu.memory_space<hbm>>) target_semaphore(%arg17 : memref<!tpu.dma_semaphore, #tpu.memory_space<semaphore_mem>>)
    %dma_wait3A_278 = arith.constant 0 : i32
    %dma_wait3A_279 = tpu.memref_slice %arg8[%dma_wait3A_278] : memref<16384xf32, #tpu.memory_space<vmem>> -> memref<4096xf32, #tpu.memory_space<vmem>>
    %dma_wait3A_280 = arith.constant 0 : i32
    %dma_wait3A_281 = tpu.memref_slice %arg3[%add3A_225, %dma_wait3A_280] : memref<128x4096xf32, #tpu.memory_space<hbm>> -> memref<1x4096xf32, #tpu.memory_space<hbm>>
    %dma_wait3A_282 = tpu.memref_squeeze %dma_wait3A_281 : memref<1x4096xf32, #tpu.memory_space<hbm>> -> memref<4096xf32, #tpu.memory_space<hbm>>
    %dma_wait3A_283 = arith.constant 0 : i32
    %dma_wait3A_284 = tpu.memref_slice %arg3[%add3A_225, %dma_wait3A_283] : memref<128x4096xf32, #tpu.memory_space<hbm>> -> memref<1x4096xf32, #tpu.memory_space<hbm>>
    %dma_wait3A_285 = tpu.memref_squeeze %dma_wait3A_284 : memref<1x4096xf32, #tpu.memory_space<hbm>> -> memref<4096xf32, #tpu.memory_space<hbm>>
    %dma_wait3A_286 = arith.constant 0 : i32
    %dma_wait3A_287 = tpu.memref_slice %arg8[%dma_wait3A_286] : memref<16384xf32, #tpu.memory_space<vmem>> -> memref<4096xf32, #tpu.memory_space<vmem>>
    tpu.wait_dma2 semaphore(%arg17 : memref<!tpu.dma_semaphore, #tpu.memory_space<semaphore_mem>>) src(%dma_wait3A_287 : memref<4096xf32, #tpu.memory_space<vmem>>) dst(%dma_wait3A_285 : memref<4096xf32, #tpu.memory_space<hbm>>)
    %dma_wait3A_288 = arith.constant 4096 : i32
    %dma_wait3A_289 = tpu.memref_slice %arg8[%dma_wait3A_288] : memref<16384xf32, #tpu.memory_space<vmem>> -> memref<4096xf32, #tpu.memory_space<vmem>>
    %dma_wait3A_290 = arith.constant 0 : i32
    %dma_wait3A_291 = tpu.memref_slice %arg3[%add3A_239, %dma_wait3A_290] : memref<128x4096xf32, #tpu.memory_space<hbm>> -> memref<1x4096xf32, #tpu.memory_space<hbm>>
    %dma_wait3A_292 = tpu.memref_squeeze %dma_wait3A_291 : memref<1x4096xf32, #tpu.memory_space<hbm>> -> memref<4096xf32, #tpu.memory_space<hbm>>
    %dma_wait3A_293 = arith.constant 0 : i32
    %dma_wait3A_294 = tpu.memref_slice %arg3[%add3A_239, %dma_wait3A_293] : memref<128x4096xf32, #tpu.memory_space<hbm>> -> memref<1x4096xf32, #tpu.memory_space<hbm>>
    %dma_wait3A_295 = tpu.memref_squeeze %dma_wait3A_294 : memref<1x4096xf32, #tpu.memory_space<hbm>> -> memref<4096xf32, #tpu.memory_space<hbm>>
    %dma_wait3A_296 = arith.constant 4096 : i32
    %dma_wait3A_297 = tpu.memref_slice %arg8[%dma_wait3A_296] : memref<16384xf32, #tpu.memory_space<vmem>> -> memref<4096xf32, #tpu.memory_space<vmem>>
    tpu.wait_dma2 semaphore(%arg17 : memref<!tpu.dma_semaphore, #tpu.memory_space<semaphore_mem>>) src(%dma_wait3A_297 : memref<4096xf32, #tpu.memory_space<vmem>>) dst(%dma_wait3A_295 : memref<4096xf32, #tpu.memory_space<hbm>>)
    %dma_wait3A_298 = arith.constant 8192 : i32
    %dma_wait3A_299 = tpu.memref_slice %arg8[%dma_wait3A_298] : memref<16384xf32, #tpu.memory_space<vmem>> -> memref<4096xf32, #tpu.memory_space<vmem>>
    %dma_wait3A_300 = arith.constant 0 : i32
    %dma_wait3A_301 = tpu.memref_slice %arg3[%add3A_253, %dma_wait3A_300] : memref<128x4096xf32, #tpu.memory_space<hbm>> -> memref<1x4096xf32, #tpu.memory_space<hbm>>
    %dma_wait3A_302 = tpu.memref_squeeze %dma_wait3A_301 : memref<1x4096xf32, #tpu.memory_space<hbm>> -> memref<4096xf32, #tpu.memory_space<hbm>>
    %dma_wait3A_303 = arith.constant 0 : i32
    %dma_wait3A_304 = tpu.memref_slice %arg3[%add3A_253, %dma_wait3A_303] : memref<128x4096xf32, #tpu.memory_space<hbm>> -> memref<1x4096xf32, #tpu.memory_space<hbm>>
    %dma_wait3A_305 = tpu.memref_squeeze %dma_wait3A_304 : memref<1x4096xf32, #tpu.memory_space<hbm>> -> memref<4096xf32, #tpu.memory_space<hbm>>
    %dma_wait3A_306 = arith.constant 8192 : i32
    %dma_wait3A_307 = tpu.memref_slice %arg8[%dma_wait3A_306] : memref<16384xf32, #tpu.memory_space<vmem>> -> memref<4096xf32, #tpu.memory_space<vmem>>
    tpu.wait_dma2 semaphore(%arg17 : memref<!tpu.dma_semaphore, #tpu.memory_space<semaphore_mem>>) src(%dma_wait3A_307 : memref<4096xf32, #tpu.memory_space<vmem>>) dst(%dma_wait3A_305 : memref<4096xf32, #tpu.memory_space<hbm>>)
    %dma_wait3A_308 = arith.constant 12288 : i32
    %dma_wait3A_309 = tpu.memref_slice %arg8[%dma_wait3A_308] : memref<16384xf32, #tpu.memory_space<vmem>> -> memref<4096xf32, #tpu.memory_space<vmem>>
    %dma_wait3A_310 = arith.constant 0 : i32
    %dma_wait3A_311 = tpu.memref_slice %arg3[%add3A_267, %dma_wait3A_310] : memref<128x4096xf32, #tpu.memory_space<hbm>> -> memref<1x4096xf32, #tpu.memory_space<hbm>>
    %dma_wait3A_312 = tpu.memref_squeeze %dma_wait3A_311 : memref<1x4096xf32, #tpu.memory_space<hbm>> -> memref<4096xf32, #tpu.memory_space<hbm>>
    %dma_wait3A_313 = arith.constant 0 : i32
    %dma_wait3A_314 = tpu.memref_slice %arg3[%add3A_267, %dma_wait3A_313] : memref<128x4096xf32, #tpu.memory_space<hbm>> -> memref<1x4096xf32, #tpu.memory_space<hbm>>
    %dma_wait3A_315 = tpu.memref_squeeze %dma_wait3A_314 : memref<1x4096xf32, #tpu.memory_space<hbm>> -> memref<4096xf32, #tpu.memory_space<hbm>>
    %dma_wait3A_316 = arith.constant 12288 : i32
    %dma_wait3A_317 = tpu.memref_slice %arg8[%dma_wait3A_316] : memref<16384xf32, #tpu.memory_space<vmem>> -> memref<4096xf32, #tpu.memory_space<vmem>>
    tpu.wait_dma2 semaphore(%arg17 : memref<!tpu.dma_semaphore, #tpu.memory_space<semaphore_mem>>) src(%dma_wait3A_317 : memref<4096xf32, #tpu.memory_space<vmem>>) dst(%dma_wait3A_315 : memref<4096xf32, #tpu.memory_space<hbm>>)
    return
  }
}

module attributes {stable_mosaic.version = 14 : i64} {
  func.func @_tc_sig(%arg0: memref<128x4096xf32, #tpu.memory_space<vmem>>, %arg1: memref<128x4096xf32, #tpu.memory_space<vmem>>, %arg2: memref<1x1xf32, #tpu.memory_space<smem>>) attributes {dimension_semantics = [], scalar_prefetch = 0 : i64, scratch_operands = 0 : i64, tpu.core_type = #tpu.core_type<tc>} {
    %get3A = arith.constant 0 : index
    %get3A_0 = arith.constant 0 : index
    %get3A_1 = vector.load %arg0[%get3A, %get3A_0] : memref<128x4096xf32, #tpu.memory_space<vmem>>, vector<128x4096xf32>
    %slice3A = vector.extract_strided_slice %get3A_1 {offsets = [0, 0], sizes = [128, 1], strides = [1, 1]} : vector<128x4096xf32> to vector<128x1xf32>
    %sub3A = vector.broadcast %slice3A : vector<128x1xf32> to vector<128x4096xf32>
    %sub3A_2 = arith.subf %sub3A, %get3A_1 : vector<128x4096xf32>
    %exp3A = math.exp %sub3A_2 : vector<128x4096xf32>
    %add3A = arith.constant 1.000000e+00 : f32
    %add3A_3 = vector.broadcast %add3A : f32 to vector<128x4096xf32>
    %add3A_4 = arith.addf %add3A_3, %exp3A : vector<128x4096xf32>
    %div3A = arith.constant 1.000000e+00 : f32
    %div3A_5 = vector.broadcast %div3A : f32 to vector<128x4096xf32>
    %div3A_6 = arith.divf %div3A_5, %add3A_4 : vector<128x4096xf32>
    %mul3A = arith.constant 7.812500e-03 : f32
    %mul3A_7 = vector.broadcast %mul3A : f32 to vector<128x4096xf32>
    %mul3A_8 = arith.mulf %div3A_6, %mul3A_7 : vector<128x4096xf32>
    %swap3A = arith.constant 0 : index
    %swap3A_9 = arith.constant 0 : index
    %swap3A_10 = vector.load %arg1[%swap3A, %swap3A_9] : memref<128x4096xf32, #tpu.memory_space<vmem>>, vector<128x4096xf32>
    tpu.vector_store %arg1[%swap3A, %swap3A_9], %mul3A_8 {strides = array<i32>} : memref<128x4096xf32, #tpu.memory_space<vmem>>, vector<128x4096xf32>,
    %sub3A_11 = vector.broadcast %slice3A : vector<128x1xf32> to vector<128x4096xf32>
    %sub3A_12 = arith.subf %get3A_1, %sub3A_11 : vector<128x4096xf32>
    %exp3A_13 = math.exp %sub3A_12 : vector<128x4096xf32>
    %reduce_sum3A = arith.constant dense<0.000000e+00> : vector<128xf32>
    %reduce_sum3A_14 = vector.multi_reduction <add>, %exp3A_13, %reduce_sum3A [1] : vector<128x4096xf32> to vector<128xf32>
    %sub3A_15 = arith.constant 1.000000e+00 : f32
    %sub3A_16 = vector.broadcast %sub3A_15 : f32 to vector<128xf32>
    %sub3A_17 = arith.subf %reduce_sum3A_14, %sub3A_16 : vector<128xf32>
    %log1p3A = math.log1p %sub3A_17 : vector<128xf32>
    %reduce_sum3A_18 = vector.shape_cast %log1p3A : vector<128xf32> to vector<1x128xf32>
    %reduce_sum3A_19 = arith.constant dense<0.000000e+00> : vector<1xf32>
    %reduce_sum3A_20 = vector.multi_reduction <add>, %reduce_sum3A_18, %reduce_sum3A_19 [1] : vector<1x128xf32> to vector<1xf32>
    %reduce_sum3A_21 = vector.shape_cast %reduce_sum3A_20 : vector<1xf32> to vector<1x1xf32>
    %reduce_sum3A_22 = vector.extract %reduce_sum3A_21[0, 0] : f32 from vector<1x1xf32>
    %mul3A_23 = arith.constant 7.812500e-03 : f32
    %mul3A_24 = arith.mulf %reduce_sum3A_22, %mul3A_23 : f32
    %swap3A_25 = arith.constant 0 : index
    %swap3A_26 = arith.constant 0 : index
    %swap3A_27 = memref.load %arg2[%swap3A_25, %swap3A_26] : memref<1x1xf32, #tpu.memory_space<smem>>
    memref.store %mul3A_24, %arg2[%swap3A_25, %swap3A_26] : memref<1x1xf32, #tpu.memory_space<smem>>
    return
  }
}

module attributes {stable_mosaic.version = 14 : i64} {
  func.func @_tc_final(%arg0: memref<128x4096xf32, #tpu.memory_space<vmem>>, %arg1: memref<128x4096xf32, #tpu.memory_space<vmem>>, %arg2: memref<128x4096xf32, #tpu.memory_space<vmem>>) attributes {dimension_semantics = [], scalar_prefetch = 0 : i64, scratch_operands = 0 : i64, tpu.core_type = #tpu.core_type<tc>} {
    %get3A = arith.constant 0 : index
    %get3A_0 = arith.constant 0 : index
    %get3A_1 = vector.load %arg1[%get3A, %get3A_0] : memref<128x4096xf32, #tpu.memory_space<vmem>>, vector<128x4096xf32>
    %slice3A = vector.extract_strided_slice %get3A_1 {offsets = [0, 0], sizes = [128, 1], strides = [1, 1]} : vector<128x4096xf32> to vector<128x1xf32>
    %get3A_2 = arith.constant 0 : index
    %get3A_3 = arith.constant 0 : index
    %get3A_4 = vector.load %arg0[%get3A_2, %get3A_3] : memref<128x4096xf32, #tpu.memory_space<vmem>>, vector<128x4096xf32>
    %sub3A = vector.broadcast %slice3A : vector<128x1xf32> to vector<128x4096xf32>
    %sub3A_5 = arith.subf %sub3A, %get3A_1 : vector<128x4096xf32>
    %abs3A = math.absf %sub3A_5 : vector<128x4096xf32>
    %mul3A = arith.mulf %get3A_4, %abs3A : vector<128x4096xf32>
    %reduce_sum3A = arith.constant dense<0.000000e+00> : vector<128xf32>
    %reduce_sum3A_6 = vector.multi_reduction <add>, %mul3A, %reduce_sum3A [1] : vector<128x4096xf32> to vector<128xf32>
    %broadcast_in_dim3A = vector.shape_cast %reduce_sum3A_6 : vector<128xf32> to vector<128x1xf32>
    %swap3A = arith.constant 0 : index
    %swap3A_7 = arith.constant 0 : index
    %swap3A_8 = vector.load %arg2[%swap3A, %swap3A_7] : memref<128x4096xf32, #tpu.memory_space<vmem>>, vector<128x4096xf32>
    tpu.vector_store %arg2[%swap3A, %swap3A_7], %mul3A {strides = array<i32>} : memref<128x4096xf32, #tpu.memory_space<vmem>>, vector<128x4096xf32>,
    %neg3A = arith.constant 0.000000e+00 : f32
    %neg3A_9 = vector.broadcast %neg3A : f32 to vector<128x1xf32>
    %neg3A_10 = arith.subf %neg3A_9, %broadcast_in_dim3A : vector<128x1xf32>
    %swap3A_11 = arith.constant 0 : index
    %swap3A_12 = arith.constant 0 : index
    %swap3A_13 = vector.load %arg2[%swap3A_11, %swap3A_12] : memref<128x4096xf32, #tpu.memory_space<vmem>>, vector<128x1xf32>
    tpu.vector_store %arg2[%swap3A_11, %swap3A_12], %neg3A_10 {strides = array<i32>} : memref<128x4096xf32, #tpu.memory_space<vmem>>, vector<128x1xf32>,
    return
  }
}

</mosaic_0001>

<sc_bundles>
// kernel: kernel.5.cloned.1.call-start
scs
__scs_entry_jumppad:
0x0: {  	(pc) =	sbr.rel $0x88, $3  }
0x1: {  	(tag) =	ssettag $0x0;
	lr =	simm.s32 $0x1  }
0x2: {  	[smem:$0x3FA0] =	sst lr;
	_ =	strace $0xD0000000  }
0x3: {  	_ = 	snop  }
0x4: {  	_ = 	snop  }
0x5: {  	_ = 	snop  }
0x6: {  	_ = 	snop  }
0x7: {  	_ = 	snop  }
__scs_overlays_trampoline_lowered:
0x8: {  	[smem:$0x3FAF] =	sst s0  }
0x9: {  	[smem:$0x3FB0] =	sst s1  }
0xa: {  	[smem:$0x3FB1] =	sst s2  }
0xb: {  	[smem:$0x3FB2] =	sst s3  }
0xc: {  	[smem:$0x3FB3] =	sst s4  }
0xd: {  	[smem:$0x3FB4] =	sst s5  }
0xe: {  	[smem:$0x3FB5] =	sst s6  }
0xf: {  	[smem:$0x3FB6] =	sst s7  }
0x10: {  	[smem:$0x3FB7] =	sst s8  }
0x11: {  	[smem:$0x3FB8] =	sst s9;
	s0 =	simm.s32 @!p0 $0x0  }
0x12: {  	s1 =	sld [smem:$0x3F9E];
	s0 =	simm.s32 @p0 $0x1  }
0x13: {  	[smem:$0x3FB9] =	sst s0;
	s0 =	simm.s32 @!p1 $0x0  }
0x14: {  	s2 =	sld [smem:$0x3F9D];
	s0 =	simm.s32 @p1 $0x1  }
0x15: {  	[smem:$0x3FBA] =	sst s0;
	s0 =	simm.s32 @!p2 $0x0  }
0x16: {  	s3 =	sld [smem:$0x3FDB];
	s0 =	simm.s32 @p2 $0x1  }
0x17: {  	s4 =	simm.s32 $0x1BF5;
	[smem:$0x3FBC] =	sst s0  }
0x18: {  	s0 =	sld [smem:$0x3F9F];
	_ =	swait.ge [sflag:s4], $0x0  }
0x19: {  	s7 =	sld [smem:$0x3FA0]  }
0x1a: {  	s8 =	sadd.s32 $0xFFFFE003, lr  }
0x1b: {  	s9 =	sadd.s32 $0xFFFFFEF7, lr;
	s5 =	simm.s32 $0xFFFFFFFF;
	p2 =	slt.u32 s8, $0xFFFFF086  }
0x1c: {  	p1 =	slt.u32 s9, $0xF7A;
	s5 =	simm.s32 @!p2 $0x0  }
0x1d: {  	s5 =	simm.s32 @p1 $0x1;
	p0 =	seq.s32 s7, s2  }
0x1e: {  	s7 =	smul.u32 @!p0 $0xF7A, s2;
	p2 =	seq.s32 @!p0 s5, $0x0  }
0x1f: {  	s9 =	smul.u32 $0xF7A, s1;
	s8 =	simm.s32 @!p0 $0x1BF5;
	p2 =	por !p2, p0  }
0x20: {  	[sflag:s8] =	ssyncset.s32 @!p0 $0xFFFFF086;
	s6 =	sadd.s32 @!p0 s3, s7;
	s7 =	simm.s32 @!p0 $0x108  }
0x21: {  	s3 =	sadd.s32 s3, s9;
	s6 =	sadd.s32 @!p0 $0x88, s6;
	s7 =	simm.s32 @p2 $0x1082  }
0x22: {  	[simem:s7], [sflag:s8] =	dma.local @!p0 [hbm:s6], $0xF7A  }
0x23: {  	s9 =	sor.u32 $0xD0000000, s2;
	s6 =	simm.s32 $0x108;
	_ =	swait.ge @!p0 [sflag:s8], $0x0  }
0x24: {  	s3 =	sadd.s32 $0x88, s3;
	s6 =	simm.s32 @!p1 $0x1082;
	[sflag:s4] =	ssyncset.s32 $0xFFFFF086  }
0x25: {  	[simem:s6], [sflag:s4] =	dma.local [hbm:s3], $0xF7A  }
0x26: {  	[smem:$0x3FA0] =	sst s1;
	(tag) =	ssettag s2;
	_ =	strace s9  }
0x27: {  	s1 =	sld [smem:$0x3FB0]  }
0x28: {  	s2 =	sld [smem:$0x3FB1]  }
0x29: {  	s4 =	sld [smem:$0x3FB3]  }
0x2a: {  	p0 =	seq.s32 s5, $0x0;
	s5 =	sld [smem:$0x3FB4]  }
0x2b: {  	s6 =	sld [smem:$0x3FB5]  }
0x2c: {  	s7 =	sld [smem:$0x3FB6]  }
0x2d: {  	s3 =	simm.s32 $0x108;
	s8 =	sld [smem:$0x3FB7]  }
0x2e: {  	s3 =	simm.s32 @!p0 $0x1082;
	s9 =	sld [smem:$0x3FB8]  }
0x2f: {  	lr =	sadd.s32 s0, s3;
	s0 =	sld [smem:$0x3FAF]  }
0x30: {  	s3 =	sld [smem:$0x3FB2]  }
0x31: {  	[smem:$0x3FBB] =	sst s10  }
0x32: {  	s10 =	sld [smem:$0x3FB9];
	_ =	sdelay $0x3  }
0x33: {  	p0 =	seq.s32 s10, $0x1;
	s10 =	sld [smem:$0x3FBB];
	_ =	sdelay $0x3  }
0x34: {  	[smem:$0x3FBB] =	sst s10  }
0x35: {  	s10 =	sld [smem:$0x3FBA];
	_ =	sdelay $0x3  }
0x36: {  	p1 =	seq.s32 s10, $0x1;
	s10 =	sld [smem:$0x3FBB];
	_ =	sdelay $0x3  }
0x37: {  	[smem:$0x3FBB] =	sst s10  }
0x38: {  	s10 =	sld [smem:$0x3FBC]  }
0x39: {  	_ = 	snop;
	(pc) =	sbr.ind lr, $3  }
0x3a: {  	_ = 	snop  }
0x3b: {  	_ = 	snop  }
0x3c: {  	p2 =	seq.s32 s10, $0x1;
	s10 =	sld [smem:$0x3FBB]  }
0x3d: {  	_ =	shalt  }
0x3e: {  	_ =	shalt  }
0x3f: {  	_ =	shalt  }
0x40: {  	_ =	shalt  }
0x41: {  	_ =	shalt  }
0x42: {  	_ =	shalt  }
0x43: {  	_ =	shalt  }
0x44: {  	_ =	shalt  }
0x45: {  	_ =	shalt  }
0x46: {  	_ =	shalt  }
0x47: {  	_ =	shalt  }
0x48: {  	_ =	shalt  }
0x49: {  	_ =	shalt  }
0x4a: {  	_ =	shalt  }
0x4b: {  	_ =	shalt  }
0x4c: {  	_ =	shalt  }
0x4d: {  	_ =	shalt  }
0x4e: {  	_ =	shalt  }
0x4f: {  	_ =	shalt  }
0x50: {  	_ =	shalt  }
0x51: {  	_ =	shalt  }
0x52: {  	_ =	shalt  }
0x53: {  	_ =	shalt  }
0x54: {  	_ =	shalt  }
0x55: {  	_ =	shalt  }
0x56: {  	_ =	shalt  }
0x57: {  	_ =	shalt  }
0x58: {  	_ =	shalt  }
0x59: {  	_ =	shalt  }
0x5a: {  	_ =	shalt  }
0x5b: {  	_ =	shalt  }
0x5c: {  	_ =	shalt  }
0x5d: {  	_ =	shalt  }
0x5e: {  	_ =	shalt  }
0x5f: {  	_ =	shalt  }
0x60: {  	_ =	shalt  }
0x61: {  	_ =	shalt  }
0x62: {  	_ =	shalt  }
0x63: {  	_ =	shalt  }
0x64: {  	_ =	shalt  }
0x65: {  	_ =	shalt  }
0x66: {  	_ =	shalt  }
0x67: {  	_ =	shalt  }
0x68: {  	_ =	shalt  }
0x69: {  	_ =	shalt  }
0x6a: {  	_ =	shalt  }
0x6b: {  	_ =	shalt  }
0x6c: {  	_ =	shalt  }
0x6d: {  	_ =	shalt  }
0x6e: {  	_ =	shalt  }
0x6f: {  	_ =	shalt  }
0x70: {  	_ =	shalt  }
0x71: {  	_ =	shalt  }
0x72: {  	_ =	shalt  }
0x73: {  	_ =	shalt  }
0x74: {  	_ =	shalt  }
0x75: {  	_ =	shalt  }
0x76: {  	_ =	shalt  }
0x77: {  	_ =	shalt  }
0x78: {  	_ =	shalt  }
0x79: {  	_ =	shalt  }
0x7a: {  	_ =	shalt  }
0x7b: {  	_ =	shalt  }
0x7c: {  	_ =	shalt  }
0x7d: {  	_ =	shalt  }
0x7e: {  	_ =	shalt  }
0x7f: {  	_ =	shalt  }
0x80: {  	_ =	shalt  }
0x81: {  	_ =	shalt  }
0x82: {  	_ =	shalt  }
0x83: {  	_ =	shalt  }
0x84: {  	_ =	shalt  }
0x85: {  	_ =	shalt  }
0x86: {  	_ =	shalt  }
0x87: {  	_ =	shalt  }
.Lfunc_end0:
.L_simem_size_0:
called_computation_lowered:
.L_overlay_start_0:
0x88: {  	s2 =	sld [smem:$0x3FD9]  }
0x89: {  	s3 =	sld [smem:$0x3FFE];
	_ =	sdelay $0x1  }
0x8a: {  	s1 =	srdreg.scid  }
0x8b: {  	s0 =	sand.u32 $0x1, s1  }
0x8c: {  	s15 =	sshll.u32 s0, $0xA;
	s2 =	sadd.s32 s3, s2  }
0x8d: {  	s2 =	sadd.s32 s2, s15  }
0x8e: {  	[smem:$0x3FC7] =	sst s2  }
0x8f: {  	_ = 	snop  }
0x90: {  	s2 =	sld [smem:$0x3FD0];
	_ =	sdelay $0x2  }
0x91: {  	s4 =	simm.s32 $0xA;
	s5 =	simm.s32 $0x10;
	s16 =	sld [smem:$0x3FC9]  }
0x92: {  	[smem:s5], [sflag:s4] =	dma.local [hbm:s2], $0x1  }
0x93: {  	_ =	swait.eq [sflag:s4], $0x1  }
0x94: {  	[sflag:s4] =	ssyncset.done $0x0  }
0x95: {  	[sflag:s4] =	ssyncadd.s32 $0xFFFFFFFF  }
0x96: {  	s17 =	sld [smem:$0x10];
	(tm) =	ssettm $0x1  }
0x97: {  	s18 =	sld [smem:$0x3FFB];
	_ =	sdelay $0x3  }
0x98: {  	_ =	strace s18  }
0x99: {  	s4 =	sld [smem:$0x3FFC];
	_ =	sdelay $0x3  }
0x9a: {  	_ =	strace s4  }
0x9b: {  	s4 =	sld [smem:$0x3FFD];
	_ =	sdelay $0x3  }
0x9c: {  	_ =	strace s4  }
0x9d: {  	_ =	strace $0x8FFFFFFF  }
0x9e: {  	s19 =	sld [smem:$0x3FDB];
	_ =	sdelay $0x1  }
0x9f: {  	s20 =	simm.s32 $_scs_section_size  }
0xa0: {  	s6 =	simm.s32 $_size__tile_overlayer_lowered;
	s7 =	simm.s32 $_tile_overlayer_lowered  }
0xa1: {  	s23 =	simm.s32 $0x1BFF;
	s22 =	sshll.u32 s7, $0x1;
	s4 =	sadd.s32 s20, s19  }
0xa2: {  	s8 =	simm.s32 $0x0;
	s21 =	sshll.u32 s6, $0x1;
	s6 =	sadd.s32 s22, s4  }
0xa3: {  	[timem:s8], [sflag:s23] =	dma.local [hbm:s6], s21  }
0xa4: {  	_ =	swait.ge [sflag:s23], s21  }
0xa5: {  	s5 =	ssub.s32 $0x0, s21;
	[sflag:s23] =	ssyncset.done $0x0  }
0xa6: {  	[sflag:s23] =	ssyncadd.s32 s5;
	_ =	sdelay $0x1  }
0xa7: {  	s24 =	simm.s32 $0x1B8B  }
0xa8: {  	_ =	swait.ge [sflag:s24], $0x1  }
0xa9: {  	[sflag:s24] =	ssyncset.done $0x0  }
0xaa: {  	s25 =	simm.s32 $0x1B8E;
	[sflag:s24] =	ssyncadd.s32 $0xFFFFFFFF  }
0xab: {  	s26 =	simm.s32 $execute0_lowered;
	[smem:$0x3FD2] =	sst s25  }
0xac: {  	s5 =	sshll.u32 s26, $0x1;
	_ =	strace $0x80000046;
	[dreg:$0x1] =	wrdreg $0xFFFFFFFF  }
0xad: {  	s28 =	simm.s32 $_size_execute0_lowered;
	s4 =	sadd.s32 s4, s5;
	[dreg:$0x0] =	wrdreg $0x0  }
0xae: {  	s5 =	sshll.u32 s28, $0x1;
	[dreg:$0x2] =	wrdreg s4  }
0xaf: {  	[dreg:$0x3] =	wrdreg s5  }
0xb0: {  	[dreg:$0x4] =	wrdreg $0xC0  }
0xb1: {  	_ =	task [dreg:s8], $0x5FFFF  }
0xb2: {  	[dreg:$0x1] =	wrdreg $0xFFFFFFFF  }
0xb3: {  	[dreg:$0x0] =	wrdreg $0x60  }
0xb4: {  	[dreg:$0x2] =	wrdreg s16  }
0xb5: {  	[dreg:$0x3] =	wrdreg s17  }
0xb6: {  	[dreg:$0x4] =	wrdreg $0x9  }
0xb7: {  	_ =	task.clear_ibuf [dreg:s8], $0x5FFFF;
	_ =	strace $0x90000046  }
0xb8: {  	s29 =	simm.s32 $0x9;
	_ =	strace $0x80000048  }
0xb9: {  	_ =	swait.ge [sflag:s29], $0x1  }
0xba: {  	[sflag:s29] =	ssyncadd.s32 $0xFFFFFFFF  }
0xbb: {  	_ =	strace $0x90000048  }
0xbc: {  	_ =	sfence  }
0xbd: {  	s30 =	sld [smem:$0x0];
	_ =	sdelay $0x2  }
0xbe: {  	s31 =	sshll.u32 s1, $0xD;
	s1 =	sshrl.u32 s1, $0x2  }
0xbf: {  	s3 =	sand.u32 $0x4000, s31;
	s1 =	sadd.s32 s1, s30  }
0xc0: {  	s0 =	sor.u32 s3, s0;
	s1 =	sshll.u32 s1, $0x11  }
0xc1: {  	s0 =	sor.u32 s1, s0  }
0xc2: {  	s0 =	sadd.s32 $0x8F2B, s0  }
0xc3: {  	[sflag:s0] =	ssyncadd.remote.s32 $0x1  }
0xc4: {  	_ =	sfence.sel $0xFFFF  }
0xc5: {  	[dreg:$0x0] =	wrdreg $0xFFFFFFFF;
	(pc) =	sbr.abs _section_cstart, $3  }
0xc6: {  	[dreg:$0x1] =	wrdreg $0xFFFFFFFF  }
0xc7: {  	_ =	task.clear_ibuf [dreg:s8], $0x2FFFF;
	_ =	strace $0x9FFFFFFF  }
0xc8: {  	(tm) =	ssettm $0x7FFFFFFF  }
0xc9: {  	_ =	shalt  }
tec
execute0_lowered:
.L_overlay_start_1:
0x0: {  	(tag) =	ssettag $0x1  }
0x1: {  	s0 =	rddreg [dreg:$0x0]  }
0x2: {  	s1 =	rddreg [dreg:$0x1]  }
0x3: {  	s2 =	srdreg.scid;
	s5 =	simm.s32 $0x0;
	s4 =	stileid.u32  }
0x4: {  	s12 =	simm.s32 $0x80;
	s13 =	simm.s32 $0x400;
	s17 =	simm.s32 $0x14000  }
0x5: {  	s18 =	simm.s32 $0x14400;
	s19 =	simm.s32 $0x14800;
	s20 =	simm.s32 $0x14C00  }
0x6: {  	s21 =	simm.s32 $0x15000;
	s22 =	simm.s32 $0x15100;
	s23 =	simm.s32 $0x15200  }
0x7: {  	s28 =	simm.s32 $0x4000;
	s29 =	simm.s32 $0x10000;
	s2 =	sand.u32 $0x1, s2  }
0x8: {  	s14 =	simm.s32 $0x0;
	s4 =	sshll.u32 s4, $0xC;
	s3 =	ssub.s32 $0x2, s2  }
0x9: {  	[smem:$0x7FF] =	sst s5;
	s2 =	sshll.u32 s2, $0x6;
	s24 =	sshrl.u32 s3, $0x1  }
0xa: {  	_ =	strace $0x80000047;
	s2 =	sor.u32 s2, s4;
	s3 =	ssub.s32 s3, s24  }
0xb: {  	s4 =	sadd.s32 s0, s2;
	s25 =	sor.u32 $0x10, s2;
	s26 =	sor.u32 $0x20, s2  }
0xc: {  	s10 =	sor.u32 $0x30, s2;
	s31 =	sadd.s32 s1, s2;
	s24 =	simm.s32 $0x15300  }
0xd: {  	[dreg:$0x3] =	wrdreg s4;
	s6 =	sadd.s32 s0, s25;
	s30 =	sadd.s32 s0, s26  }
0xe: {  	s0 =	sadd.s32 s0, s10;
	[dreg:$0x7] =	wrdreg s31;
	s8 =	sadd.s32 s1, s25  }
0xf: {  	s9 =	sadd.s32 s1, s26;
	s10 =	sadd.s32 s1, s10;
	[dreg:$0x4] =	wrdreg s6  }
0x10: {  	s11 =	smax.u32 s3, $0x1;
	s25 =	simm.s32 $0x8000;
	[dreg:$0x5] =	wrdreg s30  }
0x11: {  	v0 =	vimm.s32 $0x0;
	v1 =	vimm.s32 $0x1;
	v2 =	vlaneseq.u32;
	s26 =	simm.s32 $0xC000;
	s1 =	simm.s32 $0x1;
	[dreg:$0x6] =	wrdreg s0  }
.LBB2_1:
0x12: {  	s2 =	rddreg [dreg:$0x3]  }
0x13: {  	s0 =	simm.s32 $0x0;
	s6 =	rddreg [dreg:$0x4]  }
0x14: {  	[tilespmem:s0], [sflag:$0x1] =	stream.strided.gather [hbm4b:s2+s12], $0x1000, s13, s12, $0x38;
	[tilespmem:$0x15400] =	vst v63  }
0x15: {  	s7 =	simm.s32 $0x1000;
	s15 =	rddreg [dreg:$0x5]  }
0x16: {  	[tilespmem:s7], [sflag:$0x1] =	stream.strided.gather [hbm4b:s6+s12], $0x1000, s13, s12, $0x38;
	[tilespmem:$0x15400] =	vst v63  }
0x17: {  	s16 =	simm.s32 $0x2000;
	s30 =	rddreg [dreg:$0x6]  }
0x18: {  	[tilespmem:s16], [sflag:$0x1] =	stream.strided.gather [hbm4b:s15+s12], $0x1000, s13, s12, $0x38;
	[tilespmem:$0x15400] =	vst v63  }
0x19: {  	s31 =	simm.s32 $0x3000;
	s2 =	simm.s32 $0x40;
	s0 =	simm.s32 $0x0  }
0x1a: {  	[tilespmem:s31], [sflag:$0x1] =	stream.strided.gather [hbm4b:s30+s12], $0x1000, s13, s12, $0x38;
	[tilespmem:$0x15400] =	vst v63  }
.LBB2_2:
0x1b: {  	p0 =	sne.s32 s2, $0xFC0;
	[tilespmem:s0+$0x14C00] =	vst v0;
	s3 =	smov.u32 s2;
	s2 =	sadd.s32 $0x40, s2  }
.Ltmp0:
0x1c: {  	[tilespmem:s0+$0x14800] =	vst v0;
	(pc) =	sbr.rel @p0 .LBB2_2-.Ltmp0, $3  }
0x1d: {  	[tilespmem:s0+$0x14000] =	vst v0  }
0x1e: {  	[tilespmem:s0+$0x14400] =	vst v0;
	_ =	sdelay $0x1  }
0x1f: {  	s0 =	sshra.s32 s3, $0x2  }
0x20: {  	[tilespmem:s0+$0x14C00] =	vst v0  }
0x21: {  	[tilespmem:s0+$0x14800] =	vst v0  }
0x22: {  	[tilespmem:s0+$0x14000] =	vst v0  }
0x23: {  	[tilespmem:s0+$0x14400] =	vst v0;
	s16 =	simm.s32 $0x1  }
0x24: {  	_ =	swait.ge [sflag:s16], $0x1000  }
0x25: {  	[sflag:s16] =	ssyncset.done $0x0  }
0x26: {  	[sflag:s16] =	ssyncadd.s32 $0xFFFFF000  }
0x27: {  	_ =	swait.ge [sflag:s16], $0x1000  }
0x28: {  	[sflag:s16] =	ssyncset.done $0x0  }
0x29: {  	[sflag:s16] =	ssyncadd.s32 $0xFFFFF000  }
0x2a: {  	_ =	swait.ge [sflag:s16], $0x1000  }
0x2b: {  	[sflag:s16] =	ssyncset.done $0x0  }
0x2c: {  	[sflag:s16] =	ssyncadd.s32 $0xFFFFF000  }
0x2d: {  	_ =	swait.ge [sflag:s16], $0x1000  }
0x2e: {  	[sflag:s16] =	ssyncset.done $0x0  }
0x2f: {  	[sflag:s16] =	ssyncadd.s32 $0xFFFFF000  }
0x30: {  	v3 =	vld [tilespmem:$0x3000]  }
0x31: {  	v4 =	vld [tilespmem:$0x2000]  }
0x32: {  	v5 =	vld [tilespmem:$0x1000]  }
0x33: {  	v6 =	vld [tilespmem:$0x0];
	_ =	sdelay $0x2  }
0x34: {  	v3 =	vadd.f32 $0.0e+00, v3  }
0x35: {  	v4 =	vadd.f32 $0.0e+00, v4  }
0x36: {  	v5 =	vadd.f32 $0.0e+00, v5;
	v6 =	vadd.f32 $0.0e+00, v6;
	vm0 =	vlt.s32 v3, $0x0  }
0x37: {  	v7 =	vand.u32 $0x7FFFFFFF, v3;
	vm1 =	vlt.s32 v4, $0x0;
	v8 =	vand.u32 $0x7FFFFFFF, v4  }
0x38: {  	v9 =	vand.u32 $0x7FFFFFFF, v5;
	vm11 =	vlt.s32 v5, $0x0;
	v11 =	vand.u32 $0x7FFFFFFF, v6  }
0x39: {  	s6 =	smin.u32 s16, $0xFF;
	vm12 =	vlt.s32 v6, $0x0;
	v7 =	vxor.u32 $0x7FFFFFFF, v7;
	v8 =	vxor.u32 $0x7FFFFFFF, v8  }
0x3a: {  	s0 =	sshll.u32 s6, $0x4;
	v11 =	vxor.u32 $0x7FFFFFFF, v11;
	v3 =	vsel vm0, v3, v7;
	v7 =	vxor.u32 $0x7FFFFFFF, v9  }
0x3b: {  	v12 =	vld [tilespmem:s0+$0x3000];
	v4 =	vsel vm1, v4, v8;
	v6 =	vsel vm12, v6, v11;
	v5 =	vsel vm11, v5, v7  }
0x3c: {  	v17 =	vld [tilespmem:s0+$0x1000];
	v7 =	vshrl.u32 v4, $0x8;
	v13 =	vshrl.u32 v4, $0x10;
	v14 =	vshrl.u32 v4, $0x18  }
0x3d: {  	s30 =	simm.s32 $0x4000;
	v20 =	vld [tilespmem:s0+$0x0];
	v15 =	vshrl.u32 v3, $0x8;
	v16 =	vshrl.u32 v6, $0x8;
	v18 =	vshrl.u32 v6, $0x10  }
0x3e: {  	v11 =	vld [tilespmem:s0+$0x2000];
	v19 =	vand.u32 $0xFF, v6;
	[tilespmem:s30+$0x0] =	vst v6;
	v21 =	vshrl.u32 v3, $0x10;
	v6 =	vshrl.u32 v6, $0x18  }
0x3f: {  	v22 =	vshrl.u32 v3, $0x18;
	v8 =	vshrl.u32 v5, $0x8;
	v9 =	vshrl.u32 v5, $0x10  }
0x40: {  	s15 =	simm.s32 $0x0;
	v10 =	vshrl.u32 v5, $0x18;
	v7 =	vand.u32 $0xFF, v7;
	v16 =	vand.u32 $0xFF, v16  }
0x41: {  	s7 =	sand.u32 $0xFF0, s15;
	v13 =	vand.u32 $0xFF, v13;
	v18 =	vand.u32 $0xFF, v18;
	v16 =	vor.u32 $0x100, v16  }
0x42: {  	v15 =	vand.u32 $0xFF, v15;
	[tilespmem:s7+$0x7000] =	vst v3;
	v21 =	vand.u32 $0xFF, v21;
	v18 =	vor.u32 $0x200, v18  }
0x43: {  	v6 =	vor.u32 $0x300, v6;
	[tilespmem:s7+$0x5000] =	vst v5;
	v23 =	vor.u32 $0x300, v14;
	v14 =	vand.u32 $0xFF, v4  }
0x44: {  	v5 =	vand.u32 $0xFF, v5;
	[tilespmem:s7+$0x6000] =	vst v4;
	v4 =	vadd.f32 $0.0e+00, v12;
	v8 =	vand.u32 $0xFF, v8  }
0x45: {  	v12 =	vadd.f32 $0.0e+00, v17;
	v9 =	vand.u32 $0xFF, v9;
	v8 =	vor.u32 $0x100, v8;
	[tilespmem:v19+s17+$0x0] =	vst.idx.add.s32.msk $0xffff, v1  }
0x46: {  	v24 =	vor.u32 $0x200, v13;
	v10 =	vor.u32 $0x300, v10;
	v9 =	vor.u32 $0x200, v9;
	[tilespmem:v16+s17+$0x0] =	vst.idx.add.s32.msk $0xffff, v1  }
0x47: {  	v17 =	vor.u32 $0x100, v7;
	v13 =	vand.u32 $0x7FFFFFFF, v4;
	v11 =	vadd.f32 $0.0e+00, v11;
	[tilespmem:v18+s17+$0x0] =	vst.idx.add.s32.msk $0xffff, v1  }
0x48: {  	vm13 =	vlt.s32 v4, $0x0;
	vm15 =	vlt.s32 v12, $0x0;
	v13 =	vxor.u32 $0x7FFFFFFF, v13;
	[tilespmem:v6+s17+$0x0] =	vst.idx.add.s32.msk $0xffff, v1  }
0x49: {  	v19 =	vand.u32 $0xFF, v3;
	vm14 =	vlt.s32 v11, $0x0;
	v16 =	vand.u32 $0x7FFFFFFF, v11;
	[tilespmem:v5+s18+$0x0] =	vst.idx.add.s32.msk $0xffff, v1  }
0x4a: {  	v16 =	vxor.u32 $0x7FFFFFFF, v16;
	v18 =	vadd.f32 $0.0e+00, v20;
	v6 =	vand.u32 $0x7FFFFFFF, v12;
	[tilespmem:v8+s18+$0x0] =	vst.idx.add.s32.msk $0xffff, v1  }
0x4b: {  	v5 =	vsel vm13, v4, v13;
	v4 =	vxor.u32 $0x7FFFFFFF, v6;
	v6 =	vsel vm14, v11, v16;
	[tilespmem:v9+s18+$0x0] =	vst.idx.add.s32.msk $0xffff, v1  }
0x4c: {  	v16 =	vor.u32 $0x100, v15;
	v15 =	vor.u32 $0x300, v22;
	v8 =	vsel vm15, v12, v4;
	[tilespmem:v10+s18+$0x0] =	vst.idx.add.s32.msk $0xffff, v1  }
0x4d: {  	v3 =	vshrl.u32 v6, $0x8;
	v12 =	vshrl.u32 v6, $0x18;
	v4 =	vshrl.u32 v8, $0x8;
	[tilespmem:v14+s19+$0x0] =	vst.idx.add.s32.msk $0xffff, v1  }
0x4e: {  	v7 =	vshrl.u32 v8, $0x10;
	v9 =	vshrl.u32 v8, $0x18;
	[tilespmem:v17+s19+$0x0] =	vst.idx.add.s32.msk $0xffff, v1;
	v17 =	vor.u32 $0x200, v21  }
0x4f: {  	v11 =	vand.u32 $0xFF, v7;
	v7 =	vand.u32 $0xFF, v3;
	v3 =	vshrl.u32 v6, $0x10;
	[tilespmem:v24+s19+$0x0] =	vst.idx.add.s32.msk $0xffff, v1  }
0x50: {  	v10 =	vand.u32 $0xFF, v4;
	v4 =	vshrl.u32 v5, $0x8;
	v13 =	vand.u32 $0xFF, v3;
	[tilespmem:v23+s19+$0x0] =	vst.idx.add.s32.msk $0xffff, v1  }
0x51: {  	s31 =	simm.s32 $0x20;
	s0 =	simm.s32 $0x10;
	v4 =	vand.u32 $0xFF, v4;
	v14 =	vshrl.u32 v5, $0x10;
	v3 =	vshrl.u32 v5, $0x18;
	[tilespmem:v19+s20+$0x0] =	vst.idx.add.s32.msk $0xffff, v1  }
.LBB2_4:
0x52: {  	p0 =	sne.s32 s31, $0xFF0;
	v19 =	vand.u32 $0x7FFFFFFF, v18;
	[tilespmem:v16+s20+$0x0] =	vst.idx.add.s32.msk $0xffff, v1;
	s30 =	sadd.s32 $0x10, s30;
	s16 =	sadd.s32 $0x1, s16  }
0x53: {  	vm0 =	vlt.s32 v18, $0x0;
	s3 =	smov.u32 s31;
	s31 =	sadd.s32 $0x10, s31;
	v16 =	vxor.u32 $0x7FFFFFFF, v19;
	s2 =	smin.u32 s16, $0xFF;
	[tilespmem:v17+s20+$0x0] =	vst.idx.add.s32.msk $0xffff, v1  }
0x54: {  	v16 =	vsel vm0, v18, v16;
	s2 =	sshll.u32 s2, $0x4;
	[tilespmem:v15+s20+$0x0] =	vst.idx.add.s32.msk $0xffff, v1  }
0x55: {  	v15 =	vshrl.u32 v16, $0x8;
	v17 =	vshrl.u32 v16, $0x10;
	v18 =	vld [tilespmem:s2+$0x3000];
	v19 =	vand.u32 $0xFF, v16  }
0x56: {  	v20 =	vshrl.u32 v16, $0x18;
	v21 =	vld [tilespmem:s2+$0x2000];
	v15 =	vand.u32 $0xFF, v15;
	v17 =	vand.u32 $0xFF, v17  }
0x57: {  	v23 =	vand.u32 $0xFF, v14;
	v22 =	vld [tilespmem:s2+$0x1000];
	v15 =	vor.u32 $0x100, v15  }
0x58: {  	v25 =	vor.u32 $0x300, v12;
	v26 =	vand.u32 $0xFF, v5;
	v14 =	vor.u32 $0x200, v17;
	v24 =	vld [tilespmem:s2+$0x0]  }
0x59: {  	v12 =	vor.u32 $0x300, v20;
	v20 =	vor.u32 $0x200, v13;
	v17 =	vand.u32 $0xFF, v6;
	s2 =	sand.u32 $0xFF0, s0;
	s0 =	smov.u32 s3;
	[tilespmem:s30+$0x0] =	vst v16  }
0x5a: {  	v16 =	vor.u32 $0x200, v11;
	v13 =	vadd.f32 $0.0e+00, v18;
	[tilespmem:s2+$0x7000] =	vst v5;
	v18 =	vor.u32 $0x300, v9  }
0x5b: {  	v11 =	vand.u32 $0xFF, v8;
	v9 =	vadd.f32 $0.0e+00, v21;
	[tilespmem:s2+$0x5000] =	vst v8;
	v21 =	vor.u32 $0x100, v10  }
0x5c: {  	v8 =	vadd.f32 $0.0e+00, v22;
	vm0 =	vlt.s32 v13, $0x0;
	v5 =	vand.u32 $0x7FFFFFFF, v13;
	[tilespmem:s2+$0x6000] =	vst v6  }
0x5d: {  	vm1 =	vlt.s32 v9, $0x0;
	v6 =	vand.u32 $0x7FFFFFFF, v9;
	v5 =	vxor.u32 $0x7FFFFFFF, v5;
	[tilespmem:v19+s17+$0x0] =	vst.idx.add.s32.msk $0xffff, v1  }
0x5e: {  	v10 =	vand.u32 $0x7FFFFFFF, v8;
	v6 =	vxor.u32 $0x7FFFFFFF, v6;
	v5 =	vsel vm0, v13, v5;
	[tilespmem:v15+s17+$0x0] =	vst.idx.add.s32.msk $0xffff, v1  }
0x5f: {  	vm0 =	vlt.s32 v8, $0x0;
	v10 =	vxor.u32 $0x7FFFFFFF, v10;
	v6 =	vsel vm1, v9, v6;
	[tilespmem:v14+s17+$0x0] =	vst.idx.add.s32.msk $0xffff, v1  }
0x60: {  	v15 =	vor.u32 $0x100, v7;
	v8 =	vsel vm0, v8, v10;
	v13 =	vshrl.u32 v6, $0x8;
	[tilespmem:v12+s17+$0x0] =	vst.idx.add.s32.msk $0xffff, v1  }
0x61: {  	v7 =	vshrl.u32 v8, $0x8;
	v12 =	vshrl.u32 v8, $0x10;
	v9 =	vshrl.u32 v8, $0x18;
	[tilespmem:v11+s18+$0x0] =	vst.idx.add.s32.msk $0xffff, v1  }
0x62: {  	v10 =	vand.u32 $0xFF, v7;
	v11 =	vand.u32 $0xFF, v12;
	v7 =	vand.u32 $0xFF, v13;
	[tilespmem:v21+s18+$0x0] =	vst.idx.add.s32.msk $0xffff, v1  }
0x63: {  	v14 =	vshrl.u32 v5, $0x8;
	v13 =	vshrl.u32 v6, $0x10;
	v12 =	vshrl.u32 v6, $0x18;
	[tilespmem:v16+s18+$0x0] =	vst.idx.add.s32.msk $0xffff, v1  }
0x64: {  	v13 =	vand.u32 $0xFF, v13;
	v16 =	vor.u32 $0x100, v4;
	v4 =	vand.u32 $0xFF, v14;
	[tilespmem:v18+s18+$0x0] =	vst.idx.add.s32.msk $0xffff, v1  }
.Ltmp1:
0x65: {  	v14 =	vshrl.u32 v5, $0x10;
	v18 =	vshrl.u32 v5, $0x18;
	[tilespmem:v17+s19+$0x0] =	vst.idx.add.s32.msk $0xffff, v1;
	v17 =	vor.u32 $0x200, v23;
	(pc) =	sbr.rel @p0 .LBB2_4-.Ltmp1, $4  }
0x66: {  	[tilespmem:v15+s19+$0x0] =	vst.idx.add.s32.msk $0xffff, v1;
	v15 =	vor.u32 $0x300, v3;
	v3 =	vmov v18  }
0x67: {  	[tilespmem:v20+s19+$0x0] =	vst.idx.add.s32.msk $0xffff, v1  }
0x68: {  	v18 =	vadd.f32 $0.0e+00, v24;
	[tilespmem:v25+s19+$0x0] =	vst.idx.add.s32.msk $0xffff, v1  }
0x69: {  	[tilespmem:v26+s20+$0x0] =	vst.idx.add.s32.msk $0xffff, v1  }
0x6a: {  	_ =	sdelay $0x1  }
0x6b: {  	v19 =	vand.u32 $0x7FFFFFFF, v18  }
0x6c: {  	vm0 =	vlt.s32 v18, $0x0;
	v19 =	vxor.u32 $0x7FFFFFFF, v19  }
0x6d: {  	[tilespmem:v16+s20+$0x0] =	vst.idx.add.s32.msk $0xffff, v1;
	v16 =	vsel vm0, v18, v19  }
0x6e: {  	[tilespmem:v17+s20+$0x0] =	vst.idx.add.s32.msk $0xffff, v1;
	v17 =	vshrl.u32 v16, $0x8  }
0x6f: {  	s2 =	sadd.s32 $0x10, s30;
	[tilespmem:v15+s20+$0x0] =	vst.idx.add.s32.msk $0xffff, v1;
	v15 =	vshrl.u32 v16, $0x10;
	v18 =	vand.u32 $0xFF, v16;
	v17 =	vand.u32 $0xFF, v17  }
0x70: {  	s0 =	sand.u32 $0xFF0, s0;
	[tilespmem:s2+$0x0] =	vst v16;
	v15 =	vand.u32 $0xFF, v15;
	v17 =	vor.u32 $0x100, v17  }
0x71: {  	v16 =	vshrl.u32 v16, $0x18;
	[tilespmem:s0+$0x7000] =	vst v5;
	v15 =	vor.u32 $0x200, v15  }
0x72: {  	v16 =	vor.u32 $0x300, v16;
	[tilespmem:s0+$0x5000] =	vst v8  }
0x73: {  	v8 =	vand.u32 $0xFF, v8;
	[tilespmem:s0+$0x6000] =	vst v6  }
0x74: {  	v10 =	vor.u32 $0x100, v10;
	[tilespmem:v18+s17+$0x0] =	vst.idx.add.s32.msk $0xffff, v1  }
0x75: {  	v11 =	vor.u32 $0x200, v11;
	[tilespmem:v17+s17+$0x0] =	vst.idx.add.s32.msk $0xffff, v1  }
0x76: {  	v9 =	vor.u32 $0x300, v9;
	[tilespmem:v15+s17+$0x0] =	vst.idx.add.s32.msk $0xffff, v1  }
0x77: {  	v6 =	vand.u32 $0xFF, v6;
	[tilespmem:v16+s17+$0x0] =	vst.idx.add.s32.msk $0xffff, v1  }
0x78: {  	v7 =	vor.u32 $0x100, v7;
	[tilespmem:v8+s18+$0x0] =	vst.idx.add.s32.msk $0xffff, v1  }
0x79: {  	v8 =	vor.u32 $0x200, v13;
	[tilespmem:v10+s18+$0x0] =	vst.idx.add.s32.msk $0xffff, v1  }
0x7a: {  	v10 =	vor.u32 $0x300, v12;
	[tilespmem:v11+s18+$0x0] =	vst.idx.add.s32.msk $0xffff, v1  }
0x7b: {  	v5 =	vand.u32 $0xFF, v5;
	[tilespmem:v9+s18+$0x0] =	vst.idx.add.s32.msk $0xffff, v1  }
0x7c: {  	v4 =	vor.u32 $0x100, v4;
	v9 =	vand.u32 $0xFF, v14;
	[tilespmem:v6+s19+$0x0] =	vst.idx.add.s32.msk $0xffff, v1  }
0x7d: {  	v6 =	vor.u32 $0x200, v9;
	[tilespmem:v7+s19+$0x0] =	vst.idx.add.s32.msk $0xffff, v1  }
0x7e: {  	v3 =	vor.u32 $0x300, v3;
	[tilespmem:v8+s19+$0x0] =	vst.idx.add.s32.msk $0xffff, v1  }
0x7f: {  	[tilespmem:v10+s19+$0x0] =	vst.idx.add.s32.msk $0xffff, v1  }
0x80: {  	[tilespmem:v5+s20+$0x0] =	vst.idx.add.s32.msk $0xffff, v1  }
0x81: {  	[tilespmem:v4+s20+$0x0] =	vst.idx.add.s32.msk $0xffff, v1  }
0x82: {  	[tilespmem:v6+s20+$0x0] =	vst.idx.add.s32.msk $0xffff, v1  }
0x83: {  	s31 =	simm.s32 $0x0;
	[tilespmem:v3+s20+$0x0] =	vst.idx.add.s32.msk $0xffff, v1  }
0x84: {  	v8 =	vld [tilespmem:s31+$0x14C00]  }
0x85: {  	v20 =	vld [tilespmem:s31+$0x14000]  }
0x86: {  	v12 =	vld [tilespmem:s31+$0x14400]  }
0x87: {  	s30 =	simm.s32 $0x10;
	v11 =	vld [tilespmem:s31+$0x14800]  }
0x88: {  	v10 =	vld [tilespmem:s30+$0x14C00]  }
0x89: {  	v9 =	vld [tilespmem:s30+$0x14000];
	(xrf0) =	vadd.scan.msk.s32 $0xffff, v8  }
0x8a: {  	v5 =	vld [tilespmem:s30+$0x14400];
	(xrf0) =	vadd.scan.msk.s32 $0xffff, v20  }
0x8b: {  	v6 =	vld [tilespmem:s30+$0x14800];
	(xrf0) =	vadd.scan.msk.s32 $0xffff, v12  }
0x8c: {  	(xrf0) =	vadd.scan.msk.s32 $0xffff, v11  }
0x8d: {  	(xrf0) =	vadd.scan.msk.s32 $0xffff, v10  }
0x8e: {  	(xrf0) =	vadd.scan.msk.s32 $0xffff, v9  }
0x8f: {  	v21, _, _ =	vpop (xrf0);
	(xrf0) =	vadd.scan.msk.s32 $0xffff, v5  }
0x90: {  	v19, _, _ =	vpop (xrf0);
	(v2sf) =	vpush v21, $0xF;
	(xrf0) =	vadd.scan.msk.s32 $0xffff, v6  }
0x91: {  	v18, _, _ =	vpop (xrf0);
	(v2sf) =	vpush v19, $0xF  }
0x92: {  	v17, _, _ =	vpop (xrf0);
	(v2sf) =	vpush v18, $0xF  }
0x93: {  	(v2sf) =	vpush v17, $0xF;
	v14, _, _ =	vpop (xrf0)  }
0x94: {  	v15, _, _ =	vpop (xrf0);
	(v2sf) =	vpush v14, $0xF  }
0x95: {  	(v2sf) =	vpush v15, $0xF;
	v13, _, _ =	vpop (xrf0)  }
0x96: {  	s16 =	simm.s32 $0x20;
	(v2sf) =	vpush v13, $0xF;
	v16, _, _ =	vpop (xrf0)  }
0x97: {  	v7 =	vld [tilespmem:s16+$0x14C00];
	(v2sf) =	vpush v16, $0xF  }
0x98: {  	v4 =	vld [tilespmem:s16+$0x14000]  }
0x99: {  	s6 =	simm.s32 $0x2FFF;
	v3 =	vld [tilespmem:s16+$0x14400]  }
0x9a: {  	v22 =	vsub.s32 s6, v8;
	v8 =	vld [tilespmem:s16+$0x14800];
	_ =	sdelay $0x1  }
0x9b: {  	(xrf0) =	vadd.scan.msk.s32 $0xffff, v7  }
0x9c: {  	s7 =	simm.s32 $0xFFFFFFFF;
	s5 =	simm.s32 $0x100;
	s4 =	simm.s32 $0x0;
	(xrf0) =	vadd.scan.msk.s32 $0xffff, v4  }
0x9d: {  	s3 =	simm.s32 $0x0;
	s2 =	simm.s32 $0x0;
	s0 =	simm.s32 $0x30;
	v20 =	vsub.s32 s7, v20;
	v21 =	vadd.s32 v21, v22;
	(xrf0) =	vadd.scan.msk.s32 $0xffff, v3  }
.LBB2_6:
0x9e: {  	p0 =	sne.s32 s5, $0x3C0;
	v22 =	vld [tilespmem:s0+$0x14C00];
	(xrf0) =	vadd.scan.msk.s32 $0xffff, v8;
	v25 =	vadd.s32 v19, v20;
	s6 =	sadd.s32 $0xFFF, s15;
	s7 =	sadd.s32 $0x1FFF, s2;
	[tilespmem:s31+$0x15300] =	vst v21;
	v20 =	vmovc v9;
	v9 =	vmov v4  }
0x9f: {  	v4 =	vld [tilespmem:s0+$0x14000];
	[tilespmem:s31+$0x15000] =	vst v25;
	v24 =	vsub.s32 s6, v12;
	v21 =	vsub.s32 s7, v11;
	v12 =	vmovc v5;
	v5 =	vmovc v3;
	v11 =	vmov v6;
	s6 =	smov.u32 s30;
	s30 =	smov.u32 s16;
	s16 =	smov.u32 s0  }
0xa0: {  	v23 =	vmovc v14;
	v19 =	vmovc v15;
	v6 =	vmov v8;
	v3 =	vld [tilespmem:s16+$0x14400];
	v24 =	vadd.s32 v18, v24;
	v21 =	vadd.s32 v17, v21  }
.Ltmp2:
0xa1: {  	v18 =	vmov v13;
	v17 =	vmov v16;
	v8 =	vld [tilespmem:s16+$0x14800];
	v14, _, _ =	vpop (xrf0);
	[tilespmem:s31+$0x15100] =	vst v24;
	s0 =	spop (v2sf);
	(pc) =	sbr.rel @p0 .LBB2_6-.Ltmp2, $4  }
0xa2: {  	v15, _, _ =	vpop (xrf0);
	(v2sf) =	vpush v14, $0xF;
	[tilespmem:s31+$0x15200] =	vst v21;
	s4 =	sadd.s32 s4, s0;
	s0 =	spop (v2sf);
	s31 =	smov.u32 s6  }
0xa3: {  	(xrf0) =	vadd.scan.msk.s32 $0xffff, v22;
	(v2sf) =	vpush v15, $0xF;
	v13, _, _ =	vpop (xrf0);
	s6 =	sadd.s32 $0x2FFF, s4;
	s3 =	sadd.s32 s3, s0;
	s0 =	spop (v2sf)  }
0xa4: {  	(xrf0) =	vadd.scan.msk.s32 $0xffff, v4;
	(v2sf) =	vpush v13, $0xF;
	v16, _, _ =	vpop (xrf0);
	s7 =	sadd.s32 $0xFFFFFFFF, s3;
	v21 =	vsub.s32 s6, v10;
	s15 =	sadd.s32 s15, s0;
	s6 =	spop (v2sf);
	v10 =	vmov v7  }
0xa5: {  	s0 =	sshra.s32 s5, $0x2;
	s5 =	sadd.s32 $0x40, s5;
	v7 =	vmovc v22;
	(xrf0) =	vadd.scan.msk.s32 $0xffff, v3;
	(v2sf) =	vpush v16, $0xF;
	v20 =	vsub.s32 s7, v20;
	v21 =	vadd.s32 v23, v21;
	s2 =	sadd.s32 s2, s6  }
0xa6: {  	(xrf0) =	vadd.scan.msk.s32 $0xffff, v8;
	_ =	sdelay $0x2  }
0xa7: {  	v22, _, _ =	vpop (xrf0)  }
0xa8: {  	v23, _, _ =	vpop (xrf0);
	(v2sf) =	vpush v22, $0xF  }
0xa9: {  	(v2sf) =	vpush v23, $0xF;
	v24, _, _ =	vpop (xrf0)  }
0xaa: {  	(v2sf) =	vpush v24, $0xF;
	v25, _, _ =	vpop (xrf0)  }
0xab: {  	(v2sf) =	vpush v25, $0xF;
	_ =	sdelay $0x3  }
0xac: {  	v26 =	vld [tilespmem:s0+$0x14C00];
	[tilespmem:s31+$0x15300] =	vst v21;
	v19 =	vadd.s32 v19, v20;
	s5 =	spop (v2sf);
	s6 =	sadd.s32 $0xFFF, s15  }
0xad: {  	s7 =	sadd.s32 $0x1FFF, s2;
	v54 =	vld [tilespmem:s0+$0x14000];
	[tilespmem:s31+$0x15000] =	vst v19;
	v12 =	vsub.s32 s6, v12;
	s6 =	spop (v2sf);
	s4 =	sadd.s32 s4, s5  }
0xae: {  	v11 =	vsub.s32 s7, v11;
	v19 =	vld [tilespmem:s0+$0x14400];
	s5 =	spop (v2sf);
	v12 =	vadd.s32 v18, v12;
	s3 =	sadd.s32 s3, s6;
	s7 =	sadd.s32 $0x2FFF, s4  }
0xaf: {  	v55 =	vld [tilespmem:s0+$0x14800];
	v11 =	vadd.s32 v17, v11;
	[tilespmem:s31+$0x15100] =	vst v12;
	v10 =	vsub.s32 s7, v10;
	s6 =	spop (v2sf);
	s5 =	sadd.s32 s15, s5;
	s7 =	sadd.s32 $0xFFFFFFFF, s3  }
0xb0: {  	[tilespmem:s31+$0x15200] =	vst v11;
	v9 =	vsub.s32 s7, v9;
	v10 =	vadd.s32 v14, v10;
	s2 =	sadd.s32 s2, s6;
	s7 =	sadd.s32 $0xFFF, s5;
	s31 =	spop (v2sf)  }
0xb1: {  	(xrf0) =	vadd.scan.msk.s32 $0xffff, v26;
	v9 =	vadd.s32 v15, v9;
	s15 =	sadd.s32 $0x1FFF, s2;
	[tilespmem:s30+$0x15300] =	vst v10;
	v5 =	vsub.s32 s7, v5;
	s4 =	sadd.s32 s4, s31;
	s31 =	spop (v2sf)  }
0xb2: {  	(xrf0) =	vadd.scan.msk.s32 $0xffff, v54;
	[tilespmem:s30+$0x15000] =	vst v9;
	v6 =	vsub.s32 s15, v6;
	v5 =	vadd.s32 v13, v5;
	s7 =	sadd.s32 $0x2FFF, s4;
	s3 =	sadd.s32 s3, s31;
	s15 =	spop (v2sf)  }
0xb3: {  	(xrf0) =	vadd.scan.msk.s32 $0xffff, v19;
	v6 =	vadd.s32 v16, v6;
	[tilespmem:s30+$0x15100] =	vst v5;
	s31 =	sadd.s32 $0xFFFFFFFF, s3;
	v5 =	vsub.s32 s7, v7;
	s5 =	sadd.s32 s5, s15;
	s7 =	spop (v2sf)  }
0xb4: {  	(xrf0) =	vadd.scan.msk.s32 $0xffff, v55;
	[tilespmem:s30+$0x15200] =	vst v6;
	v4 =	vsub.s32 s31, v4;
	v5 =	vadd.s32 v22, v5;
	s2 =	sadd.s32 s2, s7;
	s15 =	sadd.s32 $0xFFF, s5;
	s30 =	spop (v2sf)  }
0xb5: {  	v4 =	vadd.s32 v23, v4;
	s31 =	sadd.s32 $0x1FFF, s2;
	[tilespmem:s16+$0x15300] =	vst v5;
	v3 =	vsub.s32 s15, v3;
	s4 =	sadd.s32 s4, s30;
	s7 =	spop (v2sf)  }
0xb6: {  	[tilespmem:s16+$0x15000] =	vst v4;
	v4 =	vsub.s32 s31, v8;
	v3 =	vadd.s32 v24, v3;
	s4 =	sadd.s32 $0x2FFF, s4;
	s3 =	sadd.s32 s3, s7;
	s15 =	spop (v2sf)  }
0xb7: {  	v6, _, _ =	vpop (xrf0);
	v4 =	vadd.s32 v25, v4;
	[tilespmem:s16+$0x15100] =	vst v3;
	s3 =	sadd.s32 $0xFFFFFFFF, s3;
	v3 =	vsub.s32 s4, v26;
	s30 =	sadd.s32 s5, s15;
	s31 =	spop (v2sf)  }
0xb8: {  	v7, _, _ =	vpop (xrf0);
	[tilespmem:s16+$0x15200] =	vst v4;
	v4 =	vsub.s32 s3, v54;
	v3 =	vadd.s32 v6, v3;
	s2 =	sadd.s32 s2, s31;
	s5 =	sadd.s32 $0xFFF, s30  }
0xb9: {  	v8, _, _ =	vpop (xrf0);
	v4 =	vadd.s32 v7, v4;
	s2 =	sadd.s32 $0x1FFF, s2;
	[tilespmem:s0+$0x15300] =	vst v3;
	v3 =	vsub.s32 s5, v19  }
0xba: {  	v9, _, _ =	vpop (xrf0);
	[tilespmem:s0+$0x15000] =	vst v4;
	v4 =	vsub.s32 s2, v55;
	v3 =	vadd.s32 v8, v3  }
0xbb: {  	v4 =	vadd.s32 v9, v4;
	[tilespmem:s0+$0x15100] =	vst v3  }
0xbc: {  	[tilespmem:s0+$0x15200] =	vst v4  }
0xbd: {  	v10 =	vld [tilespmem:$0x4000];
	_ =	sdelay $0x1  }
0xbe: {  	v12 =	vld [tilespmem:$0x5000];
	_ =	sdelay $0x1  }
0xbf: {  	v13 =	vld [tilespmem:$0x6000]  }
0xc0: {  	v14 =	vand.u32 $0xFF, v10  }
0xc1: {  	v15 =	vld [tilespmem:$0x7000];
	(xrf1) =	vunique.msk.u32 $0xffff, v14  }
0xc2: {  	v56 =	vand.u32 $0xFF, v12  }
0xc3: {  	(xrf1) =	vunique.msk.u32 $0xffff, v56  }
0xc4: {  	v57 =	vand.u32 $0xFF, v13  }
0xc5: {  	(xrf1) =	vunique.msk.u32 $0xffff, v57  }
0xc6: {  	v5 =	vand.u32 $0xFF, v15  }
0xc7: {  	(xrf1) =	vunique.msk.u32 $0xffff, v5;
	_ =	sdelay $0x3  }
0xc8: {  	v3 =	vld.idx.msk [tilespmem:v14+s21+$0x0], $0xffff;
	_ =	sdelay $0x1  }
0xc9: {  	(v2sf) =	vpush v6, $0xF;
	v4 =	vld.idx.msk [tilespmem:v56+s22+$0x0], $0xffff  }
0xca: {  	(v2sf) =	vpush v7, $0xF  }
0xcb: {  	s6 =	simm.s32 $0x1;
	(v2sf) =	vpush v8, $0xF;
	v7 =	vld.idx.msk [tilespmem:v57+s23+$0x0], $0xffff;
	_, v58, vm1 =	vpop (xrf1)  }
0xcc: {  	(v2sf) =	vpush v9, $0xF;
	s0 =	smin.u32 s6, $0xFF;
	v59 =	vadd.s32 v58, v3  }
0xcd: {  	s0 =	sshll.u32 s0, $0x4;
	v9 =	vld.idx.msk [tilespmem:v5+s24+$0x0], $0xffff;
	_, v60, vm2 =	vpop (xrf1)  }
0xce: {  	v6 =	vld [tilespmem:s0+$0x4000];
	v61 =	vadd.s32 v60, v4  }
0xcf: {  	v8 =	vld [tilespmem:s0+$0x5000];
	_, v62, vm3 =	vpop (xrf1)  }
0xd0: {  	s15 =	simm.s32 $0x0;
	v3 =	vld [tilespmem:s0+$0x6000];
	v7 =	vadd.s32 v62, v7  }
0xd1: {  	v63 =	vor.u32 s15, v2;
	v4 =	vld [tilespmem:s0+$0x7000];
	_, v11, vm0 =	vpop (xrf1);
	[tilespmem:v59+s25+$0x0] =	vst.idx.msk $0xffff, v10  }
0xd2: {  	v9 =	vadd.s32 v11, v9;
	[tilespmem:v59+s26+$0x0] =	vst.idx.msk $0xffff, v63  }
0xd3: {  	[tilespmem:v61+s25+$0x0] =	vst.idx.msk $0xffff, v12  }
0xd4: {  	v12 =	vand.u32 $0xFF, v6;
	[tilespmem:v61+s26+$0x0] =	vst.idx.msk $0xffff, v63  }
0xd5: {  	(xrf1) =	vunique.msk.u32 $0xffff, v12;
	[tilespmem:v7+s25+$0x0] =	vst.idx.msk $0xffff, v13  }
0xd6: {  	[tilespmem:v7+s26+$0x0] =	vst.idx.msk $0xffff, v63;
	v7 =	vand.u32 $0xFF, v8  }
0xd7: {  	[tilespmem:v9+s25+$0x0] =	vst.idx.msk $0xffff, v15;
	(xrf1) =	vunique.msk.u32 $0xffff, v7  }
0xd8: {  	s7 =	spop (v2sf);
	[tilespmem:v9+s26+$0x0] =	vst.idx.msk $0xffff, v63;
	v9 =	vand.u32 $0xFF, v3  }
0xd9: {  	s16 =	spop (v2sf);
	[tilespmem:v14+s21+$0x0] =	vst.idx.add.s32.msk vm1, v58;
	(xrf1) =	vunique.msk.u32 $0xffff, v9  }
0xda: {  	s3 =	simm.s32 $0x2;
	s30 =	spop (v2sf);
	v13 =	vand.u32 $0xFF, v4;
	[tilespmem:v56+s22+$0x0] =	vst.idx.add.s32.msk vm2, v60  }
0xdb: {  	s2 =	simm.s32 $0x3;
	s31 =	spop (v2sf);
	s0 =	simm.s32 $0x0;
	v10 =	vmov v12;
	(xrf1) =	vunique.msk.u32 $0xffff, v13;
	[tilespmem:v57+s23+$0x0] =	vst.idx.add.s32.msk vm3, v62  }
.LBB2_8:
0xdc: {  	p0 =	sne.s32 s2, $0x100  }
0xdd: {  	[tilespmem:v5+s24+$0x0] =	vst.idx.add.s32.msk vm0, v11;
	s0 =	sadd.s32 $0x10, s0;
	v5 =	vmov v13;
	s4 =	smov.u32 s2;
	s2 =	sadd.s32 $0x1, s2  }
0xde: {  	v11 =	vld.idx.msk [tilespmem:v12+s21+$0x0], $0xffff;
	_ =	sdelay $0x1  }
0xdf: {  	v12 =	vld.idx.msk [tilespmem:v7+s22+$0x0], $0xffff;
	_ =	sdelay $0x1  }
0xe0: {  	v13 =	vld.idx.msk [tilespmem:v9+s23+$0x0], $0xffff  }
0xe1: {  	s5 =	smin.u32 s3, $0xFF;
	s3 =	smov.u32 s4;
	_, v14, vm1 =	vpop (xrf1)  }
0xe2: {  	s4 =	sshll.u32 s5, $0x4;
	v15 =	vld.idx.msk [tilespmem:v5+s24+$0x0], $0xffff;
	v16 =	vadd.s32 v14, v11  }
0xe3: {  	v17 =	vld [tilespmem:s4+$0x6000];
	_, v18, vm2 =	vpop (xrf1)  }
0xe4: {  	v19 =	vadd.s32 v18, v12;
	v20 =	vld [tilespmem:s4+$0x4000]  }
0xe5: {  	v21 =	vld [tilespmem:s4+$0x7000];
	_, v22, vm3 =	vpop (xrf1)  }
0xe6: {  	v13 =	vadd.s32 v22, v13;
	v23 =	vld [tilespmem:s4+$0x5000]  }
0xe7: {  	v24 =	vor.u32 s0, v2;
	[tilespmem:v16+s25+$0x0] =	vst.idx.msk $0xffff, v6;
	_, v11, vm0 =	vpop (xrf1)  }
0xe8: {  	v15 =	vadd.s32 v11, v15;
	[tilespmem:v16+s26+$0x0] =	vst.idx.msk $0xffff, v24  }
0xe9: {  	v12 =	vand.u32 $0xFF, v20;
	[tilespmem:v19+s25+$0x0] =	vst.idx.msk $0xffff, v8;
	v6 =	vmov v20  }
0xea: {  	(xrf1) =	vunique.msk.u32 $0xffff, v12;
	[tilespmem:v19+s26+$0x0] =	vst.idx.msk $0xffff, v24  }
0xeb: {  	v16 =	vand.u32 $0xFF, v23;
	[tilespmem:v13+s25+$0x0] =	vst.idx.msk $0xffff, v3;
	v3 =	vmov v17;
	v8 =	vmov v23  }
0xec: {  	(xrf1) =	vunique.msk.u32 $0xffff, v16;
	[tilespmem:v13+s26+$0x0] =	vst.idx.msk $0xffff, v24  }
.Ltmp3:
0xed: {  	v17 =	vand.u32 $0xFF, v17;
	[tilespmem:v15+s25+$0x0] =	vst.idx.msk $0xffff, v4;
	v4 =	vmov v21;
	(pc) =	sbr.rel @p0 .LBB2_8-.Ltmp3, $4  }
0xee: {  	(xrf1) =	vunique.msk.u32 $0xffff, v17;
	[tilespmem:v15+s26+$0x0] =	vst.idx.msk $0xffff, v24  }
0xef: {  	v13 =	vand.u32 $0xFF, v21;
	[tilespmem:v10+s21+$0x0] =	vst.idx.add.s32.msk vm1, v14;
	v10 =	vmov v12  }
0xf0: {  	(xrf1) =	vunique.msk.u32 $0xffff, v13;
	[tilespmem:v7+s22+$0x0] =	vst.idx.add.s32.msk vm2, v18;
	v7 =	vmov v16  }
0xf1: {  	[tilespmem:v9+s23+$0x0] =	vst.idx.add.s32.msk vm3, v22;
	v9 =	vmov v17  }
0xf2: {  	_ =	sdelay $0x4  }
0xf3: {  	[tilespmem:v5+s24+$0x0] =	vst.idx.add.s32.msk vm0, v11  }
0xf4: {  	v5 =	vld.idx.msk [tilespmem:v12+s21+$0x0], $0xffff;
	_ =	sdelay $0x1  }
0xf5: {  	v11 =	vld.idx.msk [tilespmem:v7+s22+$0x0], $0xffff;
	_ =	sdelay $0x1  }
0xf6: {  	v12 =	vld.idx.msk [tilespmem:v9+s23+$0x0], $0xffff;
	_, v14, vm15 =	vpop (xrf1)  }
0xf7: {  	v5 =	vadd.s32 v14, v5  }
0xf8: {  	v15 =	vld.idx.msk [tilespmem:v13+s24+$0x0], $0xffff;
	_, v16, vm1 =	vpop (xrf1)  }
0xf9: {  	v11 =	vadd.s32 v16, v11  }
0xfa: {  	_, v17, vm2 =	vpop (xrf1)  }
0xfb: {  	s0 =	sadd.s32 $0x10, s0;
	v12 =	vadd.s32 v17, v12  }
0xfc: {  	v18 =	vor.u32 s0, v2;
	[tilespmem:v5+s25+$0x0] =	vst.idx.msk $0xffff, v6;
	_, v6, vm3 =	vpop (xrf1)  }
0xfd: {  	v15 =	vadd.s32 v6, v15;
	[tilespmem:v5+s26+$0x0] =	vst.idx.msk $0xffff, v18  }
0xfe: {  	[tilespmem:v11+s25+$0x0] =	vst.idx.msk $0xffff, v8  }
0xff: {  	[tilespmem:v11+s26+$0x0] =	vst.idx.msk $0xffff, v18  }
0x100: {  	[tilespmem:v12+s25+$0x0] =	vst.idx.msk $0xffff, v3  }
0x101: {  	[tilespmem:v12+s26+$0x0] =	vst.idx.msk $0xffff, v18  }
0x102: {  	[tilespmem:v15+s25+$0x0] =	vst.idx.msk $0xffff, v4  }
0x103: {  	[tilespmem:v15+s26+$0x0] =	vst.idx.msk $0xffff, v18  }
0x104: {  	[tilespmem:v10+s21+$0x0] =	vst.idx.add.s32.msk vm15, v14  }
0x105: {  	[tilespmem:v7+s22+$0x0] =	vst.idx.add.s32.msk vm1, v16  }
0x106: {  	[tilespmem:v9+s23+$0x0] =	vst.idx.add.s32.msk vm2, v17  }
0x107: {  	s31 =	simm.s32 $0x100;
	[tilespmem:v13+s24+$0x0] =	vst.idx.add.s32.msk vm3, v6  }
0x108: {  	v8 =	vld [tilespmem:s31+$0x14C00]  }
0x109: {  	v20 =	vld [tilespmem:s31+$0x14000]  }
0x10a: {  	v12 =	vld [tilespmem:s31+$0x14400]  }
0x10b: {  	s30 =	simm.s32 $0x110;
	v11 =	vld [tilespmem:s31+$0x14800]  }
0x10c: {  	v10 =	vld [tilespmem:s30+$0x14C00]  }
0x10d: {  	v9 =	vld [tilespmem:s30+$0x14000];
	(xrf0) =	vadd.scan.msk.s32 $0xffff, v8  }
0x10e: {  	v5 =	vld [tilespmem:s30+$0x14400];
	(xrf0) =	vadd.scan.msk.s32 $0xffff, v20  }
0x10f: {  	v6 =	vld [tilespmem:s30+$0x14800];
	(xrf0) =	vadd.scan.msk.s32 $0xffff, v12  }
0x110: {  	(xrf0) =	vadd.scan.msk.s32 $0xffff, v11  }
0x111: {  	(xrf0) =	vadd.scan.msk.s32 $0xffff, v10  }
0x112: {  	(xrf0) =	vadd.scan.msk.s32 $0xffff, v9  }
0x113: {  	v21, _, _ =	vpop (xrf0);
	(xrf0) =	vadd.scan.msk.s32 $0xffff, v5  }
0x114: {  	v19, _, _ =	vpop (xrf0);
	(v2sf) =	vpush v21, $0xF;
	(xrf0) =	vadd.scan.msk.s32 $0xffff, v6  }
0x115: {  	v18, _, _ =	vpop (xrf0);
	(v2sf) =	vpush v19, $0xF  }
0x116: {  	v17, _, _ =	vpop (xrf0);
	(v2sf) =	vpush v18, $0xF  }
0x117: {  	(v2sf) =	vpush v17, $0xF;
	v14, _, _ =	vpop (xrf0)  }
0x118: {  	v15, _, _ =	vpop (xrf0);
	(v2sf) =	vpush v14, $0xF  }
0x119: {  	(v2sf) =	vpush v15, $0xF;
	v13, _, _ =	vpop (xrf0)  }
0x11a: {  	s16 =	simm.s32 $0x120;
	(v2sf) =	vpush v13, $0xF;
	v16, _, _ =	vpop (xrf0)  }
0x11b: {  	v7 =	vld [tilespmem:s16+$0x14C00];
	(v2sf) =	vpush v16, $0xF  }
0x11c: {  	v4 =	vld [tilespmem:s16+$0x14000]  }
0x11d: {  	s7 =	simm.s32 $0x2FFF;
	v3 =	vld [tilespmem:s16+$0x14400]  }
0x11e: {  	v22 =	vsub.s32 s7, v8;
	v8 =	vld [tilespmem:s16+$0x14800];
	_ =	sdelay $0x1  }
0x11f: {  	(xrf0) =	vadd.scan.msk.s32 $0xffff, v7  }
0x120: {  	s2 =	simm.s32 $0xFFFFFFFF;
	s5 =	simm.s32 $0x500;
	s4 =	simm.s32 $0x0;
	(xrf0) =	vadd.scan.msk.s32 $0xffff, v4  }
0x121: {  	s3 =	simm.s32 $0x0;
	s0 =	simm.s32 $0x130;
	v20 =	vsub.s32 s2, v20;
	s2 =	simm.s32 $0x0;
	v21 =	vadd.s32 v21, v22;
	(xrf0) =	vadd.scan.msk.s32 $0xffff, v3  }
.LBB2_10:
0x122: {  	p0 =	sne.s32 s5, $0x7C0;
	v22 =	vld [tilespmem:s0+$0x14C00];
	(xrf0) =	vadd.scan.msk.s32 $0xffff, v8;
	v25 =	vadd.s32 v19, v20;
	s6 =	sadd.s32 $0xFFF, s15;
	s7 =	sadd.s32 $0x1FFF, s2;
	[tilespmem:s31+$0x15200] =	vst v21;
	v20 =	vmovc v9;
	v9 =	vmov v4  }
0x123: {  	v4 =	vld [tilespmem:s0+$0x14000];
	[tilespmem:s31+$0x14F00] =	vst v25;
	v24 =	vsub.s32 s6, v12;
	v21 =	vsub.s32 s7, v11;
	v12 =	vmovc v5;
	v5 =	vmovc v3;
	v11 =	vmov v6;
	s6 =	smov.u32 s30;
	s30 =	smov.u32 s16;
	s16 =	smov.u32 s0  }
0x124: {  	v23 =	vmovc v14;
	v19 =	vmovc v15;
	v6 =	vmov v8;
	v3 =	vld [tilespmem:s16+$0x14400];
	v24 =	vadd.s32 v18, v24;
	v21 =	vadd.s32 v17, v21  }
.Ltmp4:
0x125: {  	v18 =	vmov v13;
	v17 =	vmov v16;
	v8 =	vld [tilespmem:s16+$0x14800];
	v14, _, _ =	vpop (xrf0);
	[tilespmem:s31+$0x15000] =	vst v24;
	s0 =	spop (v2sf);
	(pc) =	sbr.rel @p0 .LBB2_10-.Ltmp4, $4  }
0x126: {  	v15, _, _ =	vpop (xrf0);
	(v2sf) =	vpush v14, $0xF;
	[tilespmem:s31+$0x15100] =	vst v21;
	s4 =	sadd.s32 s4, s0;
	s0 =	spop (v2sf);
	s31 =	smov.u32 s6  }
0x127: {  	(xrf0) =	vadd.scan.msk.s32 $0xffff, v22;
	(v2sf) =	vpush v15, $0xF;
	v13, _, _ =	vpop (xrf0);
	s6 =	sadd.s32 $0x2FFF, s4;
	s3 =	sadd.s32 s3, s0;
	s0 =	spop (v2sf)  }
0x128: {  	(xrf0) =	vadd.scan.msk.s32 $0xffff, v4;
	(v2sf) =	vpush v13, $0xF;
	v16, _, _ =	vpop (xrf0);
	s7 =	sadd.s32 $0xFFFFFFFF, s3;
	v21 =	vsub.s32 s6, v10;
	s15 =	sadd.s32 s15, s0;
	s6 =	spop (v2sf);
	v10 =	vmov v7  }
0x129: {  	s0 =	sshra.s32 s5, $0x2;
	s5 =	sadd.s32 $0x40, s5;
	v7 =	vmovc v22;
	(xrf0) =	vadd.scan.msk.s32 $0xffff, v3;
	(v2sf) =	vpush v16, $0xF;
	v20 =	vsub.s32 s7, v20;
	v21 =	vadd.s32 v23, v21;
	s2 =	sadd.s32 s2, s6  }
0x12a: {  	(xrf0) =	vadd.scan.msk.s32 $0xffff, v8;
	_ =	sdelay $0x2  }
0x12b: {  	v22, _, _ =	vpop (xrf0)  }
0x12c: {  	v23, _, _ =	vpop (xrf0);
	(v2sf) =	vpush v22, $0xF  }
0x12d: {  	(v2sf) =	vpush v23, $0xF;
	v24, _, _ =	vpop (xrf0)  }
0x12e: {  	(v2sf) =	vpush v24, $0xF;
	v25, _, _ =	vpop (xrf0)  }
0x12f: {  	(v2sf) =	vpush v25, $0xF;
	_ =	sdelay $0x3  }
0x130: {  	v26 =	vld [tilespmem:s0+$0x14C00];
	[tilespmem:s31+$0x15200] =	vst v21;
	v19 =	vadd.s32 v19, v20;
	s5 =	spop (v2sf);
	s6 =	sadd.s32 $0xFFF, s15  }
0x131: {  	s7 =	sadd.s32 $0x1FFF, s2;
	v57 =	vld [tilespmem:s0+$0x14000];
	[tilespmem:s31+$0x14F00] =	vst v19;
	v12 =	vsub.s32 s6, v12;
	s6 =	spop (v2sf);
	s4 =	sadd.s32 s4, s5  }
0x132: {  	v11 =	vsub.s32 s7, v11;
	v19 =	vld [tilespmem:s0+$0x14400];
	s5 =	spop (v2sf);
	v12 =	vadd.s32 v18, v12;
	s3 =	sadd.s32 s3, s6;
	s7 =	sadd.s32 $0x2FFF, s4  }
0x133: {  	v18 =	vld [tilespmem:s0+$0x14800];
	v11 =	vadd.s32 v17, v11;
	v10 =	vsub.s32 s7, v10;
	s6 =	spop (v2sf);
	[tilespmem:s31+$0x15000] =	vst v12;
	s5 =	sadd.s32 s15, s5;
	s7 =	sadd.s32 $0xFFFFFFFF, s3  }
0x134: {  	[tilespmem:s31+$0x15100] =	vst v11;
	v9 =	vsub.s32 s7, v9;
	v10 =	vadd.s32 v14, v10;
	s2 =	sadd.s32 s2, s6;
	s7 =	sadd.s32 $0xFFF, s5;
	s31 =	spop (v2sf)  }
0x135: {  	(xrf0) =	vadd.scan.msk.s32 $0xffff, v26;
	v9 =	vadd.s32 v15, v9;
	s15 =	sadd.s32 $0x1FFF, s2;
	[tilespmem:s30+$0x15200] =	vst v10;
	v5 =	vsub.s32 s7, v5;
	s4 =	sadd.s32 s4, s31;
	s31 =	spop (v2sf)  }
0x136: {  	(xrf0) =	vadd.scan.msk.s32 $0xffff, v57;
	[tilespmem:s30+$0x14F00] =	vst v9;
	v6 =	vsub.s32 s15, v6;
	v5 =	vadd.s32 v13, v5;
	s7 =	sadd.s32 $0x2FFF, s4;
	s3 =	sadd.s32 s3, s31;
	s15 =	spop (v2sf)  }
0x137: {  	(xrf0) =	vadd.scan.msk.s32 $0xffff, v19;
	v6 =	vadd.s32 v16, v6;
	[tilespmem:s30+$0x15000] =	vst v5;
	s31 =	sadd.s32 $0xFFFFFFFF, s3;
	v5 =	vsub.s32 s7, v7;
	s5 =	sadd.s32 s5, s15;
	s7 =	spop (v2sf)  }
0x138: {  	(xrf0) =	vadd.scan.msk.s32 $0xffff, v18;
	[tilespmem:s30+$0x15100] =	vst v6;
	v4 =	vsub.s32 s31, v4;
	v5 =	vadd.s32 v22, v5;
	s2 =	sadd.s32 s2, s7;
	s15 =	sadd.s32 $0xFFF, s5;
	s30 =	spop (v2sf)  }
0x139: {  	v4 =	vadd.s32 v23, v4;
	s31 =	sadd.s32 $0x1FFF, s2;
	[tilespmem:s16+$0x15200] =	vst v5;
	v3 =	vsub.s32 s15, v3;
	s4 =	sadd.s32 s4, s30;
	s7 =	spop (v2sf)  }
0x13a: {  	[tilespmem:s16+$0x14F00] =	vst v4;
	v4 =	vsub.s32 s31, v8;
	v3 =	vadd.s32 v24, v3;
	s4 =	sadd.s32 $0x2FFF, s4;
	s3 =	sadd.s32 s3, s7;
	s15 =	spop (v2sf)  }
0x13b: {  	v5, _, _ =	vpop (xrf0);
	v4 =	vadd.s32 v25, v4;
	[tilespmem:s16+$0x15000] =	vst v3;
	s3 =	sadd.s32 $0xFFFFFFFF, s3;
	v3 =	vsub.s32 s4, v26;
	s30 =	sadd.s32 s5, s15;
	s31 =	spop (v2sf)  }
0x13c: {  	v6, _, _ =	vpop (xrf0);
	[tilespmem:s16+$0x15100] =	vst v4;
	v4 =	vsub.s32 s3, v57;
	v3 =	vadd.s32 v5, v3;
	s2 =	sadd.s32 s2, s31;
	s5 =	sadd.s32 $0xFFF, s30  }
0x13d: {  	v7, _, _ =	vpop (xrf0);
	v4 =	vadd.s32 v6, v4;
	s2 =	sadd.s32 $0x1FFF, s2;
	[tilespmem:s0+$0x15200] =	vst v3;
	v3 =	vsub.s32 s5, v19  }
0x13e: {  	v8, _, _ =	vpop (xrf0);
	[tilespmem:s0+$0x14F00] =	vst v4;
	v4 =	vsub.s32 s2, v18;
	v3 =	vadd.s32 v7, v3  }
0x13f: {  	v4 =	vadd.s32 v8, v4;
	[tilespmem:s0+$0x15000] =	vst v3  }
0x140: {  	[tilespmem:s0+$0x15100] =	vst v4  }
0x141: {  	v9 =	vld [tilespmem:$0x8000]  }
0x142: {  	v10 =	vld [tilespmem:$0x9000]  }
0x143: {  	v11 =	vld [tilespmem:$0xA000]  }
0x144: {  	v4 =	vld [tilespmem:$0xB000];
	_ =	sdelay $0x1  }
0x145: {  	v3 =	vshrl.u32 v9, $0x8  }
0x146: {  	v14 =	vand.u32 $0xFF, v3;
	v3 =	vshrl.u32 v10, $0x8  }
0x147: {  	v15 =	vand.u32 $0xFF, v3;
	v3 =	vshrl.u32 v11, $0x8;
	(xrf1) =	vunique.msk.u32 $0xffff, v14  }
0x148: {  	v12 =	vshrl.u32 v4, $0x8;
	v17 =	vand.u32 $0xFF, v3;
	(xrf1) =	vunique.msk.u32 $0xffff, v15  }
0x149: {  	v3 =	vand.u32 $0xFF, v12;
	(xrf1) =	vunique.msk.u32 $0xffff, v17  }
0x14a: {  	(xrf1) =	vunique.msk.u32 $0xffff, v3;
	_ =	sdelay $0x1  }
0x14b: {  	s6 =	simm.s32 $0x1;
	v16 =	vld [tilespmem:$0xD000]  }
0x14c: {  	s0 =	smin.u32 s6, $0xFF;
	v18 =	vld [tilespmem:$0xE000]  }
0x14d: {  	v19 =	vld [tilespmem:$0xF000];
	s0 =	sshll.u32 s0, $0x4  }
0x14e: {  	v58 =	vld [tilespmem:s0+$0xB000]  }
0x14f: {  	(v2sf) =	vpush v5, $0xF;
	v12 =	vld [tilespmem:$0xC000]  }
0x150: {  	(v2sf) =	vpush v6, $0xF;
	v5 =	vld.idx.msk [tilespmem:v14+s21+$0x0], $0xffff  }
0x151: {  	(v2sf) =	vpush v7, $0xF;
	v6 =	vld.idx.msk [tilespmem:v15+s22+$0x0], $0xffff  }
0x152: {  	(v2sf) =	vpush v8, $0xF;
	v7 =	vld.idx.msk [tilespmem:v17+s23+$0x0], $0xffff  }
0x153: {  	v8 =	vld.idx.msk [tilespmem:v3+s24+$0x0], $0xffff  }
0x154: {  	v21 =	vld [tilespmem:s0+$0x8000];
	_, v60, vm3 =	vpop (xrf1)  }
0x155: {  	v59 =	vld [tilespmem:s0+$0x9000];
	v27 =	vshrl.u32 v4, $0x4;
	v61 =	vadd.s32 v60, v5;
	_, v63, vm2 =	vpop (xrf1)  }
0x156: {  	v62 =	vld [tilespmem:s0+$0xA000];
	v9 =	vshrl.u32 v9, $0x4;
	v10 =	vshrl.u32 v10, $0x4;
	v6 =	vadd.s32 v63, v6;
	_, v28, vm1 =	vpop (xrf1)  }
0x157: {  	v4 =	vld [tilespmem:s0+$0xF000];
	v9 =	vand.u32 $0xFFFF000, v9;
	v10 =	vand.u32 $0xFFFF000, v10;
	v29 =	vadd.s32 v28, v7;
	_, v13, vm0 =	vpop (xrf1)  }
0x158: {  	v12 =	vor.u32 v9, v12;
	v9 =	vld [tilespmem:s0+$0xC000];
	v7 =	vshrl.u32 v11, $0x4;
	v11 =	vadd.s32 v13, v8  }
0x159: {  	v10 =	vor.u32 v10, v16;
	v5 =	vld [tilespmem:s0+$0xE000];
	v30 =	vand.u32 $0xFFFF000, v7  }
0x15a: {  	v8 =	vld [tilespmem:s0+$0xD000];
	v16 =	vor.u32 v30, v18;
	v18 =	vshrl.u32 v21, $0x8;
	[tilespmem:v61+s28+$0x0] =	vst.idx.msk $0xffff, v12;
	v12 =	vand.u32 $0xFFFF000, v27  }
0x15b: {  	[tilespmem:v6+s28+$0x0] =	vst.idx.msk $0xffff, v10;
	v12 =	vor.u32 v12, v19;
	v6 =	vand.u32 $0xFF, v18;
	v10 =	vshrl.u32 v59, $0x8  }
0x15c: {  	[tilespmem:v29+s28+$0x0] =	vst.idx.msk $0xffff, v16;
	v10 =	vand.u32 $0xFF, v10;
	v16 =	vshrl.u32 v62, $0x8;
	(xrf1) =	vunique.msk.u32 $0xffff, v6  }
0x15d: {  	v31 =	vshrl.u32 v58, $0x8;
	[tilespmem:v11+s28+$0x0] =	vst.idx.msk $0xffff, v12;
	v11 =	vand.u32 $0xFF, v16;
	(xrf1) =	vunique.msk.u32 $0xffff, v10  }
0x15e: {  	s7 =	spop (v2sf);
	v16 =	vand.u32 $0xFF, v31;
	(xrf1) =	vunique.msk.u32 $0xffff, v11  }
0x15f: {  	s15 =	spop (v2sf);
	[tilespmem:v14+s21+$0x0] =	vst.idx.add.s32.msk vm3, v60;
	(xrf1) =	vunique.msk.u32 $0xffff, v16  }
0x160: {  	s30 =	simm.s32 $0x2;
	s16 =	spop (v2sf);
	v7 =	vshrl.u32 v58, $0x4;
	v18 =	vshrl.u32 v62, $0x4;
	[tilespmem:v15+s22+$0x0] =	vst.idx.add.s32.msk vm2, v63  }
0x161: {  	s2 =	smin.u32 s30, $0xFF;
	s31 =	spop (v2sf);
	s0 =	simm.s32 $0x3;
	v12 =	vshrl.u32 v21, $0x4;
	v14 =	vshrl.u32 v59, $0x4;
	v15 =	vand.u32 $0xFFFF000, v18;
	[tilespmem:v17+s23+$0x0] =	vst.idx.add.s32.msk vm1, v28  }
.LBB2_12:
0x162: {  	p0 =	sne.s32 s0, $0x100  }
0x163: {  	s3 =	sshll.u32 s2, $0x4;
	[tilespmem:v3+s24+$0x0] =	vst.idx.add.s32.msk vm0, v13;
	v3 =	vmov v16;
	s2 =	smov.u32 s0;
	s0 =	sadd.s32 $0x1, s0  }
0x164: {  	v13 =	vld [tilespmem:s3+$0xB000]  }
0x165: {  	v16 =	vld.idx.msk [tilespmem:v6+s21+$0x0], $0xffff  }
0x166: {  	v17 =	vld.idx.msk [tilespmem:v10+s22+$0x0], $0xffff  }
0x167: {  	v18 =	vld.idx.msk [tilespmem:v11+s23+$0x0], $0xffff  }
0x168: {  	v19 =	vld.idx.msk [tilespmem:v3+s24+$0x0], $0xffff  }
0x169: {  	v20 =	vshrl.u32 v13, $0x8;
	v13 =	vshrl.u32 v13, $0x4;
	v21 =	vld [tilespmem:s3+$0x8000]  }
0x16a: {  	v22 =	vand.u32 $0xFFFF000, v7;
	v23 =	vld [tilespmem:s3+$0x9000];
	_, v24, vm1 =	vpop (xrf1);
	v7 =	vmov v13  }
0x16b: {  	v22 =	vor.u32 v22, v4;
	v16 =	vadd.s32 v24, v16;
	v25 =	vld [tilespmem:s3+$0xA000];
	_, v26, vm2 =	vpop (xrf1)  }
0x16c: {  	v29 =	vand.u32 $0xFFFF000, v14;
	v15 =	vor.u32 v15, v5;
	v17 =	vadd.s32 v26, v17;
	v4 =	vld [tilespmem:s3+$0xF000];
	_, v27, vm3 =	vpop (xrf1)  }
0x16d: {  	v14 =	vand.u32 $0xFFFF000, v12;
	v28 =	vor.u32 v29, v8;
	v18 =	vadd.s32 v27, v18;
	v5 =	vld [tilespmem:s3+$0xE000];
	_, v13, vm0 =	vpop (xrf1)  }
0x16e: {  	v29 =	vshrl.u32 v21, $0x8;
	v12 =	vshrl.u32 v21, $0x4;
	v19 =	vadd.s32 v13, v19;
	v8 =	vld [tilespmem:s3+$0xD000]  }
0x16f: {  	v14 =	vor.u32 v14, v9;
	v21 =	vand.u32 $0xFF, v29;
	v29 =	vshrl.u32 v23, $0x8;
	v9 =	vld [tilespmem:s3+$0xC000]  }
0x170: {  	v29 =	vand.u32 $0xFF, v29;
	v30 =	vshrl.u32 v25, $0x8;
	(xrf1) =	vunique.msk.u32 $0xffff, v21;
	[tilespmem:v16+s28+$0x0] =	vst.idx.msk $0xffff, v14  }
0x171: {  	v14 =	vshrl.u32 v23, $0x4;
	v30 =	vand.u32 $0xFF, v30;
	(xrf1) =	vunique.msk.u32 $0xffff, v29;
	[tilespmem:v17+s28+$0x0] =	vst.idx.msk $0xffff, v28  }
.Ltmp5:
0x172: {  	v16 =	vand.u32 $0xFF, v20;
	v17 =	vshrl.u32 v25, $0x4;
	(xrf1) =	vunique.msk.u32 $0xffff, v30;
	[tilespmem:v18+s28+$0x0] =	vst.idx.msk $0xffff, v15;
	(pc) =	sbr.rel @p0 .LBB2_12-.Ltmp5, $4  }
0x173: {  	v15 =	vand.u32 $0xFFFF000, v17;
	(xrf1) =	vunique.msk.u32 $0xffff, v16;
	[tilespmem:v19+s28+$0x0] =	vst.idx.msk $0xffff, v22  }
0x174: {  	[tilespmem:v6+s21+$0x0] =	vst.idx.add.s32.msk vm1, v24;
	v6 =	vmov v21  }
0x175: {  	[tilespmem:v10+s22+$0x0] =	vst.idx.add.s32.msk vm2, v26;
	v10 =	vmov v29  }
0x176: {  	s2 =	smin.u32 s2, $0xFF;
	[tilespmem:v11+s23+$0x0] =	vst.idx.add.s32.msk vm3, v27;
	v11 =	vmov v30  }
0x177: {  	_ =	sdelay $0x4  }
0x178: {  	[tilespmem:v3+s24+$0x0] =	vst.idx.add.s32.msk vm0, v13  }
0x179: {  	v3 =	vld.idx.msk [tilespmem:v6+s21+$0x0], $0xffff  }
0x17a: {  	v13 =	vld.idx.msk [tilespmem:v10+s22+$0x0], $0xffff  }
0x17b: {  	v17 =	vld.idx.msk [tilespmem:v11+s23+$0x0], $0xffff  }
0x17c: {  	v18 =	vld.idx.msk [tilespmem:v16+s24+$0x0], $0xffff  }
0x17d: {  	_, v19, vm15 =	vpop (xrf1)  }
0x17e: {  	v3 =	vadd.s32 v19, v3;
	_, v20, vm1 =	vpop (xrf1)  }
0x17f: {  	v13 =	vadd.s32 v20, v13;
	_, v21, vm2 =	vpop (xrf1)  }
0x180: {  	v17 =	vadd.s32 v21, v17;
	_, v22, vm3 =	vpop (xrf1)  }
0x181: {  	v12 =	vand.u32 $0xFFFF000, v12;
	v18 =	vadd.s32 v22, v18  }
0x182: {  	v9 =	vor.u32 v12, v9;
	v12 =	vand.u32 $0xFFFF000, v14  }
0x183: {  	[tilespmem:v3+s28+$0x0] =	vst.idx.msk $0xffff, v9;
	v3 =	vor.u32 v12, v8  }
0x184: {  	v7 =	vand.u32 $0xFFFF000, v7;
	v5 =	vor.u32 v15, v5;
	[tilespmem:v13+s28+$0x0] =	vst.idx.msk $0xffff, v3  }
0x185: {  	v3 =	vor.u32 v7, v4;
	[tilespmem:v17+s28+$0x0] =	vst.idx.msk $0xffff, v5  }
0x186: {  	[tilespmem:v18+s28+$0x0] =	vst.idx.msk $0xffff, v3  }
0x187: {  	[tilespmem:v6+s21+$0x0] =	vst.idx.add.s32.msk vm15, v19  }
0x188: {  	[tilespmem:v10+s22+$0x0] =	vst.idx.add.s32.msk vm1, v20  }
0x189: {  	[tilespmem:v11+s23+$0x0] =	vst.idx.add.s32.msk vm2, v21  }
0x18a: {  	s30 =	simm.s32 $0x200;
	[tilespmem:v16+s24+$0x0] =	vst.idx.add.s32.msk vm3, v22  }
0x18b: {  	v9 =	vld [tilespmem:s30+$0x14C00]  }
0x18c: {  	v20 =	vld [tilespmem:s30+$0x14000]  }
0x18d: {  	v12 =	vld [tilespmem:s30+$0x14400]  }
0x18e: {  	s16 =	simm.s32 $0x210;
	v11 =	vld [tilespmem:s30+$0x14800]  }
0x18f: {  	v10 =	vld [tilespmem:s16+$0x14C00]  }
0x190: {  	v8 =	vld [tilespmem:s16+$0x14000];
	(xrf0) =	vadd.scan.msk.s32 $0xffff, v9  }
0x191: {  	v5 =	vld [tilespmem:s16+$0x14400];
	(xrf0) =	vadd.scan.msk.s32 $0xffff, v20  }
0x192: {  	v6 =	vld [tilespmem:s16+$0x14800];
	(xrf0) =	vadd.scan.msk.s32 $0xffff, v12  }
0x193: {  	(xrf0) =	vadd.scan.msk.s32 $0xffff, v11  }
0x194: {  	(xrf0) =	vadd.scan.msk.s32 $0xffff, v10  }
0x195: {  	(xrf0) =	vadd.scan.msk.s32 $0xffff, v8  }
0x196: {  	v21, _, _ =	vpop (xrf0);
	(xrf0) =	vadd.scan.msk.s32 $0xffff, v5  }
0x197: {  	v19, _, _ =	vpop (xrf0);
	(v2sf) =	vpush v21, $0xF;
	(xrf0) =	vadd.scan.msk.s32 $0xffff, v6  }
0x198: {  	v18, _, _ =	vpop (xrf0);
	(v2sf) =	vpush v19, $0xF  }
0x199: {  	v17, _, _ =	vpop (xrf0);
	(v2sf) =	vpush v18, $0xF  }
0x19a: {  	(v2sf) =	vpush v17, $0xF;
	v13, _, _ =	vpop (xrf0)  }
0x19b: {  	v15, _, _ =	vpop (xrf0);
	(v2sf) =	vpush v13, $0xF  }
0x19c: {  	(v2sf) =	vpush v15, $0xF;
	v14, _, _ =	vpop (xrf0)  }
0x19d: {  	s15 =	simm.s32 $0x220;
	(v2sf) =	vpush v14, $0xF;
	v16, _, _ =	vpop (xrf0)  }
0x19e: {  	v7 =	vld [tilespmem:s15+$0x14C00];
	(v2sf) =	vpush v16, $0xF  }
0x19f: {  	v4 =	vld [tilespmem:s15+$0x14000]  }
0x1a0: {  	s0 =	simm.s32 $0x2FFF;
	v3 =	vld [tilespmem:s15+$0x14400]  }
0x1a1: {  	v22 =	vsub.s32 s0, v9;
	v9 =	vld [tilespmem:s15+$0x14800];
	_ =	sdelay $0x1  }
0x1a2: {  	s31 =	simm.s32 $0x0;
	(xrf0) =	vadd.scan.msk.s32 $0xffff, v7  }
0x1a3: {  	s2 =	simm.s32 $0xFFFFFFFF;
	s5 =	simm.s32 $0x900;
	s4 =	simm.s32 $0x0;
	(xrf0) =	vadd.scan.msk.s32 $0xffff, v4  }
0x1a4: {  	s3 =	simm.s32 $0x0;
	s0 =	simm.s32 $0x230;
	v20 =	vsub.s32 s2, v20;
	s2 =	simm.s32 $0x0;
	v21 =	vadd.s32 v21, v22;
	(xrf0) =	vadd.scan.msk.s32 $0xffff, v3  }
.LBB2_14:
0x1a5: {  	p0 =	sne.s32 s5, $0xBC0;
	v22 =	vld [tilespmem:s0+$0x14C00];
	(xrf0) =	vadd.scan.msk.s32 $0xffff, v9;
	v25 =	vadd.s32 v19, v20;
	s6 =	sadd.s32 $0xFFF, s31;
	s7 =	sadd.s32 $0x1FFF, s2;
	[tilespmem:s30+$0x15100] =	vst v21;
	v20 =	vmovc v8;
	v8 =	vmov v4  }
0x1a6: {  	v4 =	vld [tilespmem:s0+$0x14000];
	[tilespmem:s30+$0x14E00] =	vst v25;
	v24 =	vsub.s32 s6, v12;
	v21 =	vsub.s32 s7, v11;
	v12 =	vmovc v5;
	v5 =	vmovc v3;
	v11 =	vmov v6;
	s6 =	smov.u32 s16;
	s16 =	smov.u32 s15;
	s15 =	smov.u32 s0  }
0x1a7: {  	v23 =	vmovc v13;
	v19 =	vmovc v15;
	v6 =	vmov v9;
	v3 =	vld [tilespmem:s15+$0x14400];
	v24 =	vadd.s32 v18, v24;
	v21 =	vadd.s32 v17, v21  }
.Ltmp6:
0x1a8: {  	v18 =	vmov v14;
	v17 =	vmov v16;
	v9 =	vld [tilespmem:s15+$0x14800];
	v13, _, _ =	vpop (xrf0);
	[tilespmem:s30+$0x14F00] =	vst v24;
	s0 =	spop (v2sf);
	(pc) =	sbr.rel @p0 .LBB2_14-.Ltmp6, $4  }
0x1a9: {  	v15, _, _ =	vpop (xrf0);
	(v2sf) =	vpush v13, $0xF;
	[tilespmem:s30+$0x15000] =	vst v21;
	s4 =	sadd.s32 s4, s0;
	s0 =	spop (v2sf);
	s30 =	smov.u32 s6  }
0x1aa: {  	(xrf0) =	vadd.scan.msk.s32 $0xffff, v22;
	(v2sf) =	vpush v15, $0xF;
	v14, _, _ =	vpop (xrf0);
	s6 =	sadd.s32 $0x2FFF, s4;
	s3 =	sadd.s32 s3, s0;
	s0 =	spop (v2sf)  }
0x1ab: {  	(xrf0) =	vadd.scan.msk.s32 $0xffff, v4;
	(v2sf) =	vpush v14, $0xF;
	v16, _, _ =	vpop (xrf0);
	s7 =	sadd.s32 $0xFFFFFFFF, s3;
	v21 =	vsub.s32 s6, v10;
	s31 =	sadd.s32 s31, s0;
	s6 =	spop (v2sf);
	v10 =	vmov v7  }
0x1ac: {  	s0 =	sshra.s32 s5, $0x2;
	s5 =	sadd.s32 $0x40, s5;
	v7 =	vmovc v22;
	(xrf0) =	vadd.scan.msk.s32 $0xffff, v3;
	(v2sf) =	vpush v16, $0xF;
	v20 =	vsub.s32 s7, v20;
	v21 =	vadd.s32 v23, v21;
	s2 =	sadd.s32 s2, s6  }
0x1ad: {  	(xrf0) =	vadd.scan.msk.s32 $0xffff, v9;
	_ =	sdelay $0x2  }
0x1ae: {  	v22, _, _ =	vpop (xrf0)  }
0x1af: {  	v23, _, _ =	vpop (xrf0);
	(v2sf) =	vpush v22, $0xF  }
0x1b0: {  	(v2sf) =	vpush v23, $0xF;
	v24, _, _ =	vpop (xrf0)  }
0x1b1: {  	(v2sf) =	vpush v24, $0xF;
	v25, _, _ =	vpop (xrf0)  }
0x1b2: {  	(v2sf) =	vpush v25, $0xF;
	_ =	sdelay $0x3  }
0x1b3: {  	v26 =	vld [tilespmem:s0+$0x14C00];
	[tilespmem:s30+$0x15100] =	vst v21;
	v19 =	vadd.s32 v19, v20;
	s5 =	spop (v2sf);
	s6 =	sadd.s32 $0xFFF, s31  }
0x1b4: {  	s7 =	sadd.s32 $0x1FFF, s2;
	v56 =	vld [tilespmem:s0+$0x14000];
	[tilespmem:s30+$0x14E00] =	vst v19;
	v12 =	vsub.s32 s6, v12;
	s6 =	spop (v2sf);
	s4 =	sadd.s32 s4, s5  }
0x1b5: {  	v11 =	vsub.s32 s7, v11;
	v19 =	vld [tilespmem:s0+$0x14400];
	s5 =	spop (v2sf);
	v12 =	vadd.s32 v18, v12;
	s3 =	sadd.s32 s3, s6;
	s7 =	sadd.s32 $0x2FFF, s4  }
0x1b6: {  	v57 =	vld [tilespmem:s0+$0x14800];
	v11 =	vadd.s32 v17, v11;
	v10 =	vsub.s32 s7, v10;
	s6 =	spop (v2sf);
	[tilespmem:s30+$0x14F00] =	vst v12;
	s5 =	sadd.s32 s31, s5;
	s7 =	sadd.s32 $0xFFFFFFFF, s3  }
0x1b7: {  	[tilespmem:s30+$0x15000] =	vst v11;
	v8 =	vsub.s32 s7, v8;
	v10 =	vadd.s32 v13, v10;
	s2 =	sadd.s32 s2, s6;
	s7 =	sadd.s32 $0xFFF, s5;
	s31 =	spop (v2sf)  }
0x1b8: {  	(xrf0) =	vadd.scan.msk.s32 $0xffff, v26;
	v8 =	vadd.s32 v15, v8;
	s30 =	sadd.s32 $0x1FFF, s2;
	[tilespmem:s16+$0x15100] =	vst v10;
	v5 =	vsub.s32 s7, v5;
	s4 =	sadd.s32 s4, s31;
	s31 =	spop (v2sf)  }
0x1b9: {  	(xrf0) =	vadd.scan.msk.s32 $0xffff, v56;
	[tilespmem:s16+$0x14E00] =	vst v8;
	v6 =	vsub.s32 s30, v6;
	v5 =	vadd.s32 v14, v5;
	s7 =	sadd.s32 $0x2FFF, s4;
	s3 =	sadd.s32 s3, s31;
	s6 =	spop (v2sf)  }
0x1ba: {  	(xrf0) =	vadd.scan.msk.s32 $0xffff, v19;
	v6 =	vadd.s32 v16, v6;
	[tilespmem:s16+$0x14F00] =	vst v5;
	s31 =	sadd.s32 $0xFFFFFFFF, s3;
	v5 =	vsub.s32 s7, v7;
	s5 =	sadd.s32 s5, s6;
	s7 =	spop (v2sf)  }
0x1bb: {  	(xrf0) =	vadd.scan.msk.s32 $0xffff, v57;
	[tilespmem:s16+$0x15000] =	vst v6;
	v4 =	vsub.s32 s31, v4;
	v5 =	vadd.s32 v22, v5;
	s2 =	sadd.s32 s2, s7;
	s16 =	sadd.s32 $0xFFF, s5;
	s30 =	spop (v2sf)  }
0x1bc: {  	v4 =	vadd.s32 v23, v4;
	s31 =	sadd.s32 $0x1FFF, s2;
	[tilespmem:s15+$0x15100] =	vst v5;
	v3 =	vsub.s32 s16, v3;
	s4 =	sadd.s32 s4, s30;
	s7 =	spop (v2sf)  }
0x1bd: {  	[tilespmem:s15+$0x14E00] =	vst v4;
	v4 =	vsub.s32 s31, v9;
	v3 =	vadd.s32 v24, v3;
	s4 =	sadd.s32 $0x2FFF, s4;
	s3 =	sadd.s32 s3, s7;
	s16 =	spop (v2sf)  }
0x1be: {  	v5, _, _ =	vpop (xrf0);
	v4 =	vadd.s32 v25, v4;
	[tilespmem:s15+$0x14F00] =	vst v3;
	s3 =	sadd.s32 $0xFFFFFFFF, s3;
	v3 =	vsub.s32 s4, v26;
	s30 =	sadd.s32 s5, s16;
	s31 =	spop (v2sf)  }
0x1bf: {  	v6, _, _ =	vpop (xrf0);
	[tilespmem:s15+$0x15000] =	vst v4;
	v4 =	vsub.s32 s3, v56;
	v3 =	vadd.s32 v5, v3;
	s2 =	sadd.s32 s2, s31;
	s6 =	sadd.s32 $0xFFF, s30  }
0x1c0: {  	v7, _, _ =	vpop (xrf0);
	v4 =	vadd.s32 v6, v4;
	s2 =	sadd.s32 $0x1FFF, s2;
	[tilespmem:s0+$0x15100] =	vst v3;
	v3 =	vsub.s32 s6, v19  }
0x1c1: {  	v8, _, _ =	vpop (xrf0);
	[tilespmem:s0+$0x14E00] =	vst v4;
	v4 =	vsub.s32 s2, v57;
	v3 =	vadd.s32 v7, v3  }
0x1c2: {  	v4 =	vadd.s32 v8, v4;
	[tilespmem:s0+$0x14F00] =	vst v3  }
0x1c3: {  	[tilespmem:s0+$0x15000] =	vst v4  }
0x1c4: {  	v9 =	vld [tilespmem:$0x4000]  }
0x1c5: {  	v10 =	vld [tilespmem:$0x5000]  }
0x1c6: {  	v12 =	vld [tilespmem:$0x6000]  }
0x1c7: {  	v14 =	vld [tilespmem:$0x7000];
	_ =	sdelay $0x1  }
0x1c8: {  	v3 =	vshrl.u32 v9, $0xC  }
0x1c9: {  	v16 =	vand.u32 $0xFF, v3;
	v3 =	vshrl.u32 v10, $0xC  }
0x1ca: {  	v17 =	vand.u32 $0xFF, v3;
	v3 =	vshrl.u32 v12, $0xC;
	(xrf1) =	vunique.msk.u32 $0xffff, v16  }
0x1cb: {  	v4 =	vshrl.u32 v14, $0xC;
	v3 =	vand.u32 $0xFF, v3;
	(xrf1) =	vunique.msk.u32 $0xffff, v17  }
0x1cc: {  	v4 =	vand.u32 $0xFF, v4;
	(xrf1) =	vunique.msk.u32 $0xffff, v3  }
0x1cd: {  	(xrf1) =	vunique.msk.u32 $0xffff, v4;
	_ =	sdelay $0x5  }
0x1ce: {  	(v2sf) =	vpush v5, $0xF  }
0x1cf: {  	(v2sf) =	vpush v6, $0xF;
	v6 =	vld.idx.msk [tilespmem:v16+s21+$0x0], $0xffff  }
0x1d0: {  	(v2sf) =	vpush v7, $0xF;
	s7 =	simm.s32 $0x1;
	v7 =	vld.idx.msk [tilespmem:v17+s22+$0x0], $0xffff  }
0x1d1: {  	(v2sf) =	vpush v8, $0xF;
	s0 =	smin.u32 s7, $0xFF;
	v8 =	vld.idx.msk [tilespmem:v3+s23+$0x0], $0xffff  }
0x1d2: {  	s0 =	sshll.u32 s0, $0x4;
	v15 =	vld.idx.msk [tilespmem:v4+s24+$0x0], $0xffff  }
0x1d3: {  	v5 =	vld [tilespmem:s0+$0x4000];
	_, v58, vm3 =	vpop (xrf1)  }
0x1d4: {  	_, v59, vm2 =	vpop (xrf1);
	v60 =	vadd.s32 v58, v6;
	v6 =	vld [tilespmem:s0+$0x5000]  }
0x1d5: {  	v61 =	vadd.s32 v59, v7;
	_, v11, vm0 =	vpop (xrf1);
	v7 =	vld [tilespmem:s0+$0x6000]  }
0x1d6: {  	v62 =	vadd.s32 v11, v8;
	_, v13, vm1 =	vpop (xrf1);
	v8 =	vld [tilespmem:s0+$0x7000]  }
0x1d7: {  	v63 =	vadd.s32 v13, v15  }
0x1d8: {  	v15 =	vshrl.u32 v5, $0xC  }
0x1d9: {  	[tilespmem:v60+s25+$0x0] =	vst.idx.msk $0xffff, v9;
	v9 =	vand.u32 $0xFF, v15;
	v15 =	vshrl.u32 v6, $0xC  }
0x1da: {  	[tilespmem:v61+s25+$0x0] =	vst.idx.msk $0xffff, v10;
	v15 =	vand.u32 $0xFF, v15;
	v10 =	vshrl.u32 v7, $0xC;
	(xrf1) =	vunique.msk.u32 $0xffff, v9  }
0x1db: {  	[tilespmem:v62+s25+$0x0] =	vst.idx.msk $0xffff, v12;
	v12 =	vand.u32 $0xFF, v10;
	v10 =	vshrl.u32 v8, $0xC;
	(xrf1) =	vunique.msk.u32 $0xffff, v15  }
0x1dc: {  	[tilespmem:v63+s25+$0x0] =	vst.idx.msk $0xffff, v14;
	v14 =	vand.u32 $0xFF, v10;
	(xrf1) =	vunique.msk.u32 $0xffff, v12  }
0x1dd: {  	s15 =	spop (v2sf);
	(xrf1) =	vunique.msk.u32 $0xffff, v14  }
0x1de: {  	s16 =	spop (v2sf)  }
0x1df: {  	s30 =	spop (v2sf);
	[tilespmem:v16+s21+$0x0] =	vst.idx.add.s32.msk vm3, v58  }
0x1e0: {  	s2 =	simm.s32 $0x3;
	s31 =	spop (v2sf);
	s0 =	simm.s32 $0x2;
	[tilespmem:v17+s22+$0x0] =	vst.idx.add.s32.msk vm2, v59;
	v10 =	vmov v15  }
.LBB2_16:
0x1e1: {  	p0 =	sne.s32 s2, $0x100;
	[tilespmem:v3+s23+$0x0] =	vst.idx.add.s32.msk vm0, v11;
	v3 =	vmov v12;
	s3 =	smov.u32 s2;
	s2 =	sadd.s32 $0x1, s2  }
0x1e2: {  	[tilespmem:v4+s24+$0x0] =	vst.idx.add.s32.msk vm1, v13;
	v4 =	vmov v14  }
0x1e3: {  	v11 =	vld.idx.msk [tilespmem:v15+s22+$0x0], $0xffff  }
0x1e4: {  	v13 =	vld.idx.msk [tilespmem:v9+s21+$0x0], $0xffff  }
0x1e5: {  	s4 =	smin.u32 s0, $0xFF;
	s0 =	smov.u32 s3;
	v12 =	vld.idx.msk [tilespmem:v12+s23+$0x0], $0xffff  }
0x1e6: {  	s3 =	sshll.u32 s4, $0x4;
	v14 =	vld.idx.msk [tilespmem:v14+s24+$0x0], $0xffff  }
0x1e7: {  	v16 =	vld [tilespmem:s3+$0x4000]  }
0x1e8: {  	v17 =	vld [tilespmem:s3+$0x5000];
	_, v18, vm2 =	vpop (xrf1)  }
0x1e9: {  	v19 =	vld [tilespmem:s3+$0x6000];
	_, v20, vm3 =	vpop (xrf1)  }
0x1ea: {  	v21 =	vadd.s32 v18, v13;
	v22 =	vadd.s32 v20, v11;
	v23 =	vld [tilespmem:s3+$0x7000];
	_, v11, vm0 =	vpop (xrf1)  }
0x1eb: {  	v24 =	vadd.s32 v11, v12;
	_, v13, vm1 =	vpop (xrf1)  }
0x1ec: {  	v12 =	vshrl.u32 v16, $0xC;
	v25 =	vadd.s32 v13, v14  }
0x1ed: {  	v26 =	vand.u32 $0xFF, v12;
	v12 =	vshrl.u32 v17, $0xC  }
0x1ee: {  	v15 =	vand.u32 $0xFF, v12;
	v12 =	vshrl.u32 v19, $0xC;
	(xrf1) =	vunique.msk.u32 $0xffff, v26  }
0x1ef: {  	v12 =	vand.u32 $0xFF, v12;
	v14 =	vshrl.u32 v23, $0xC;
	(xrf1) =	vunique.msk.u32 $0xffff, v15;
	[tilespmem:v21+s25+$0x0] =	vst.idx.msk $0xffff, v5;
	v5 =	vmovc v16  }
.Ltmp7:
0x1f0: {  	v14 =	vand.u32 $0xFF, v14;
	(xrf1) =	vunique.msk.u32 $0xffff, v12;
	[tilespmem:v22+s25+$0x0] =	vst.idx.msk $0xffff, v6;
	v6 =	vmov v17;
	(pc) =	sbr.rel @p0 .LBB2_16-.Ltmp7, $4  }
0x1f1: {  	(xrf1) =	vunique.msk.u32 $0xffff, v14;
	[tilespmem:v24+s25+$0x0] =	vst.idx.msk $0xffff, v7;
	v7 =	vmov v19  }
0x1f2: {  	[tilespmem:v25+s25+$0x0] =	vst.idx.msk $0xffff, v8;
	v8 =	vmov v23  }
0x1f3: {  	[tilespmem:v9+s21+$0x0] =	vst.idx.add.s32.msk vm2, v18;
	v9 =	vmov v26  }
0x1f4: {  	[tilespmem:v10+s22+$0x0] =	vst.idx.add.s32.msk vm3, v20;
	v10 =	vmov v15  }
0x1f5: {  	_ =	sdelay $0x4  }
0x1f6: {  	[tilespmem:v3+s23+$0x0] =	vst.idx.add.s32.msk vm0, v11  }
0x1f7: {  	[tilespmem:v4+s24+$0x0] =	vst.idx.add.s32.msk vm1, v13  }
0x1f8: {  	v3 =	vld.idx.msk [tilespmem:v9+s21+$0x0], $0xffff  }
0x1f9: {  	v4 =	vld.idx.msk [tilespmem:v15+s22+$0x0], $0xffff  }
0x1fa: {  	v11 =	vld.idx.msk [tilespmem:v12+s23+$0x0], $0xffff  }
0x1fb: {  	v13 =	vld.idx.msk [tilespmem:v14+s24+$0x0], $0xffff  }
0x1fc: {  	_, v15, vm14 =	vpop (xrf1)  }
0x1fd: {  	_, v16, vm15 =	vpop (xrf1);
	v3 =	vadd.s32 v15, v3  }
0x1fe: {  	v4 =	vadd.s32 v16, v4;
	_, v17, vm2 =	vpop (xrf1)  }
0x1ff: {  	v11 =	vadd.s32 v17, v11;
	_, v18, vm3 =	vpop (xrf1)  }
0x200: {  	v13 =	vadd.s32 v18, v13;
	_ =	sdelay $0x1  }
0x201: {  	[tilespmem:v3+s25+$0x0] =	vst.idx.msk $0xffff, v5  }
0x202: {  	[tilespmem:v4+s25+$0x0] =	vst.idx.msk $0xffff, v6  }
0x203: {  	[tilespmem:v11+s25+$0x0] =	vst.idx.msk $0xffff, v7  }
0x204: {  	[tilespmem:v13+s25+$0x0] =	vst.idx.msk $0xffff, v8  }
0x205: {  	[tilespmem:v9+s21+$0x0] =	vst.idx.add.s32.msk vm14, v15  }
0x206: {  	[tilespmem:v10+s22+$0x0] =	vst.idx.add.s32.msk vm15, v16  }
0x207: {  	[tilespmem:v12+s23+$0x0] =	vst.idx.add.s32.msk vm2, v17  }
0x208: {  	s0 =	simm.s32 $0x300;
	[tilespmem:v14+s24+$0x0] =	vst.idx.add.s32.msk vm3, v18  }
0x209: {  	v11 =	vld [tilespmem:s0+$0x14C00]  }
0x20a: {  	v18 =	vld [tilespmem:s0+$0x14000]  }
0x20b: {  	v20 =	vld [tilespmem:s0+$0x14400]  }
0x20c: {  	s16 =	simm.s32 $0x310;
	v12 =	vld [tilespmem:s0+$0x14800]  }
0x20d: {  	v3 =	vld [tilespmem:s16+$0x14C00]  }
0x20e: {  	v9 =	vld [tilespmem:s16+$0x14000];
	(xrf0) =	vadd.scan.msk.s32 $0xffff, v11  }
0x20f: {  	v8 =	vld [tilespmem:s16+$0x14400];
	(xrf0) =	vadd.scan.msk.s32 $0xffff, v18  }
0x210: {  	v7 =	vld [tilespmem:s16+$0x14800];
	(xrf0) =	vadd.scan.msk.s32 $0xffff, v20  }
0x211: {  	(xrf0) =	vadd.scan.msk.s32 $0xffff, v12  }
0x212: {  	(xrf0) =	vadd.scan.msk.s32 $0xffff, v3  }
0x213: {  	(xrf0) =	vadd.scan.msk.s32 $0xffff, v9  }
0x214: {  	v19, _, _ =	vpop (xrf0);
	(xrf0) =	vadd.scan.msk.s32 $0xffff, v8  }
0x215: {  	v21, _, _ =	vpop (xrf0);
	(v2sf) =	vpush v19, $0xF;
	(xrf0) =	vadd.scan.msk.s32 $0xffff, v7  }
0x216: {  	v17, _, _ =	vpop (xrf0);
	(v2sf) =	vpush v21, $0xF  }
0x217: {  	v15, _, _ =	vpop (xrf0);
	(v2sf) =	vpush v17, $0xF  }
0x218: {  	(v2sf) =	vpush v15, $0xF;
	v10, _, _ =	vpop (xrf0)  }
0x219: {  	v13, _, _ =	vpop (xrf0);
	(v2sf) =	vpush v10, $0xF  }
0x21a: {  	(v2sf) =	vpush v13, $0xF;
	v14, _, _ =	vpop (xrf0)  }
0x21b: {  	s15 =	simm.s32 $0x320;
	(v2sf) =	vpush v14, $0xF;
	v16, _, _ =	vpop (xrf0)  }
0x21c: {  	v4 =	vld [tilespmem:s15+$0x14C00];
	(v2sf) =	vpush v16, $0xF  }
0x21d: {  	s31 =	simm.s32 $0x0;
	v5 =	vld [tilespmem:s15+$0x14000]  }
0x21e: {  	v6 =	vld [tilespmem:s15+$0x14400];
	v11 =	vsub.s32 s31, v11  }
0x21f: {  	v22 =	vsub.s32 s31, v18;
	v18 =	vadd.s32 v19, v11;
	v11 =	vld [tilespmem:s15+$0x14800];
	_ =	sdelay $0x1  }
0x220: {  	(xrf0) =	vadd.scan.msk.s32 $0xffff, v4  }
0x221: {  	s30 =	simm.s32 $0x330;
	s5 =	simm.s32 $0xD00;
	(xrf0) =	vadd.scan.msk.s32 $0xffff, v5  }
0x222: {  	s2 =	simm.s32 $0x0;
	s4 =	simm.s32 $0x0;
	s3 =	simm.s32 $0x0;
	v20 =	vsub.s32 s31, v20;
	v19 =	vadd.s32 v21, v22;
	(xrf0) =	vadd.scan.msk.s32 $0xffff, v6  }
.LBB2_18:
0x223: {  	p0 =	sne.s32 s5, $0xFC0;
	v21 =	vld [tilespmem:s30+$0x14C00];
	(xrf0) =	vadd.scan.msk.s32 $0xffff, v11;
	[tilespmem:s0+$0x14D00] =	vst v19;
	v24 =	vadd.s32 v17, v20;
	v25 =	vsub.s32 s31, v12;
	v19 =	vmovc v9  }
0x224: {  	v9 =	vmovc v5;
	v20 =	vmovc v8;
	v8 =	vmov v6;
	v12 =	vmov v7;
	[tilespmem:s0+$0x14E00] =	vst v24;
	v24 =	vadd.s32 v15, v25;
	v5 =	vld [tilespmem:s30+$0x14000]  }
0x225: {  	v7 =	vmovc v11;
	v22 =	vmovc v10;
	v23 =	vmov v13;
	v17 =	vmov v14;
	v15 =	vmov v16;
	v6 =	vld [tilespmem:s30+$0x14400];
	[tilespmem:s0+$0x14F00] =	vst v24  }
.Ltmp8:
0x226: {  	v11 =	vld [tilespmem:s30+$0x14800];
	v10, _, _ =	vpop (xrf0);
	[tilespmem:s0+$0x15000] =	vst v18;
	s6 =	spop (v2sf);
	s0 =	smov.u32 s16;
	(pc) =	sbr.rel @p0 .LBB2_18-.Ltmp8, $4  }
0x227: {  	s16 =	smov.u32 s15;
	v13, _, _ =	vpop (xrf0);
	(v2sf) =	vpush v10, $0xF;
	s2 =	sadd.s32 s2, s6;
	s6 =	spop (v2sf)  }
0x228: {  	s15 =	smov.u32 s30;
	(xrf0) =	vadd.scan.msk.s32 $0xffff, v21;
	(v2sf) =	vpush v13, $0xF;
	v14, _, _ =	vpop (xrf0);
	v18 =	vsub.s32 s2, v3;
	s4 =	sadd.s32 s4, s6;
	s6 =	spop (v2sf);
	v3 =	vmov v4  }
0x229: {  	(xrf0) =	vadd.scan.msk.s32 $0xffff, v5;
	(v2sf) =	vpush v14, $0xF;
	v16, _, _ =	vpop (xrf0);
	v24 =	vsub.s32 s4, v19;
	v18 =	vadd.s32 v22, v18;
	s3 =	sadd.s32 s3, s6;
	s6 =	spop (v2sf)  }
0x22a: {  	s30 =	sshra.s32 s5, $0x2;
	s5 =	sadd.s32 $0x40, s5;
	v4 =	vmovc v21;
	(xrf0) =	vadd.scan.msk.s32 $0xffff, v6;
	(v2sf) =	vpush v16, $0xF;
	v19 =	vadd.s32 v23, v24;
	v20 =	vsub.s32 s3, v20;
	s31 =	sadd.s32 s31, s6  }
0x22b: {  	(xrf0) =	vadd.scan.msk.s32 $0xffff, v11;
	_ =	sdelay $0x2  }
0x22c: {  	v21, _, _ =	vpop (xrf0)  }
0x22d: {  	v22, _, _ =	vpop (xrf0);
	(v2sf) =	vpush v21, $0xF  }
0x22e: {  	(v2sf) =	vpush v22, $0xF;
	v23, _, _ =	vpop (xrf0)  }
0x22f: {  	(v2sf) =	vpush v23, $0xF;
	v24, _, _ =	vpop (xrf0)  }
0x230: {  	(v2sf) =	vpush v24, $0xF;
	_ =	sdelay $0x2  }
0x231: {  	v25 =	vld [tilespmem:s30+$0x14C00];
	[tilespmem:s0+$0x14D00] =	vst v19;
	v17 =	vadd.s32 v17, v20;
	v12 =	vsub.s32 s31, v12;
	s5 =	spop (v2sf)  }
0x232: {  	v19 =	vld [tilespmem:s30+$0x14000];
	[tilespmem:s0+$0x14E00] =	vst v17;
	v12 =	vadd.s32 v15, v12;
	s6 =	spop (v2sf)  }
0x233: {  	s2 =	sadd.s32 s2, s5;
	v15 =	vld [tilespmem:s30+$0x14400];
	[tilespmem:s0+$0x14F00] =	vst v12;
	s7 =	spop (v2sf)  }
0x234: {  	s4 =	sadd.s32 s4, s6;
	v3 =	vsub.s32 s2, v3;
	v12 =	vld [tilespmem:s30+$0x14800];
	s3 =	sadd.s32 s3, s7;
	s7 =	spop (v2sf)  }
0x235: {  	v9 =	vsub.s32 s4, v9;
	[tilespmem:s0+$0x15000] =	vst v18;
	v3 =	vadd.s32 v10, v3;
	s6 =	spop (v2sf)  }
0x236: {  	v9 =	vadd.s32 v13, v9;
	v8 =	vsub.s32 s3, v8;
	s0 =	sadd.s32 s31, s7;
	[tilespmem:s16+$0x15000] =	vst v3;
	(xrf0) =	vadd.scan.msk.s32 $0xffff, v25;
	s31 =	spop (v2sf)  }
0x237: {  	[tilespmem:s16+$0x14D00] =	vst v9;
	v8 =	vadd.s32 v14, v8;
	v7 =	vsub.s32 s0, v7;
	(xrf0) =	vadd.scan.msk.s32 $0xffff, v19;
	s4 =	sadd.s32 s4, s31;
	s7 =	spop (v2sf)  }
0x238: {  	[tilespmem:s16+$0x14E00] =	vst v8;
	v7 =	vadd.s32 v16, v7;
	(xrf0) =	vadd.scan.msk.s32 $0xffff, v15;
	v5 =	vsub.s32 s4, v5;
	s3 =	sadd.s32 s3, s7;
	s31 =	spop (v2sf)  }
0x239: {  	[tilespmem:s16+$0x14F00] =	vst v7;
	(xrf0) =	vadd.scan.msk.s32 $0xffff, v12;
	v3 =	vadd.s32 v22, v5;
	v5 =	vsub.s32 s3, v6;
	s0 =	sadd.s32 s0, s31  }
0x23a: {  	[tilespmem:s15+$0x14D00] =	vst v3;
	v3 =	vadd.s32 v23, v5;
	v5 =	vsub.s32 s0, v11;
	s5 =	spop (v2sf)  }
0x23b: {  	s2 =	sadd.s32 s2, s6;
	s7 =	spop (v2sf)  }
0x23c: {  	v4 =	vsub.s32 s2, v4;
	v6, _, _ =	vpop (xrf0);
	[tilespmem:s15+$0x14E00] =	vst v3;
	v3 =	vadd.s32 v24, v5;
	s4 =	sadd.s32 s4, s7;
	s16 =	spop (v2sf)  }
0x23d: {  	v4 =	vadd.s32 v21, v4;
	[tilespmem:s15+$0x14F00] =	vst v3;
	v5, _, _ =	vpop (xrf0);
	v3 =	vsub.s32 s4, v19;
	s3 =	sadd.s32 s3, s16;
	s31 =	spop (v2sf)  }
0x23e: {  	[tilespmem:s15+$0x15000] =	vst v4;
	v7, _, _ =	vpop (xrf0);
	v3 =	vadd.s32 v5, v3;
	v4 =	vsub.s32 s3, v15;
	s0 =	sadd.s32 s0, s31  }
0x23f: {  	s2 =	sadd.s32 s2, s5;
	v8, _, _ =	vpop (xrf0);
	[tilespmem:s30+$0x14D00] =	vst v3;
	v3 =	vadd.s32 v7, v4;
	v4 =	vsub.s32 s0, v12  }
0x240: {  	v9 =	vsub.s32 s2, v25;
	[tilespmem:s30+$0x14E00] =	vst v3;
	v3 =	vadd.s32 v8, v4  }
0x241: {  	v4 =	vadd.s32 v6, v9;
	[tilespmem:s30+$0x14F00] =	vst v3  }
0x242: {  	[tilespmem:s30+$0x15000] =	vst v4  }
0x243: {  	v4 =	vld [tilespmem:$0x8000]  }
0x244: {  	v10 =	vld [tilespmem:$0x9000]  }
0x245: {  	v11 =	vld [tilespmem:$0xA000]  }
0x246: {  	v12 =	vld [tilespmem:$0xB000];
	_ =	sdelay $0x1  }
0x247: {  	v3 =	vshrl.u32 v4, $0x14  }
0x248: {  	v13 =	vand.u32 $0xFF, v3;
	v3 =	vshrl.u32 v10, $0x14  }
0x249: {  	v14 =	vand.u32 $0xFF, v3;
	v3 =	vshrl.u32 v11, $0x14;
	(xrf1) =	vunique.msk.u32 $0xffff, v13  }
0x24a: {  	v9 =	vshrl.u32 v12, $0x14;
	v15 =	vand.u32 $0xFF, v3;
	(xrf1) =	vunique.msk.u32 $0xffff, v14  }
0x24b: {  	v3 =	vand.u32 $0xFF, v9;
	(xrf1) =	vunique.msk.u32 $0xffff, v15  }
0x24c: {  	(xrf1) =	vunique.msk.u32 $0xffff, v3;
	_ =	sdelay $0x6  }
0x24d: {  	v9 =	vld.idx.msk [tilespmem:v13+s21+$0x0], $0xffff  }
0x24e: {  	v54 =	vld.idx.msk [tilespmem:v14+s22+$0x0], $0xffff  }
0x24f: {  	v17 =	vld.idx.msk [tilespmem:v15+s23+$0x0], $0xffff  }
0x250: {  	v18 =	vld.idx.msk [tilespmem:v3+s24+$0x0], $0xffff  }
0x251: {  	_, v55, vm3 =	vpop (xrf1)  }
0x252: {  	(v2sf) =	vpush v6, $0xF;
	v6 =	vadd.s32 v55, v9;
	_, v56, vm2 =	vpop (xrf1)  }
0x253: {  	(v2sf) =	vpush v5, $0xF;
	v5 =	vcvt.s32.f32 v6;
	v6 =	vadd.s32 v56, v54;
	_, v57, vm1 =	vpop (xrf1)  }
0x254: {  	(v2sf) =	vpush v7, $0xF;
	v6 =	vcvt.s32.f32 v6;
	v7 =	vadd.s32 v57, v17;
	_, v9, vm0 =	vpop (xrf1)  }
0x255: {  	v7 =	vcvt.s32.f32 v7;
	v58 =	vadd.s32 v9, v18;
	(erf) = vrcp.f32 v5  }
0x256: {  	v5 =	vcvt.s32.f32 v58;
	(erf) = vrcp.f32 v6  }
0x257: {  	s6 =	simm.s32 $0x1;
	(v2sf) =	vpush v8, $0xF;
	(erf) = vrcp.f32 v7  }
0x258: {  	s0 =	smin.u32 s6, $0xFF;
	(erf) = vrcp.f32 v5  }
0x259: {  	s0 =	sshll.u32 s0, $0x4  }
0x25a: {  	v4 =	vand.u32 $0xFFF, v4;
	v6 =	vld [tilespmem:s0+$0x8000];
	v5 =	vand.u32 $0xFFF, v10  }
0x25b: {  	v7 =	vand.u32 $0xFFF, v11;
	v10 =	vld [tilespmem:s0+$0x9000];
	v5 =	vor.u32 $0x1000, v5  }
0x25c: {  	v8 =	vand.u32 $0xFFF, v12;
	v11 =	vld [tilespmem:s0+$0xA000];
	v7 =	vor.u32 $0x2000, v7  }
0x25d: {  	v12 =	vld [tilespmem:s0+$0xB000];
	v8 =	vor.u32 $0x3000, v8  }
0x25e: {  	v59 =	vpop (erf)  }
0x25f: {  	v60 =	vshrl.u32 v6, $0x14;
	[tilespmem:v4+s29+$0x0] =	vst.idx.msk $0xffff, v59;
	v4 =	vpop (erf)  }
0x260: {  	v61 =	vshrl.u32 v10, $0x14;
	[tilespmem:v5+s29+$0x0] =	vst.idx.msk $0xffff, v4;
	v5 =	vpop (erf);
	v4 =	vand.u32 $0xFF, v60  }
0x261: {  	v62 =	vshrl.u32 v11, $0x14;
	[tilespmem:v7+s29+$0x0] =	vst.idx.msk $0xffff, v5;
	v7 =	vpop (erf);
	v5 =	vand.u32 $0xFF, v61;
	(xrf1) =	vunique.msk.u32 $0xffff, v4  }
0x262: {  	v63 =	vshrl.u32 v12, $0x14;
	[tilespmem:v8+s29+$0x0] =	vst.idx.msk $0xffff, v7;
	v7 =	vand.u32 $0xFF, v62;
	(xrf1) =	vunique.msk.u32 $0xffff, v5  }
0x263: {  	s7 =	spop (v2sf);
	v8 =	vand.u32 $0xFFF, v12;
	v12 =	vand.u32 $0xFF, v63;
	(xrf1) =	vunique.msk.u32 $0xffff, v7  }
0x264: {  	s15 =	spop (v2sf);
	[tilespmem:v13+s21+$0x0] =	vst.idx.add.s32.msk vm3, v55;
	(xrf1) =	vunique.msk.u32 $0xffff, v12  }
0x265: {  	s30 =	simm.s32 $0x2;
	s16 =	spop (v2sf);
	[tilespmem:v14+s22+$0x0] =	vst.idx.add.s32.msk vm2, v56  }
0x266: {  	s2 =	smin.u32 s30, $0xFF;
	s31 =	spop (v2sf);
	s0 =	simm.s32 $0x3;
	v11 =	vand.u32 $0xFFF, v11;
	v10 =	vand.u32 $0xFFF, v10;
	[tilespmem:v15+s23+$0x0] =	vst.idx.add.s32.msk vm1, v57  }
.LBB2_20:
0x267: {  	p0 =	sne.s32 s0, $0x100  }
0x268: {  	s3 =	sshll.u32 s2, $0x4;
	[tilespmem:v3+s24+$0x0] =	vst.idx.add.s32.msk vm0, v9;
	v3 =	vmov v12;
	s2 =	smov.u32 s0;
	s0 =	sadd.s32 $0x1, s0  }
0x269: {  	v9 =	vld [tilespmem:s3+$0xB000]  }
0x26a: {  	v12 =	vld.idx.msk [tilespmem:v4+s21+$0x0], $0xffff  }
0x26b: {  	v13 =	vld.idx.msk [tilespmem:v5+s22+$0x0], $0xffff  }
0x26c: {  	v14 =	vld.idx.msk [tilespmem:v7+s23+$0x0], $0xffff  }
0x26d: {  	v15 =	vld.idx.msk [tilespmem:v3+s24+$0x0], $0xffff  }
0x26e: {  	v16 =	vshrl.u32 v9, $0x14;
	v17 =	vand.u32 $0xFFF, v9  }
0x26f: {  	_, v18, vm1 =	vpop (xrf1)  }
0x270: {  	v22 =	vadd.s32 v18, v12;
	_, v19, vm2 =	vpop (xrf1)  }
0x271: {  	v12 =	vcvt.s32.f32 v22;
	v21 =	vadd.s32 v19, v13;
	_, v13, vm3 =	vpop (xrf1)  }
0x272: {  	v20 =	vcvt.s32.f32 v21;
	v14 =	vadd.s32 v13, v14;
	_, v9, vm0 =	vpop (xrf1)  }
0x273: {  	v14 =	vcvt.s32.f32 v14;
	v15 =	vadd.s32 v9, v15;
	(erf) = vrcp.f32 v12  }
0x274: {  	v12 =	vcvt.s32.f32 v15;
	(erf) = vrcp.f32 v20  }
0x275: {  	(erf) = vrcp.f32 v14  }
0x276: {  	v14 =	vld [tilespmem:s3+$0x8000];
	(erf) = vrcp.f32 v12  }
0x277: {  	v12 =	vld [tilespmem:s3+$0x9000]  }
0x278: {  	v20 =	vand.u32 $0xFFF, v6;
	v15 =	vld [tilespmem:s3+$0xA000]  }
0x279: {  	v21 =	vor.u32 $0x1000, v10  }
0x27a: {  	v22 =	vor.u32 $0x2000, v11  }
0x27b: {  	v23 =	vor.u32 $0x3000, v8;
	v8 =	vmovc v17;
	v10 =	vshrl.u32 v14, $0x14;
	v6 =	vmov v14  }
0x27c: {  	v14 =	vand.u32 $0xFF, v10;
	v11 =	vshrl.u32 v12, $0x14;
	v10 =	vand.u32 $0xFFF, v12;
	v12 =	vpop (erf)  }
0x27d: {  	v17 =	vand.u32 $0xFF, v11;
	v11 =	vshrl.u32 v15, $0x14;
	(xrf1) =	vunique.msk.u32 $0xffff, v14;
	[tilespmem:v20+s29+$0x0] =	vst.idx.msk $0xffff, v12;
	v12 =	vpop (erf)  }
0x27e: {  	v20 =	vand.u32 $0xFF, v11;
	v11 =	vand.u32 $0xFFF, v15;
	(xrf1) =	vunique.msk.u32 $0xffff, v17;
	[tilespmem:v21+s29+$0x0] =	vst.idx.msk $0xffff, v12;
	v15 =	vpop (erf)  }
.Ltmp9:
0x27f: {  	v12 =	vand.u32 $0xFF, v16;
	(xrf1) =	vunique.msk.u32 $0xffff, v20;
	[tilespmem:v22+s29+$0x0] =	vst.idx.msk $0xffff, v15;
	v15 =	vpop (erf);
	(pc) =	sbr.rel @p0 .LBB2_20-.Ltmp9, $4  }
0x280: {  	(xrf1) =	vunique.msk.u32 $0xffff, v12;
	[tilespmem:v23+s29+$0x0] =	vst.idx.msk $0xffff, v15  }
0x281: {  	[tilespmem:v4+s21+$0x0] =	vst.idx.add.s32.msk vm1, v18;
	v4 =	vmov v14  }
0x282: {  	[tilespmem:v5+s22+$0x0] =	vst.idx.add.s32.msk vm2, v19;
	v5 =	vmov v17  }
0x283: {  	s2 =	smin.u32 s2, $0xFF;
	[tilespmem:v7+s23+$0x0] =	vst.idx.add.s32.msk vm3, v13;
	v7 =	vmov v20  }
0x284: {  	_ =	sdelay $0x4  }
0x285: {  	[tilespmem:v3+s24+$0x0] =	vst.idx.add.s32.msk vm0, v9  }
0x286: {  	v3 =	vld.idx.msk [tilespmem:v4+s21+$0x0], $0xffff  }
0x287: {  	v9 =	vld.idx.msk [tilespmem:v5+s22+$0x0], $0xffff  }
0x288: {  	v13 =	vld.idx.msk [tilespmem:v7+s23+$0x0], $0xffff  }
0x289: {  	v14 =	vld.idx.msk [tilespmem:v12+s24+$0x0], $0xffff  }
0x28a: {  	_, v15, vm15 =	vpop (xrf1)  }
0x28b: {  	v3 =	vadd.s32 v15, v3;
	_, v16, vm1 =	vpop (xrf1)  }
0x28c: {  	v3 =	vcvt.s32.f32 v3;
	v9 =	vadd.s32 v16, v9;
	_, v17, vm2 =	vpop (xrf1)  }
0x28d: {  	v9 =	vcvt.s32.f32 v9;
	v13 =	vadd.s32 v17, v13;
	_, v18, vm3 =	vpop (xrf1)  }
0x28e: {  	v13 =	vcvt.s32.f32 v13;
	v14 =	vadd.s32 v18, v14;
	(erf) = vrcp.f32 v3  }
0x28f: {  	v3 =	vcvt.s32.f32 v14;
	(erf) = vrcp.f32 v9  }
0x290: {  	(erf) = vrcp.f32 v13  }
0x291: {  	(erf) = vrcp.f32 v3;
	_ =	sdelay $0x1  }
0x292: {  	v3 =	vand.u32 $0xFFF, v6  }
0x293: {  	v61 =	vor.u32 $0x1000, v10  }
0x294: {  	v62 =	vor.u32 $0x2000, v11  }
0x295: {  	v8 =	vor.u32 $0x3000, v8  }
0x296: {  	v63 =	vpop (erf)  }
0x297: {  	[tilespmem:v3+s29+$0x0] =	vst.idx.msk $0xffff, v63;
	v3 =	vpop (erf)  }
0x298: {  	[tilespmem:v61+s29+$0x0] =	vst.idx.msk $0xffff, v3;
	v3 =	vpop (erf)  }
0x299: {  	[tilespmem:v62+s29+$0x0] =	vst.idx.msk $0xffff, v3;
	v3 =	vpop (erf)  }
0x29a: {  	[tilespmem:v8+s29+$0x0] =	vst.idx.msk $0xffff, v3  }
0x29b: {  	[tilespmem:v4+s21+$0x0] =	vst.idx.add.s32.msk vm15, v15  }
0x29c: {  	[tilespmem:v5+s22+$0x0] =	vst.idx.add.s32.msk vm1, v16  }
0x29d: {  	[tilespmem:v7+s23+$0x0] =	vst.idx.add.s32.msk vm2, v17  }
0x29e: {  	s0 =	rddreg [dreg:$0x7];
	[tilespmem:v12+s24+$0x0] =	vst.idx.add.s32.msk vm3, v18  }
0x29f: {  	[hbm4b:s0+s12] =	stream.strided.scatter [tilespmem:s29], [sflag:$0x1], $0x1000, s13, s12, $0x38;
	[tilespmem:$0x15400] =	vst v63  }
0x2a0: {  	s16 =	simm.s32 $0x11000  }
0x2a1: {  	[hbm4b:s8+s12] =	stream.strided.scatter [tilespmem:s16], [sflag:$0x1], $0x1000, s13, s12, $0x38;
	[tilespmem:$0x15400] =	vst v63  }
0x2a2: {  	s30 =	simm.s32 $0x12000  }
0x2a3: {  	[hbm4b:s9+s12] =	stream.strided.scatter [tilespmem:s30], [sflag:$0x1], $0x1000, s13, s12, $0x38;
	[tilespmem:$0x15400] =	vst v63  }
0x2a4: {  	s31 =	simm.s32 $0x13000  }
0x2a5: {  	[hbm4b:s10+s12] =	stream.strided.scatter [tilespmem:s31], [sflag:$0x1], $0x1000, s13, s12, $0x38;
	[tilespmem:$0x15400] =	vst v63  }
0x2a6: {  	_ =	swait.ge [sflag:s1], $0x1000  }
0x2a7: {  	[sflag:s1] =	ssyncset.done $0x0  }
0x2a8: {  	[sflag:s1] =	ssyncadd.s32 $0xFFFFF000  }
0x2a9: {  	_ =	swait.ge [sflag:s1], $0x1000  }
0x2aa: {  	[sflag:s1] =	ssyncset.done $0x0  }
0x2ab: {  	s14 =	sadd.s32 $0x1, s14;
	[sflag:s1] =	ssyncadd.s32 $0xFFFFF000  }
0x2ac: {  	p0 =	sne.s32 s14, s11;
	_ =	swait.ge [sflag:s1], $0x1000  }
.Ltmp10:
0x2ad: {  	[sflag:s1] =	ssyncset.done $0x0;
	(pc) =	sbr.rel @p0 .LBB2_1-.Ltmp10, $4  }
0x2ae: {  	[sflag:s1] =	ssyncadd.s32 $0xFFFFF000  }
0x2af: {  	_ =	swait.ge [sflag:s1], $0x1000  }
0x2b0: {  	[sflag:s1] =	ssyncset.done $0x0  }
0x2b1: {  	[sflag:s1] =	ssyncadd.s32 $0xFFFFF000  }
0x2b2: {  	_ =	sfence.sel $0x180000  }
0x2b3: {  	[bflag:$0x0] =	sbarrier.arrive $0xFFFF  }
0x2b4: {  	_ =	strace $0x90000047  }
0x2b5: {  	s0 =	stileid.u32;
	[bflag:$0x2] =	sbarrier.arrive $0xFFFF  }
0x2b6: {  	p0 =	sne.s32 s0, $0x0;
	s0 =	rddreg [dreg:$0x2]  }
0x2b7: {  	s0 =	sadd.s32 @!p0 $0x100000, s0  }
0x2b8: {  	[sflag:s0] =	ssyncadd.tile.s32 @!p0 $0x1;
	_ =	shalt  }
.Lfunc_end2:
_tile_overlayer_lowered:
.L_overlay_start_2:
0x2b9: {  	(tag) =	ssettag $0x2  }
0x2ba: {  	s0 =	rddreg [dreg:$0x0];
	s2 =	stileid.u32  }
0x2bb: {  	s1 =	rddreg [dreg:$0x1];
	p0 =	sne.s32 s2, $0x0  }
0x2bc: {  	s3 =	rddreg [dreg:$0x2];
	[bflag:$0x3] =	sbarrier.arrive $0xFFFF;
	s2 =	simm.s32 @!p0 $0x1C02  }
0x2bd: {  	[timem:s3], [sflag:s2] =	dma.local @!p0 [hbm:s0], s1  }
0x2be: {  	s0 =	simm.s32 @!p0 $0x2  }
0x2bf: {  	_ =	swait.ge @!p0 [sflag:s0], s1  }
0x2c0: {  	s1 =	ssub.s32 @!p0 $0x0, s1;
	[sflag:s0] =	ssyncset.done @!p0 $0x0  }
0x2c1: {  	[sflag:s0] =	ssyncadd.s32 @!p0 s1  }
0x2c2: {  	[bflag:$0x3] =	sbarrier.arrive $0xFFFF  }
0x2c3: {  	_ =	shalt  }

</sc_bundles>
